<compile_context>
chip_gen: v7x
topology: tpu7x:2x2x1
jax: 0.10.2.dev20260603
libtpu: 0.0.44.dev20260713+nightly
codegen_flags: <defaults>
</compile_context>

<pallas_src>
import functools

import jax
import jax.numpy as jnp
from jax import lax
from jax.experimental import pallas as pl
from jax.experimental.pallas import tpu as pltpu
from jax.experimental.pallas import tpu_sc as plsc

N = 4096
E = 131072
IN_FEAT = 256
N_HID = 128
N_CLASS = 64
DIM_LLMS = 1024

RB = 256
GRID = N // RB
SC_CH = 128
NW = 32
EPW = E // NW


def _sc_mesh():
    return plsc.VectorSubcoreMesh(core_axis_name="c", subcore_axis_name="s")


DEG_W = 128


def _sc_degrees(src2, dst2, e0_rows, e1_rows, z128):
    @functools.partial(
        pl.kernel,
        out_type=jax.ShapeDtypeStruct((2 * N, DEG_W), jnp.float32),
        mesh=_sc_mesh(),
        scratch_types=(
            [pltpu.VMEM((SC_CH,), jnp.int32)] * (2 * NBUF)
            + [pltpu.VMEM((SC_CH, DEG_W), jnp.float32)] * 2
            + [pltpu.SemaphoreType.DMA] * (2 * NBUF)
            + [pltpu.VMEM_SHARED((N, DEG_W), jnp.float32)]
        ),
    )
    def deg_kernel(src_hbm, dst_hbm, e0_hbm, e1_hbm, z_hbm, deg_hbm, *scr):
        sidx = scr[0:NBUF]
        didx = scr[NBUF:2 * NBUF]
        e0_v, e1_v = scr[2 * NBUF], scr[2 * NBUF + 1]
        isrc = scr[2 * NBUF + 2:3 * NBUF + 2]
        idst = scr[3 * NBUF + 2:4 * NBUF + 2]
        acc = scr[4 * NBUF + 2]
        cid = lax.axis_index("c")
        sid = lax.axis_index("s")
        wid = sid * 2 + cid
        rows = N // 16
        pltpu.sync_copy(z_hbm.at[pl.ds(sid * rows, rows)],
                        acc.at[pl.ds(sid * rows, rows)])
        pltpu.sync_copy(e0_hbm, e0_v)
        pltpu.sync_copy(e1_hbm, e1_v)
        plsc.subcore_barrier()
        base = wid * EPW

        @pl.loop(0, NCHUNK // NBUF)
        def _(g):
            start = base + g * (NBUF * SC_CH)
            icopies = []
            for b in range(NBUF):
                off = start + b * SC_CH
                c1 = pltpu.async_copy(src_hbm.at[pl.ds(off, SC_CH)],
                                      sidx[b], isrc[b])
                c2 = pltpu.async_copy(dst_hbm.at[pl.ds(off, SC_CH)],
                                      didx[b], idst[b])
                icopies.append((c1, c2))
            for b in range(NBUF):
                icopies[b][0].wait()
                pltpu.sync_copy(e0_v, acc.at[sidx[b]], add=True)
                icopies[b][1].wait()
                pltpu.sync_copy(e1_v, acc.at[didx[b]], add=True)

        plsc.subcore_barrier()
        pltpu.sync_copy(acc.at[pl.ds(sid * rows, rows)],
                        deg_hbm.at[pl.ds(cid * N + sid * rows, rows)])

    return deg_kernel(src2, dst2, e0_rows, e1_rows, z128)


NCHUNK = EPW // SC_CH
NBUF = 4


def _sc_segment_sum(mrows, src2, dst2, zD, D=N_HID):
    @functools.partial(
        pl.kernel,
        out_type=jax.ShapeDtypeStruct((2 * N, D), jnp.float32),
        mesh=_sc_mesh(),
        scratch_types=(
            [pltpu.VMEM((SC_CH,), jnp.int32)] * NBUF
            + [pltpu.VMEM((SC_CH,), jnp.int32)] * NBUF
            + [pltpu.VMEM((SC_CH, D), jnp.float32)] * NBUF
            + [pltpu.SemaphoreType.DMA] * (3 * NBUF)
            + [pltpu.VMEM_SHARED((N, D), jnp.float32)]
        ),
    )
    def seg_kernel(m_hbm, src_hbm, dst_hbm, z_hbm, out_hbm, *scr):
        sidx = scr[0:NBUF]
        didx = scr[NBUF:2 * NBUF]
        rbuf = scr[2 * NBUF:3 * NBUF]
        isrc = scr[3 * NBUF:4 * NBUF]
        idst = scr[4 * NBUF:5 * NBUF]
        gsem = scr[5 * NBUF:6 * NBUF]
        acc = scr[6 * NBUF]
        cid = lax.axis_index("c")
        sid = lax.axis_index("s")
        wid = sid * 2 + cid
        rows = N // 16
        pltpu.sync_copy(z_hbm.at[pl.ds(sid * rows, rows)],
                        acc.at[pl.ds(sid * rows, rows)])
        plsc.subcore_barrier()
        base = wid * EPW

        @pl.loop(0, NCHUNK // NBUF)
        def _(g):
            start = base + g * (NBUF * SC_CH)
            icopies = []
            for b in range(NBUF):
                off = start + b * SC_CH
                c1 = pltpu.async_copy(src_hbm.at[pl.ds(off, SC_CH)],
                                      sidx[b], isrc[b])
                c2 = pltpu.async_copy(dst_hbm.at[pl.ds(off, SC_CH)],
                                      didx[b], idst[b])
                icopies.append((c1, c2))
            gathers = []
            for b in range(NBUF):
                icopies[b][0].wait()
                gathers.append(
                    pltpu.async_copy(m_hbm.at[sidx[b]], rbuf[b], gsem[b]))
            for b in range(NBUF):
                gathers[b].wait()
                icopies[b][1].wait()
                pltpu.sync_copy(rbuf[b], acc.at[didx[b]], add=True)

        plsc.subcore_barrier()
        pltpu.sync_copy(acc.at[pl.ds(sid * rows, rows)],
                        out_hbm.at[pl.ds(cid * N + sid * rows, rows)])

    return seg_kernel(mrows, src2, dst2, zD)


def _fusion_body(xl_ref, x_ref, Wl_ref, bl_ref, aA1_ref, ab1_ref, aA2_ref,
                 Wc1_ref, out_ref):
    xb = x_ref[...]
    n_t = jnp.dot(xl_ref[...].astype(jnp.bfloat16),
                  Wl_ref[...].astype(jnp.bfloat16),
                  preferred_element_type=jnp.float32) + bl_ref[...]
    aA1 = aA1_ref[...]
    ab1 = ab1_ref[...]
    aA2 = aA2_ref[...]
    w1 = jnp.sum(jnp.maximum(jnp.dot(xb, aA1,
                                     preferred_element_type=jnp.float32)
                             + ab1, 0.0) * aA2, axis=1, keepdims=True)
    w2 = jnp.sum(jnp.maximum(jnp.dot(n_t, aA1,
                                     preferred_element_type=jnp.float32)
                             + ab1, 0.0) * aA2, axis=1, keepdims=True)
    m = jnp.maximum(w1, w2)
    e1 = jnp.exp(w1 - m)
    e2 = jnp.exp(w2 - m)
    h0 = (e1 * xb + e2 * n_t) / (e1 + e2)
    out_ref[...] = jnp.dot(h0, Wc1_ref[...],
                           preferred_element_type=jnp.float32)


def _fusion_call(x, xl, Wl, bl, aA1, ab1, aA2, Wc1):
    return pl.pallas_call(
        _fusion_body,
        grid=(GRID,),
        in_specs=[
            pl.BlockSpec((RB, DIM_LLMS), lambda i: (i, 0)),
            pl.BlockSpec((RB, IN_FEAT), lambda i: (i, 0)),
            pl.BlockSpec((DIM_LLMS, IN_FEAT), lambda i: (0, 0)),
            pl.BlockSpec((1, IN_FEAT), lambda i: (0, 0)),
            pl.BlockSpec((IN_FEAT, 64), lambda i: (0, 0)),
            pl.BlockSpec((1, 64), lambda i: (0, 0)),
            pl.BlockSpec((1, 64), lambda i: (0, 0)),
            pl.BlockSpec((IN_FEAT, N_HID), lambda i: (0, 0)),
        ],
        out_specs=pl.BlockSpec((RB, N_HID), lambda i: (i, 0)),
        out_shape=jax.ShapeDtypeStruct((N, N_HID), jnp.float32),
    )(xl, x, Wl, bl, aA1, ab1, aA2, Wc1)


def _scale_body(p_ref, deg_ref, out_ref):
    i = pl.program_id(0)
    dsum = (deg_ref[pl.ds(i * RB, RB), 0:1]
            + deg_ref[pl.ds(N + i * RB, RB), 0:1])
    out_ref[...] = p_ref[...] * lax.rsqrt(jnp.maximum(dsum, 1.0))


def _scale_call(p1, deg_p):
    return pl.pallas_call(
        _scale_body,
        grid=(GRID,),
        in_specs=[
            pl.BlockSpec((RB, N_HID), lambda i: (i, 0)),
            pl.BlockSpec((2 * N, DEG_W), lambda i: (0, 0)),
        ],
        out_specs=pl.BlockSpec((RB, N_HID), lambda i: (i, 0)),
        out_shape=jax.ShapeDtypeStruct((N, N_HID), jnp.float32),
    )(p1, deg_p)


def _crd_body(parts_ref, deg_ref, bc1_ref,
              Wq_ref, bq_ref, Wk_ref, bk_ref, Wv_ref, bv_ref,
              Wd_ref, bd_ref, lnw_ref, lnb_ref, Wc2_ref,
              out_ref, X_scr, KT_scr, V_scr):
    i = pl.program_id(0)

    @pl.when(i == 0)
    def _():
        din = deg_ref[0:N, 1:2] + deg_ref[N:2 * N, 1:2]
        s_in = lax.rsqrt(jnp.maximum(din, 1.0))
        X = (parts_ref[0:N, :] + parts_ref[N:2 * N, :]) * s_in + bc1_ref[...]
        X_scr[...] = X
        K = jnp.dot(X, Wk_ref[...],
                    preferred_element_type=jnp.float32) + bk_ref[...]
        KT_scr[...] = K.T.astype(jnp.bfloat16)
        V_scr[...] = (jnp.dot(X, Wv_ref[...],
                              preferred_element_type=jnp.float32)
                      + bv_ref[...]).astype(jnp.bfloat16)

    xb = X_scr[pl.ds(i * RB, RB), :]
    q = jnp.dot(xb, Wq_ref[...],
                preferred_element_type=jnp.float32) + bq_ref[...]
    KT = KT_scr[...]
    V = V_scr[...]
    col = lax.broadcasted_iota(jnp.int32, (1, N_HID), 1) // 32
    scale = 1.0 / (32.0 ** 0.5)
    ctx = jnp.zeros((RB, N_HID), jnp.float32)
    for h in range(4):
        mask = (col == h)
        qm = (jnp.where(mask, q, 0.0) * scale).astype(jnp.bfloat16)
        s = jnp.dot(qm, KT, preferred_element_type=jnp.float32)
        mrow = jnp.max(s, axis=1, keepdims=True)
        p = jnp.exp((s - mrow).astype(jnp.bfloat16))
        denom = jnp.sum(p, axis=1, keepdims=True, dtype=jnp.float32)
        pv = jnp.dot(p, V, preferred_element_type=jnp.float32)
        ctx = ctx + jnp.where(mask, pv / denom, 0.0)
    o = jnp.dot(ctx, Wd_ref[...],
                preferred_element_type=jnp.float32) + bd_ref[...] + xb
    mu = jnp.mean(o, axis=1, keepdims=True)
    var = jnp.mean((o - mu) ** 2, axis=1, keepdims=True)
    o = lnw_ref[...] * ((o - mu) * lax.rsqrt(var + 1e-12)) + lnb_ref[...]
    o = jnp.maximum(o, 0.0)
    dsum = (deg_ref[pl.ds(i * RB, RB), 0:1]
            + deg_ref[pl.ds(N + i * RB, RB), 0:1])
    s_out = lax.rsqrt(jnp.maximum(dsum, 1.0))
    m2 = jnp.dot(o, Wc2_ref[...],
                 preferred_element_type=jnp.float32) * s_out
    out_ref[...] = jnp.concatenate(
        [m2, jnp.zeros((RB, N_HID - N_CLASS), jnp.float32)], axis=1)


def _crd_call(parts, deg_p, bc1, Wq, bq, Wk, bk, Wv, bv,
              Wd, bd, lnw, lnb, Wc2):
    full = lambda shape: pl.BlockSpec(shape, lambda i: tuple(0 for _ in shape))
    return pl.pallas_call(
        _crd_body,
        grid=(GRID,),
        in_specs=[
            full((2 * N, N_HID)),
            full((2 * N, DEG_W)),
            full((1, N_HID)),
            full((N_HID, N_HID)), full((1, N_HID)),
            full((N_HID, N_HID)), full((1, N_HID)),
            full((N_HID, N_HID)), full((1, N_HID)),
            full((N_HID, N_HID)), full((1, N_HID)),
            full((1, N_HID)), full((1, N_HID)),
            full((N_HID, N_CLASS)),
        ],
        out_specs=pl.BlockSpec((RB, N_HID), lambda i: (i, 0)),
        out_shape=jax.ShapeDtypeStruct((N, N_HID), jnp.float32),
        scratch_shapes=[
            pltpu.VMEM((N, N_HID), jnp.float32),
            pltpu.VMEM((N_HID, N), jnp.bfloat16),
            pltpu.VMEM((N, N_HID), jnp.bfloat16),
        ],
    )(parts, deg_p, bc1, Wq, bq, Wk, bk, Wv, bv, Wd, bd,
      lnw, lnb, Wc2)


def _cls_body(parts_ref, deg_ref, bc2_ref,
              Wq_ref, bq_ref, Wk_ref, bk_ref, Wv_ref, bv_ref,
              Wd_ref, bd_ref, lnw_ref, lnb_ref,
              out_ref, X_scr, KT_scr, V_scr):
    i = pl.program_id(0)

    @pl.when(i == 0)
    def _():
        din = deg_ref[0:N, 1:2] + deg_ref[N:2 * N, 1:2]
        s_in = lax.rsqrt(jnp.maximum(din, 1.0))
        X = (parts_ref[0:N, 0:N_CLASS]
             + parts_ref[N:2 * N, 0:N_CLASS]) * s_in + bc2_ref[...]
        X_scr[...] = X
        K = jnp.dot(X, Wk_ref[...],
                    preferred_element_type=jnp.float32) + bk_ref[...]
        KT_scr[...] = K.T.astype(jnp.bfloat16)
        V_scr[...] = (jnp.dot(X, Wv_ref[...],
                              preferred_element_type=jnp.float32)
                      + bv_ref[...]).astype(jnp.bfloat16)

    xb = X_scr[pl.ds(i * RB, RB), :]
    q = jnp.dot(xb, Wq_ref[...],
                preferred_element_type=jnp.float32) + bq_ref[...]
    s = jnp.dot((q * (1.0 / 8.0)).astype(jnp.bfloat16), KT_scr[...],
                preferred_element_type=jnp.float32)
    mrow = jnp.max(s, axis=1, keepdims=True)
    p = jnp.exp((s - mrow).astype(jnp.bfloat16))
    denom = jnp.sum(p, axis=1, keepdims=True, dtype=jnp.float32)
    ctx = jnp.dot(p, V_scr[...],
                  preferred_element_type=jnp.float32) / denom
    o = jnp.dot(ctx, Wd_ref[...],
                preferred_element_type=jnp.float32) + bd_ref[...] + xb
    mu = jnp.mean(o, axis=1, keepdims=True)
    var = jnp.mean((o - mu) ** 2, axis=1, keepdims=True)
    o = lnw_ref[...] * ((o - mu) * lax.rsqrt(var + 1e-12)) + lnb_ref[...]
    mo = jnp.max(o, axis=1, keepdims=True)
    eo = jnp.exp(o - mo)
    out_ref[...] = eo / jnp.sum(eo, axis=1, keepdims=True)


def _cls_call(parts, deg_p, bc2, Wq, bq, Wk, bk, Wv, bv, Wd, bd, lnw, lnb):
    full = lambda shape: pl.BlockSpec(shape, lambda i: tuple(0 for _ in shape))
    return pl.pallas_call(
        _cls_body,
        grid=(GRID,),
        in_specs=[
            full((2 * N, N_HID)),
            full((2 * N, DEG_W)),
            full((1, N_CLASS)),
            full((N_CLASS, N_CLASS)), full((1, N_CLASS)),
            full((N_CLASS, N_CLASS)), full((1, N_CLASS)),
            full((N_CLASS, N_CLASS)), full((1, N_CLASS)),
            full((N_CLASS, N_CLASS)), full((1, N_CLASS)),
            full((1, N_CLASS)), full((1, N_CLASS)),
        ],
        out_specs=pl.BlockSpec((RB, N_CLASS), lambda i: (i, 0)),
        out_shape=jax.ShapeDtypeStruct((N, N_CLASS), jnp.float32),
        scratch_shapes=[
            pltpu.VMEM((N, N_CLASS), jnp.float32),
            pltpu.VMEM((N_CLASS, N), jnp.bfloat16),
            pltpu.VMEM((N, N_CLASS), jnp.bfloat16),
        ],
    )(parts, deg_p, bc2, Wq, bq, Wk, bk, Wv, bv, Wd, bd, lnw, lnb)


def _hyper_body(h_ref, xo_ref, TR_ref, out_ref):
    t = jnp.dot(h_ref[...].astype(jnp.bfloat16),
                xo_ref[...].astype(jnp.bfloat16),
                preferred_element_type=jnp.float32)
    t = jnp.dot(t, TR_ref[...], preferred_element_type=jnp.float32)
    m = jnp.max(t, axis=1, keepdims=True)
    e = jnp.exp(t - m)
    out_ref[...] = e / jnp.sum(e, axis=1, keepdims=True)


def _hyper_call(hyper_adj, x_out, T_R):
    return pl.pallas_call(
        _hyper_body,
        grid=(GRID,),
        in_specs=[
            pl.BlockSpec((RB, N), lambda i: (i, 0)),
            pl.BlockSpec((N, N_CLASS), lambda i: (0, 0)),
            pl.BlockSpec((N_CLASS, IN_FEAT), lambda i: (0, 0)),
        ],
        out_specs=pl.BlockSpec((RB, IN_FEAT), lambda i: (i, 0)),
        out_shape=jax.ShapeDtypeStruct((N, IN_FEAT), jnp.float32),
    )(hyper_adj, x_out, T_R)


def kernel(x, edge_index, xl, hyper_adj, Wl, bl, aA1, ab1, aA2, Wc1, bc1,
           c1_Wq, c1_bq, c1_Wk, c1_bk, c1_Wv, c1_bv, c1_Wd, c1_bd,
           c1_lnw, c1_lnb, Wc2, bc2,
           c2_Wq, c2_bq, c2_Wk, c2_bk, c2_Wv, c2_bv, c2_Wd, c2_bd,
           c2_lnw, c2_lnb, T_R):
    src2 = edge_index[0]
    dst2 = edge_index[1]
    z128 = jnp.zeros((N, N_HID), jnp.float32)
    col = jnp.arange(DEG_W)
    e0_rows = jnp.broadcast_to((col == 0).astype(jnp.float32),
                               (SC_CH, DEG_W))
    e1_rows = jnp.broadcast_to((col == 1).astype(jnp.float32),
                               (SC_CH, DEG_W))
    r = lambda v: v.reshape(1, -1)

    deg_p = _sc_degrees(src2, dst2, e0_rows, e1_rows, z128)
    p1 = _fusion_call(x, xl, Wl, r(bl), aA1, r(ab1), r(aA2), Wc1)
    m1 = _scale_call(p1, deg_p)
    agg1 = _sc_segment_sum(m1, src2, dst2, z128)
    m2 = _crd_call(agg1, deg_p, r(bc1),
                   c1_Wq, r(c1_bq), c1_Wk, r(c1_bk), c1_Wv, r(c1_bv),
                   c1_Wd, r(c1_bd), r(c1_lnw), r(c1_lnb), Wc2)
    agg2 = _sc_segment_sum(m2, src2, dst2, z128)
    x_out = _cls_call(agg2, deg_p, r(bc2),
                      c2_Wq, r(c2_bq), c2_Wk, r(c2_bk), c2_Wv, r(c2_bv),
                      c2_Wd, r(c2_bd), r(c2_lnw), r(c2_lnb))
    hyper_out = _hyper_call(hyper_adj, x_out, T_R)
    return (x_out, hyper_out)

# --- scband reference (transcript-rebuilt; emitter-appended) ---
"""Pipeline reference for scband-improv-gcn-82240033783916 (READ-ONLY COPY).

The authoritative reference and input builder live on the scoring server;
editing this copy changes nothing except your own understanding.
"""

import jax, jax.numpy as jnp
import numpy as np

N = 4096
E = 131072
IN_FEAT = 256
N_HID = 128
N_CLASS = 64
DIM_LLMS = 1024
ATT_HID = 64

FLOAT_NAMES = ['x', 'xl', 'hyper_adj', 'Wl', 'bl', 'aA1', 'ab1', 'aA2', 'Wc1', 'bc1',
               'c1_Wq', 'c1_bq', 'c1_Wk', 'c1_bk', 'c1_Wv', 'c1_bv', 'c1_Wd', 'c1_bd', 'c1_lnw', 'c1_lnb',
               'Wc2', 'bc2',
               'c2_Wq', 'c2_bq', 'c2_Wk', 'c2_bk', 'c2_Wv', 'c2_bv', 'c2_Wd', 'c2_bd', 'c2_lnw', 'c2_lnb',
               'T_R']


def _init(key, shape, scale=0.05):
    return scale * jax.random.normal(key, shape, dtype=jnp.float32)


def setup_inputs(seed: int = 0):
    key = jax.random.key(seed)
    ks = jax.random.split(key, 24)
    p = {}
    p['x'] = jax.random.normal(ks[0], (N, IN_FEAT), dtype=jnp.float32)
    p['edge_index'] = jax.random.randint(ks[1], (2, E), 0, N, dtype=jnp.int32)
    p['xl'] = jax.random.normal(ks[2], (N, DIM_LLMS), dtype=jnp.float32)
    p['hyper_adj'] = jax.random.uniform(ks[3], (N, N), dtype=jnp.float32) / float(N)
    p['Wl'] = _init(ks[4], (DIM_LLMS, IN_FEAT))
    p['bl'] = jnp.zeros((IN_FEAT,), jnp.float32)
    p['aA1'] = _init(ks[5], (IN_FEAT, ATT_HID))
    p['ab1'] = jnp.zeros((ATT_HID,), jnp.float32)
    p['aA2'] = _init(ks[6], (ATT_HID, 1))
    p['Wc1'] = _init(ks[7], (IN_FEAT, N_HID))
    p['bc1'] = jnp.zeros((N_HID,), jnp.float32)
    p['c1_Wq'] = _init(ks[8], (N_HID, N_HID)); p['c1_bq'] = jnp.zeros((N_HID,), jnp.float32)
    p['c1_Wk'] = _init(ks[9], (N_HID, N_HID)); p['c1_bk'] = jnp.zeros((N_HID,), jnp.float32)
    p['c1_Wv'] = _init(ks[10], (N_HID, N_HID)); p['c1_bv'] = jnp.zeros((N_HID,), jnp.float32)
    p['c1_Wd'] = _init(ks[11], (N_HID, N_HID)); p['c1_bd'] = jnp.zeros((N_HID,), jnp.float32)
    p['c1_lnw'] = jnp.ones((N_HID,), jnp.float32); p['c1_lnb'] = jnp.zeros((N_HID,), jnp.float32)
    p['Wc2'] = _init(ks[12], (N_HID, N_CLASS))
    p['bc2'] = jnp.zeros((N_CLASS,), jnp.float32)
    p['c2_Wq'] = _init(ks[13], (N_CLASS, N_CLASS)); p['c2_bq'] = jnp.zeros((N_CLASS,), jnp.float32)
    p['c2_Wk'] = _init(ks[14], (N_CLASS, N_CLASS)); p['c2_bk'] = jnp.zeros((N_CLASS,), jnp.float32)
    p['c2_Wv'] = _init(ks[15], (N_CLASS, N_CLASS)); p['c2_bv'] = jnp.zeros((N_CLASS,), jnp.float32)
    p['c2_Wd'] = _init(ks[16], (N_CLASS, N_CLASS)); p['c2_bd'] = jnp.zeros((N_CLASS,), jnp.float32)
    p['c2_lnw'] = jnp.ones((N_CLASS,), jnp.float32); p['c2_lnb'] = jnp.zeros((N_CLASS,), jnp.float32)
    p['T_R'] = _init(ks[17], (N_CLASS, IN_FEAT))
    return p


def _layernorm(x, w, b, eps=1e-12):
    u = x.mean(-1, keepdims=True)
    s = ((x - u) ** 2).mean(-1, keepdims=True)
    return w * ((x - u) / jnp.sqrt(s + eps)) + b


def _mhsa(x, Wq, bq, Wk, bk, Wv, bv, Wd, bd, lnw, lnb, heads):
    # MultiHead_SelfAttention2 in eval mode (dropout = identity)
    H = x.shape[-1]
    hd = H // heads
    xt = x[None, :, :]
    q = xt @ Wq + bq
    k = xt @ Wk + bk
    v = xt @ Wv + bv
    def sp(t):
        return t.reshape(1, -1, heads, hd).transpose(0, 2, 1, 3)
    q, k, v = sp(q), sp(k), sp(v)
    scores = (q @ k.transpose(0, 1, 3, 2)) / np.sqrt(hd)
    probs = jax.nn.softmax(scores, axis=-1)
    ctx = (probs @ v).transpose(0, 2, 1, 3).reshape(1, -1, H)
    h = ctx @ Wd + bd
    h = _layernorm(h + xt, lnw, lnb)
    return h[0]


def _graph_conv(x, src, dst, W, b):
    # DGL GraphConv with norm='both': D_out^{-1/2} message, sum-agg, D_in^{-1/2}
    n = x.shape[0]
    ones = jnp.ones(src.shape[0], jnp.float32)
    deg_out = jax.ops.segment_sum(ones, src, num_segments=n)
    deg_in = jax.ops.segment_sum(ones, dst, num_segments=n)
    h = x * (1.0 / jnp.sqrt(jnp.clip(deg_out, 1.0)))[:, None]
    h = h @ W
    agg = jax.ops.segment_sum(jnp.take(h, src, axis=0), dst, num_segments=n)
    return agg * (1.0 / jnp.sqrt(jnp.clip(deg_in, 1.0)))[:, None] + b


def _forward(x, xl, hyper_adj, Wl, bl, aA1, ab1, aA2, Wc1, bc1,
             c1_Wq, c1_bq, c1_Wk, c1_bk, c1_Wv, c1_bv, c1_Wd, c1_bd, c1_lnw, c1_lnb,
             Wc2, bc2,
             c2_Wq, c2_bq, c2_Wk, c2_bk, c2_Wv, c2_bv, c2_Wd, c2_bd, c2_lnw, c2_lnb,
             T_R, src, dst):
    # llms_name is a constant not in the rescale list -> no 0.0001 scaling
    n_t = xl @ Wl + bl
    temp = jnp.stack([x, n_t], axis=1)              # [N, 2, in_feat]
    w = jnp.maximum(temp @ aA1 + ab1, 0.0) @ aA2    # [N, 2, 1]
    beta = jax.nn.softmax(w, axis=1)
    h = (beta * temp).sum(axis=1)                   # [N, in_feat]
    # CRD
    h = _graph_conv(h, src, dst, Wc1, bc1)
    h = _mhsa(h, c1_Wq, c1_bq, c1_Wk, c1_bk, c1_Wv, c1_bv, c1_Wd, c1_bd, c1_lnw, c1_lnb, 4)
    h = jnp.maximum(h, 0.0)  # dropout skipped (eval)
    # CLS
    h = _graph_conv(h, src, dst, Wc2, bc2)
    h = _mhsa(h, c2_Wq, c2_bq, c2_Wk, c2_bk, c2_Wv, c2_bv, c2_Wd, c2_bd, c2_lnw, c2_lnb, 1)
    x_out = jax.nn.softmax(h, axis=1)
    hyper1 = hyper_adj @ x_out @ T_R
    hyper_out = jax.nn.softmax(hyper1, axis=1)
    return (x_out, hyper_out)


def reference(x, edge_index, xl, hyper_adj, Wl, bl, aA1, ab1, aA2, Wc1, bc1,
              c1_Wq, c1_bq, c1_Wk, c1_bk, c1_Wv, c1_bv, c1_Wd, c1_bd, c1_lnw, c1_lnb,
              Wc2, bc2,
              c2_Wq, c2_bq, c2_Wk, c2_bk, c2_Wv, c2_bv, c2_Wd, c2_bd, c2_lnw, c2_lnb,
              T_R):
    src = edge_index[0]
    dst = edge_index[1]
    p = {n: v for n, v in locals().items() if n in FLOAT_NAMES}
    floats = [p[n] for n in FLOAT_NAMES]
    return _forward(*floats, src, dst)

if __name__ == "__main__":
    import jax
    _d = setup_inputs()
    print(jax.jit(kernel)(*tuple(_d.values())))

</pallas_src>

<mosaic_0001>
#map = affine_map<(d0, d1) -> (0, 0)>
#map1 = affine_map<(d0, d1) -> (0)>
module attributes {stable_mosaic.version = 14 : i64} {
  func.func @seg_kernel(%arg0: i32, %arg1: i32, %arg2: memref<4096x128xf32, #tpu.memory_space<hbm>>, %arg3: memref<131072xi32, #tpu.memory_space<hbm>>, %arg4: memref<131072xi32, #tpu.memory_space<hbm>>, %arg5: memref<4096x128xf32, #tpu.memory_space<hbm>>, %arg6: memref<8192x128xf32, #tpu.memory_space<hbm>>, %arg7: memref<128xi32, #tpu.memory_space<vmem>>, %arg8: memref<128xi32, #tpu.memory_space<vmem>>, %arg9: memref<128xi32, #tpu.memory_space<vmem>>, %arg10: memref<128xi32, #tpu.memory_space<vmem>>, %arg11: memref<128xi32, #tpu.memory_space<vmem>>, %arg12: memref<128xi32, #tpu.memory_space<vmem>>, %arg13: memref<128xi32, #tpu.memory_space<vmem>>, %arg14: memref<128xi32, #tpu.memory_space<vmem>>, %arg15: memref<128x128xf32, #tpu.memory_space<vmem>>, %arg16: memref<128x128xf32, #tpu.memory_space<vmem>>, %arg17: memref<128x128xf32, #tpu.memory_space<vmem>>, %arg18: memref<128x128xf32, #tpu.memory_space<vmem>>, %arg19: memref<!tpu.dma_semaphore, #tpu.memory_space<semaphore_mem>>, %arg20: memref<!tpu.dma_semaphore, #tpu.memory_space<semaphore_mem>>, %arg21: memref<!tpu.dma_semaphore, #tpu.memory_space<semaphore_mem>>, %arg22: memref<!tpu.dma_semaphore, #tpu.memory_space<semaphore_mem>>, %arg23: memref<!tpu.dma_semaphore, #tpu.memory_space<semaphore_mem>>, %arg24: memref<!tpu.dma_semaphore, #tpu.memory_space<semaphore_mem>>, %arg25: memref<!tpu.dma_semaphore, #tpu.memory_space<semaphore_mem>>, %arg26: memref<!tpu.dma_semaphore, #tpu.memory_space<semaphore_mem>>, %arg27: memref<!tpu.dma_semaphore, #tpu.memory_space<semaphore_mem>>, %arg28: memref<!tpu.dma_semaphore, #tpu.memory_space<semaphore_mem>>, %arg29: memref<!tpu.dma_semaphore, #tpu.memory_space<semaphore_mem>>, %arg30: memref<!tpu.dma_semaphore, #tpu.memory_space<semaphore_mem>>, %arg31: memref<4096x128xf32, #tpu.memory_space<vmem_shared>>) attributes {dimension_semantics = [#tpu.dimension_semantics<core_parallel>, #tpu.dimension_semantics<subcore_parallel>], iteration_bounds = array<i64: 2, 16>, scalar_prefetch = 0 : i64, scratch_operands = 25 : i64, tpu.core_type = #tpu.core_type<sc_vector_subcore>, window_params = [{transform_indices = #map}, {transform_indices = #map1}, {transform_indices = #map1}, {transform_indices = #map}, {transform_indices = #map}]} {
    %mul3A = arith.constant 2 : i32
    %mul3A_0 = arith.muli %arg1, %mul3A : i32
    %add3A = arith.addi %mul3A_0, %arg0 : i32
    %mul3A_1 = arith.constant 256 : i32
    %mul3A_2 = arith.muli %arg1, %mul3A_1 : i32
    %mul3A_3 = arith.constant 256 : i32
    %mul3A_4 = arith.muli %arg1, %mul3A_3 : i32
    "tpu.region"() ({
      %run_scoped3A = tpu.sem_alloc : memref<!tpu.dma_semaphore, #tpu.memory_space<semaphore_mem>>
      %dma_start3A = arith.constant 0 : i32
      %dma_start3A_19 = tpu.memref_slice %arg31[%mul3A_4, %dma_start3A] : memref<4096x128xf32, #tpu.memory_space<vmem_shared>> -> memref<256x128xf32, #tpu.memory_space<vmem_shared>>
      %dma_start3A_20 = arith.constant 0 : i32
      %dma_start3A_21 = tpu.memref_slice %arg5[%mul3A_2, %dma_start3A_20] : memref<4096x128xf32, #tpu.memory_space<hbm>> -> memref<256x128xf32, #tpu.memory_space<hbm>>
      tpu.enqueue_dma source(%dma_start3A_21 : memref<256x128xf32, #tpu.memory_space<hbm>>) target(%dma_start3A_19 : memref<256x128xf32, #tpu.memory_space<vmem_shared>>) target_semaphore(%run_scoped3A : memref<!tpu.dma_semaphore, #tpu.memory_space<semaphore_mem>>)
      %dma_wait3A = arith.constant 0 : i32
      %dma_wait3A_22 = tpu.memref_slice %arg31[%mul3A_4, %dma_wait3A] : memref<4096x128xf32, #tpu.memory_space<vmem_shared>> -> memref<256x128xf32, #tpu.memory_space<vmem_shared>>
      %dma_wait3A_23 = arith.constant 0 : i32
      %dma_wait3A_24 = tpu.memref_slice %arg5[%mul3A_2, %dma_wait3A_23] : memref<4096x128xf32, #tpu.memory_space<hbm>> -> memref<256x128xf32, #tpu.memory_space<hbm>>
      tpu.wait_dma2 semaphore(%run_scoped3A : memref<!tpu.dma_semaphore, #tpu.memory_space<semaphore_mem>>) src(%dma_wait3A_24 : memref<256x128xf32, #tpu.memory_space<hbm>>) dst(%dma_wait3A_22 : memref<256x128xf32, #tpu.memory_space<vmem_shared>>)
      tpu.yield
    }) : () -> ()
    %barrier3A = arith.constant 0 : index
    tpu.barrier barrier_id(%barrier3A)
    %mul3A_5 = arith.constant 4096 : i32
    %mul3A_6 = arith.muli %add3A, %mul3A_5 : i32
    %scan3A = arith.constant 0 : i32
    %scan3A_7 = arith.constant 8 : i32
    %scan3A_8 = arith.addi %scan3A, %scan3A_7 : i32
    %scan3A_9 = arith.constant 1 : i32
    scf.for %scan3A_19 = %scan3A to %scan3A_8 step %scan3A_9  : i32 {
      %mul3A_20 = arith.constant 1 : i32
      %mul3A_21 = arith.muli %scan3A_19, %mul3A_20 : i32
      %add3A_22 = arith.constant 0 : i32
      %add3A_23 = arith.addi %add3A_22, %mul3A_21 : i32
      %mul3A_24 = arith.constant 512 : i32
      %mul3A_25 = arith.muli %add3A_23, %mul3A_24 : i32
      %add3A_26 = arith.addi %mul3A_6, %mul3A_25 : i32
      %add3A_27 = arith.constant 0 : i32
      %add3A_28 = arith.addi %add3A_26, %add3A_27 : i32
      %dma_start3A = tpu.memref_slice %arg3[%add3A_28] : memref<131072xi32, #tpu.memory_space<hbm>> -> memref<128xi32, #tpu.memory_space<hbm>>
      %dma_start3A_29 = tpu.memref_slice %arg3[%add3A_28] : memref<131072xi32, #tpu.memory_space<hbm>> -> memref<128xi32, #tpu.memory_space<hbm>>
      tpu.enqueue_dma source(%dma_start3A_29 : memref<128xi32, #tpu.memory_space<hbm>>) target(%arg7 : memref<128xi32, #tpu.memory_space<vmem>>) target_semaphore(%arg19 : memref<!tpu.dma_semaphore, #tpu.memory_space<semaphore_mem>>)
      %dma_start3A_30 = tpu.memref_slice %arg4[%add3A_28] : memref<131072xi32, #tpu.memory_space<hbm>> -> memref<128xi32, #tpu.memory_space<hbm>>
      %dma_start3A_31 = tpu.memref_slice %arg4[%add3A_28] : memref<131072xi32, #tpu.memory_space<hbm>> -> memref<128xi32, #tpu.memory_space<hbm>>
      tpu.enqueue_dma source(%dma_start3A_31 : memref<128xi32, #tpu.memory_space<hbm>>) target(%arg11 : memref<128xi32, #tpu.memory_space<vmem>>) target_semaphore(%arg23 : memref<!tpu.dma_semaphore, #tpu.memory_space<semaphore_mem>>)
      %add3A_32 = arith.constant 128 : i32
      %add3A_33 = arith.addi %add3A_26, %add3A_32 : i32
      %dma_start3A_34 = tpu.memref_slice %arg3[%add3A_33] : memref<131072xi32, #tpu.memory_space<hbm>> -> memref<128xi32, #tpu.memory_space<hbm>>
      %dma_start3A_35 = tpu.memref_slice %arg3[%add3A_33] : memref<131072xi32, #tpu.memory_space<hbm>> -> memref<128xi32, #tpu.memory_space<hbm>>
      tpu.enqueue_dma source(%dma_start3A_35 : memref<128xi32, #tpu.memory_space<hbm>>) target(%arg8 : memref<128xi32, #tpu.memory_space<vmem>>) target_semaphore(%arg20 : memref<!tpu.dma_semaphore, #tpu.memory_space<semaphore_mem>>)
      %dma_start3A_36 = tpu.memref_slice %arg4[%add3A_33] : memref<131072xi32, #tpu.memory_space<hbm>> -> memref<128xi32, #tpu.memory_space<hbm>>
      %dma_start3A_37 = tpu.memref_slice %arg4[%add3A_33] : memref<131072xi32, #tpu.memory_space<hbm>> -> memref<128xi32, #tpu.memory_space<hbm>>
      tpu.enqueue_dma source(%dma_start3A_37 : memref<128xi32, #tpu.memory_space<hbm>>) target(%arg12 : memref<128xi32, #tpu.memory_space<vmem>>) target_semaphore(%arg24 : memref<!tpu.dma_semaphore, #tpu.memory_space<semaphore_mem>>)
      %add3A_38 = arith.constant 256 : i32
      %add3A_39 = arith.addi %add3A_26, %add3A_38 : i32
      %dma_start3A_40 = tpu.memref_slice %arg3[%add3A_39] : memref<131072xi32, #tpu.memory_space<hbm>> -> memref<128xi32, #tpu.memory_space<hbm>>
      %dma_start3A_41 = tpu.memref_slice %arg3[%add3A_39] : memref<131072xi32, #tpu.memory_space<hbm>> -> memref<128xi32, #tpu.memory_space<hbm>>
      tpu.enqueue_dma source(%dma_start3A_41 : memref<128xi32, #tpu.memory_space<hbm>>) target(%arg9 : memref<128xi32, #tpu.memory_space<vmem>>) target_semaphore(%arg21 : memref<!tpu.dma_semaphore, #tpu.memory_space<semaphore_mem>>)
      %dma_start3A_42 = tpu.memref_slice %arg4[%add3A_39] : memref<131072xi32, #tpu.memory_space<hbm>> -> memref<128xi32, #tpu.memory_space<hbm>>
      %dma_start3A_43 = tpu.memref_slice %arg4[%add3A_39] : memref<131072xi32, #tpu.memory_space<hbm>> -> memref<128xi32, #tpu.memory_space<hbm>>
      tpu.enqueue_dma source(%dma_start3A_43 : memref<128xi32, #tpu.memory_space<hbm>>) target(%arg13 : memref<128xi32, #tpu.memory_space<vmem>>) target_semaphore(%arg25 : memref<!tpu.dma_semaphore, #tpu.memory_space<semaphore_mem>>)
      %add3A_44 = arith.constant 384 : i32
      %add3A_45 = arith.addi %add3A_26, %add3A_44 : i32
      %dma_start3A_46 = tpu.memref_slice %arg3[%add3A_45] : memref<131072xi32, #tpu.memory_space<hbm>> -> memref<128xi32, #tpu.memory_space<hbm>>
      %dma_start3A_47 = tpu.memref_slice %arg3[%add3A_45] : memref<131072xi32, #tpu.memory_space<hbm>> -> memref<128xi32, #tpu.memory_space<hbm>>
      tpu.enqueue_dma source(%dma_start3A_47 : memref<128xi32, #tpu.memory_space<hbm>>) target(%arg10 : memref<128xi32, #tpu.memory_space<vmem>>) target_semaphore(%arg22 : memref<!tpu.dma_semaphore, #tpu.memory_space<semaphore_mem>>)
      %dma_start3A_48 = tpu.memref_slice %arg4[%add3A_45] : memref<131072xi32, #tpu.memory_space<hbm>> -> memref<128xi32, #tpu.memory_space<hbm>>
      %dma_start3A_49 = tpu.memref_slice %arg4[%add3A_45] : memref<131072xi32, #tpu.memory_space<hbm>> -> memref<128xi32, #tpu.memory_space<hbm>>
      tpu.enqueue_dma source(%dma_start3A_49 : memref<128xi32, #tpu.memory_space<hbm>>) target(%arg14 : memref<128xi32, #tpu.memory_space<vmem>>) target_semaphore(%arg26 : memref<!tpu.dma_semaphore, #tpu.memory_space<semaphore_mem>>)
      %dma_wait3A = tpu.memref_slice %arg3[%add3A_28] : memref<131072xi32, #tpu.memory_space<hbm>> -> memref<128xi32, #tpu.memory_space<hbm>>
      %dma_wait3A_50 = tpu.memref_slice %arg3[%add3A_28] : memref<131072xi32, #tpu.memory_space<hbm>> -> memref<128xi32, #tpu.memory_space<hbm>>
      tpu.wait_dma2 semaphore(%arg19 : memref<!tpu.dma_semaphore, #tpu.memory_space<semaphore_mem>>) src(%dma_wait3A_50 : memref<128xi32, #tpu.memory_space<hbm>>) dst(%arg7 : memref<128xi32, #tpu.memory_space<vmem>>)
      %dma_start3A_51 = arith.constant 0 : i32
      %dma_start3A_52 = arith.constant 0 : i32
      %dma_start3A_53 = tpu.memref_slice %arg2[%dma_start3A_51, %dma_start3A_52] : memref<4096x128xf32, #tpu.memory_space<hbm>> -> memref<4096x128xf32, #tpu.memory_space<hbm>>
      tpu.enqueue_indirect_dma source(%dma_start3A_53 : memref<4096x128xf32, #tpu.memory_space<hbm>>) target(%arg15 : memref<128x128xf32, #tpu.memory_space<vmem>>) offsets(%arg7 : memref<128xi32, #tpu.memory_space<vmem>>) semaphore(%arg27 : memref<!tpu.dma_semaphore, #tpu.memory_space<semaphore_mem>>)
      %dma_wait3A_54 = tpu.memref_slice %arg3[%add3A_33] : memref<131072xi32, #tpu.memory_space<hbm>> -> memref<128xi32, #tpu.memory_space<hbm>>
      %dma_wait3A_55 = tpu.memref_slice %arg3[%add3A_33] : memref<131072xi32, #tpu.memory_space<hbm>> -> memref<128xi32, #tpu.memory_space<hbm>>
      tpu.wait_dma2 semaphore(%arg20 : memref<!tpu.dma_semaphore, #tpu.memory_space<semaphore_mem>>) src(%dma_wait3A_55 : memref<128xi32, #tpu.memory_space<hbm>>) dst(%arg8 : memref<128xi32, #tpu.memory_space<vmem>>)
      %dma_start3A_56 = arith.constant 0 : i32
      %dma_start3A_57 = arith.constant 0 : i32
      %dma_start3A_58 = tpu.memref_slice %arg2[%dma_start3A_56, %dma_start3A_57] : memref<4096x128xf32, #tpu.memory_space<hbm>> -> memref<4096x128xf32, #tpu.memory_space<hbm>>
      tpu.enqueue_indirect_dma source(%dma_start3A_58 : memref<4096x128xf32, #tpu.memory_space<hbm>>) target(%arg16 : memref<128x128xf32, #tpu.memory_space<vmem>>) offsets(%arg8 : memref<128xi32, #tpu.memory_space<vmem>>) semaphore(%arg28 : memref<!tpu.dma_semaphore, #tpu.memory_space<semaphore_mem>>)
      %dma_wait3A_59 = tpu.memref_slice %arg3[%add3A_39] : memref<131072xi32, #tpu.memory_space<hbm>> -> memref<128xi32, #tpu.memory_space<hbm>>
      %dma_wait3A_60 = tpu.memref_slice %arg3[%add3A_39] : memref<131072xi32, #tpu.memory_space<hbm>> -> memref<128xi32, #tpu.memory_space<hbm>>
      tpu.wait_dma2 semaphore(%arg21 : memref<!tpu.dma_semaphore, #tpu.memory_space<semaphore_mem>>) src(%dma_wait3A_60 : memref<128xi32, #tpu.memory_space<hbm>>) dst(%arg9 : memref<128xi32, #tpu.memory_space<vmem>>)
      %dma_start3A_61 = arith.constant 0 : i32
      %dma_start3A_62 = arith.constant 0 : i32
      %dma_start3A_63 = tpu.memref_slice %arg2[%dma_start3A_61, %dma_start3A_62] : memref<4096x128xf32, #tpu.memory_space<hbm>> -> memref<4096x128xf32, #tpu.memory_space<hbm>>
      tpu.enqueue_indirect_dma source(%dma_start3A_63 : memref<4096x128xf32, #tpu.memory_space<hbm>>) target(%arg17 : memref<128x128xf32, #tpu.memory_space<vmem>>) offsets(%arg9 : memref<128xi32, #tpu.memory_space<vmem>>) semaphore(%arg29 : memref<!tpu.dma_semaphore, #tpu.memory_space<semaphore_mem>>)
      %dma_wait3A_64 = tpu.memref_slice %arg3[%add3A_45] : memref<131072xi32, #tpu.memory_space<hbm>> -> memref<128xi32, #tpu.memory_space<hbm>>
      %dma_wait3A_65 = tpu.memref_slice %arg3[%add3A_45] : memref<131072xi32, #tpu.memory_space<hbm>> -> memref<128xi32, #tpu.memory_space<hbm>>
      tpu.wait_dma2 semaphore(%arg22 : memref<!tpu.dma_semaphore, #tpu.memory_space<semaphore_mem>>) src(%dma_wait3A_65 : memref<128xi32, #tpu.memory_space<hbm>>) dst(%arg10 : memref<128xi32, #tpu.memory_space<vmem>>)
      %dma_start3A_66 = arith.constant 0 : i32
      %dma_start3A_67 = arith.constant 0 : i32
      %dma_start3A_68 = tpu.memref_slice %arg2[%dma_start3A_66, %dma_start3A_67] : memref<4096x128xf32, #tpu.memory_space<hbm>> -> memref<4096x128xf32, #tpu.memory_space<hbm>>
      tpu.enqueue_indirect_dma source(%dma_start3A_68 : memref<4096x128xf32, #tpu.memory_space<hbm>>) target(%arg18 : memref<128x128xf32, #tpu.memory_space<vmem>>) offsets(%arg10 : memref<128xi32, #tpu.memory_space<vmem>>) semaphore(%arg30 : memref<!tpu.dma_semaphore, #tpu.memory_space<semaphore_mem>>)
      %dma_wait3A_69 = arith.constant 0 : i32
      %dma_wait3A_70 = arith.constant 0 : i32
      %dma_wait3A_71 = tpu.memref_slice %arg2[%dma_wait3A_69, %dma_wait3A_70] : memref<4096x128xf32, #tpu.memory_space<hbm>> -> memref<4096x128xf32, #tpu.memory_space<hbm>>
      tpu.wait_indirect_dma semaphore(%arg27 : memref<!tpu.dma_semaphore, #tpu.memory_space<semaphore_mem>>) src(%dma_wait3A_71 : memref<4096x128xf32, #tpu.memory_space<hbm>>) dst(%arg15 : memref<128x128xf32, #tpu.memory_space<vmem>>)
      %dma_wait3A_72 = tpu.memref_slice %arg4[%add3A_28] : memref<131072xi32, #tpu.memory_space<hbm>> -> memref<128xi32, #tpu.memory_space<hbm>>
      %dma_wait3A_73 = tpu.memref_slice %arg4[%add3A_28] : memref<131072xi32, #tpu.memory_space<hbm>> -> memref<128xi32, #tpu.memory_space<hbm>>
      tpu.wait_dma2 semaphore(%arg23 : memref<!tpu.dma_semaphore, #tpu.memory_space<semaphore_mem>>) src(%dma_wait3A_73 : memref<128xi32, #tpu.memory_space<hbm>>) dst(%arg11 : memref<128xi32, #tpu.memory_space<vmem>>)
      "tpu.region"() ({
        %run_scoped3A = tpu.sem_alloc : memref<!tpu.dma_semaphore, #tpu.memory_space<semaphore_mem>>
        %dma_start3A_89 = arith.constant 0 : i32
        %dma_start3A_90 = arith.constant 0 : i32
        %dma_start3A_91 = tpu.memref_slice %arg31[%dma_start3A_89, %dma_start3A_90] : memref<4096x128xf32, #tpu.memory_space<vmem_shared>> -> memref<4096x128xf32, #tpu.memory_space<vmem_shared>>
        tpu.enqueue_indirect_dma source(%arg15 : memref<128x128xf32, #tpu.memory_space<vmem>>) target(%dma_start3A_91 : memref<4096x128xf32, #tpu.memory_space<vmem_shared>>) offsets(%arg11 : memref<128xi32, #tpu.memory_space<vmem>>) semaphore(%run_scoped3A : memref<!tpu.dma_semaphore, #tpu.memory_space<semaphore_mem>>) {add = true}
        %dma_wait3A_92 = arith.constant 0 : i32
        %dma_wait3A_93 = arith.constant 0 : i32
        %dma_wait3A_94 = tpu.memref_slice %arg31[%dma_wait3A_92, %dma_wait3A_93] : memref<4096x128xf32, #tpu.memory_space<vmem_shared>> -> memref<4096x128xf32, #tpu.memory_space<vmem_shared>>
        tpu.wait_indirect_dma semaphore(%run_scoped3A : memref<!tpu.dma_semaphore, #tpu.memory_space<semaphore_mem>>) src(%arg15 : memref<128x128xf32, #tpu.memory_space<vmem>>) dst(%dma_wait3A_94 : memref<4096x128xf32, #tpu.memory_space<vmem_shared>>)
        tpu.yield
      }) : () -> ()
      %dma_wait3A_74 = arith.constant 0 : i32
      %dma_wait3A_75 = arith.constant 0 : i32
      %dma_wait3A_76 = tpu.memref_slice %arg2[%dma_wait3A_74, %dma_wait3A_75] : memref<4096x128xf32, #tpu.memory_space<hbm>> -> memref<4096x128xf32, #tpu.memory_space<hbm>>
      tpu.wait_indirect_dma semaphore(%arg28 : memref<!tpu.dma_semaphore, #tpu.memory_space<semaphore_mem>>) src(%dma_wait3A_76 : memref<4096x128xf32, #tpu.memory_space<hbm>>) dst(%arg16 : memref<128x128xf32, #tpu.memory_space<vmem>>)
      %dma_wait3A_77 = tpu.memref_slice %arg4[%add3A_33] : memref<131072xi32, #tpu.memory_space<hbm>> -> memref<128xi32, #tpu.memory_space<hbm>>
      %dma_wait3A_78 = tpu.memref_slice %arg4[%add3A_33] : memref<131072xi32, #tpu.memory_space<hbm>> -> memref<128xi32, #tpu.memory_space<hbm>>
      tpu.wait_dma2 semaphore(%arg24 : memref<!tpu.dma_semaphore, #tpu.memory_space<semaphore_mem>>) src(%dma_wait3A_78 : memref<128xi32, #tpu.memory_space<hbm>>) dst(%arg12 : memref<128xi32, #tpu.memory_space<vmem>>)
      "tpu.region"() ({
        %run_scoped3A = tpu.sem_alloc : memref<!tpu.dma_semaphore, #tpu.memory_space<semaphore_mem>>
        %dma_start3A_89 = arith.constant 0 : i32
        %dma_start3A_90 = arith.constant 0 : i32
        %dma_start3A_91 = tpu.memref_slice %arg31[%dma_start3A_89, %dma_start3A_90] : memref<4096x128xf32, #tpu.memory_space<vmem_shared>> -> memref<4096x128xf32, #tpu.memory_space<vmem_shared>>
        tpu.enqueue_indirect_dma source(%arg16 : memref<128x128xf32, #tpu.memory_space<vmem>>) target(%dma_start3A_91 : memref<4096x128xf32, #tpu.memory_space<vmem_shared>>) offsets(%arg12 : memref<128xi32, #tpu.memory_space<vmem>>) semaphore(%run_scoped3A : memref<!tpu.dma_semaphore, #tpu.memory_space<semaphore_mem>>) {add = true}
        %dma_wait3A_92 = arith.constant 0 : i32
        %dma_wait3A_93 = arith.constant 0 : i32
        %dma_wait3A_94 = tpu.memref_slice %arg31[%dma_wait3A_92, %dma_wait3A_93] : memref<4096x128xf32, #tpu.memory_space<vmem_shared>> -> memref<4096x128xf32, #tpu.memory_space<vmem_shared>>
        tpu.wait_indirect_dma semaphore(%run_scoped3A : memref<!tpu.dma_semaphore, #tpu.memory_space<semaphore_mem>>) src(%arg16 : memref<128x128xf32, #tpu.memory_space<vmem>>) dst(%dma_wait3A_94 : memref<4096x128xf32, #tpu.memory_space<vmem_shared>>)
        tpu.yield
      }) : () -> ()
      %dma_wait3A_79 = arith.constant 0 : i32
      %dma_wait3A_80 = arith.constant 0 : i32
      %dma_wait3A_81 = tpu.memref_slice %arg2[%dma_wait3A_79, %dma_wait3A_80] : memref<4096x128xf32, #tpu.memory_space<hbm>> -> memref<4096x128xf32, #tpu.memory_space<hbm>>
      tpu.wait_indirect_dma semaphore(%arg29 : memref<!tpu.dma_semaphore, #tpu.memory_space<semaphore_mem>>) src(%dma_wait3A_81 : memref<4096x128xf32, #tpu.memory_space<hbm>>) dst(%arg17 : memref<128x128xf32, #tpu.memory_space<vmem>>)
      %dma_wait3A_82 = tpu.memref_slice %arg4[%add3A_39] : memref<131072xi32, #tpu.memory_space<hbm>> -> memref<128xi32, #tpu.memory_space<hbm>>
      %dma_wait3A_83 = tpu.memref_slice %arg4[%add3A_39] : memref<131072xi32, #tpu.memory_space<hbm>> -> memref<128xi32, #tpu.memory_space<hbm>>
      tpu.wait_dma2 semaphore(%arg25 : memref<!tpu.dma_semaphore, #tpu.memory_space<semaphore_mem>>) src(%dma_wait3A_83 : memref<128xi32, #tpu.memory_space<hbm>>) dst(%arg13 : memref<128xi32, #tpu.memory_space<vmem>>)
      "tpu.region"() ({
        %run_scoped3A = tpu.sem_alloc : memref<!tpu.dma_semaphore, #tpu.memory_space<semaphore_mem>>
        %dma_start3A_89 = arith.constant 0 : i32
        %dma_start3A_90 = arith.constant 0 : i32
        %dma_start3A_91 = tpu.memref_slice %arg31[%dma_start3A_89, %dma_start3A_90] : memref<4096x128xf32, #tpu.memory_space<vmem_shared>> -> memref<4096x128xf32, #tpu.memory_space<vmem_shared>>
        tpu.enqueue_indirect_dma source(%arg17 : memref<128x128xf32, #tpu.memory_space<vmem>>) target(%dma_start3A_91 : memref<4096x128xf32, #tpu.memory_space<vmem_shared>>) offsets(%arg13 : memref<128xi32, #tpu.memory_space<vmem>>) semaphore(%run_scoped3A : memref<!tpu.dma_semaphore, #tpu.memory_space<semaphore_mem>>) {add = true}
        %dma_wait3A_92 = arith.constant 0 : i32
        %dma_wait3A_93 = arith.constant 0 : i32
        %dma_wait3A_94 = tpu.memref_slice %arg31[%dma_wait3A_92, %dma_wait3A_93] : memref<4096x128xf32, #tpu.memory_space<vmem_shared>> -> memref<4096x128xf32, #tpu.memory_space<vmem_shared>>
        tpu.wait_indirect_dma semaphore(%run_scoped3A : memref<!tpu.dma_semaphore, #tpu.memory_space<semaphore_mem>>) src(%arg17 : memref<128x128xf32, #tpu.memory_space<vmem>>) dst(%dma_wait3A_94 : memref<4096x128xf32, #tpu.memory_space<vmem_shared>>)
        tpu.yield
      }) : () -> ()
      %dma_wait3A_84 = arith.constant 0 : i32
      %dma_wait3A_85 = arith.constant 0 : i32
      %dma_wait3A_86 = tpu.memref_slice %arg2[%dma_wait3A_84, %dma_wait3A_85] : memref<4096x128xf32, #tpu.memory_space<hbm>> -> memref<4096x128xf32, #tpu.memory_space<hbm>>
      tpu.wait_indirect_dma semaphore(%arg30 : memref<!tpu.dma_semaphore, #tpu.memory_space<semaphore_mem>>) src(%dma_wait3A_86 : memref<4096x128xf32, #tpu.memory_space<hbm>>) dst(%arg18 : memref<128x128xf32, #tpu.memory_space<vmem>>)
      %dma_wait3A_87 = tpu.memref_slice %arg4[%add3A_45] : memref<131072xi32, #tpu.memory_space<hbm>> -> memref<128xi32, #tpu.memory_space<hbm>>
      %dma_wait3A_88 = tpu.memref_slice %arg4[%add3A_45] : memref<131072xi32, #tpu.memory_space<hbm>> -> memref<128xi32, #tpu.memory_space<hbm>>
      tpu.wait_dma2 semaphore(%arg26 : memref<!tpu.dma_semaphore, #tpu.memory_space<semaphore_mem>>) src(%dma_wait3A_88 : memref<128xi32, #tpu.memory_space<hbm>>) dst(%arg14 : memref<128xi32, #tpu.memory_space<vmem>>)
      "tpu.region"() ({
        %run_scoped3A = tpu.sem_alloc : memref<!tpu.dma_semaphore, #tpu.memory_space<semaphore_mem>>
        %dma_start3A_89 = arith.constant 0 : i32
        %dma_start3A_90 = arith.constant 0 : i32
        %dma_start3A_91 = tpu.memref_slice %arg31[%dma_start3A_89, %dma_start3A_90] : memref<4096x128xf32, #tpu.memory_space<vmem_shared>> -> memref<4096x128xf32, #tpu.memory_space<vmem_shared>>
        tpu.enqueue_indirect_dma source(%arg18 : memref<128x128xf32, #tpu.memory_space<vmem>>) target(%dma_start3A_91 : memref<4096x128xf32, #tpu.memory_space<vmem_shared>>) offsets(%arg14 : memref<128xi32, #tpu.memory_space<vmem>>) semaphore(%run_scoped3A : memref<!tpu.dma_semaphore, #tpu.memory_space<semaphore_mem>>) {add = true}
        %dma_wait3A_92 = arith.constant 0 : i32
        %dma_wait3A_93 = arith.constant 0 : i32
        %dma_wait3A_94 = tpu.memref_slice %arg31[%dma_wait3A_92, %dma_wait3A_93] : memref<4096x128xf32, #tpu.memory_space<vmem_shared>> -> memref<4096x128xf32, #tpu.memory_space<vmem_shared>>
        tpu.wait_indirect_dma semaphore(%run_scoped3A : memref<!tpu.dma_semaphore, #tpu.memory_space<semaphore_mem>>) src(%arg18 : memref<128x128xf32, #tpu.memory_space<vmem>>) dst(%dma_wait3A_94 : memref<4096x128xf32, #tpu.memory_space<vmem_shared>>)
        tpu.yield
      }) : () -> ()
    }
    %scan3A_10 = arith.constant 8 : i32
    %barrier3A_11 = arith.constant 0 : index
    tpu.barrier barrier_id(%barrier3A_11)
    %mul3A_12 = arith.constant 256 : i32
    %mul3A_13 = arith.muli %arg1, %mul3A_12 : i32
    %mul3A_14 = arith.constant 4096 : i32
    %mul3A_15 = arith.muli %arg0, %mul3A_14 : i32
    %mul3A_16 = arith.constant 256 : i32
    %mul3A_17 = arith.muli %arg1, %mul3A_16 : i32
    %add3A_18 = arith.addi %mul3A_15, %mul3A_17 : i32
    "tpu.region"() ({
      %run_scoped3A = tpu.sem_alloc : memref<!tpu.dma_semaphore, #tpu.memory_space<semaphore_mem>>
      %dma_start3A = arith.constant 0 : i32
      %dma_start3A_19 = tpu.memref_slice %arg6[%add3A_18, %dma_start3A] : memref<8192x128xf32, #tpu.memory_space<hbm>> -> memref<256x128xf32, #tpu.memory_space<hbm>>
      %dma_start3A_20 = arith.constant 0 : i32
      %dma_start3A_21 = tpu.memref_slice %arg31[%mul3A_13, %dma_start3A_20] : memref<4096x128xf32, #tpu.memory_space<vmem_shared>> -> memref<256x128xf32, #tpu.memory_space<vmem_shared>>
      tpu.enqueue_dma source(%dma_start3A_21 : memref<256x128xf32, #tpu.memory_space<vmem_shared>>) target(%dma_start3A_19 : memref<256x128xf32, #tpu.memory_space<hbm>>) target_semaphore(%run_scoped3A : memref<!tpu.dma_semaphore, #tpu.memory_space<semaphore_mem>>)
      %dma_wait3A = arith.constant 0 : i32
      %dma_wait3A_22 = tpu.memref_slice %arg6[%add3A_18, %dma_wait3A] : memref<8192x128xf32, #tpu.memory_space<hbm>> -> memref<256x128xf32, #tpu.memory_space<hbm>>
      %dma_wait3A_23 = arith.constant 0 : i32
      %dma_wait3A_24 = tpu.memref_slice %arg31[%mul3A_13, %dma_wait3A_23] : memref<4096x128xf32, #tpu.memory_space<vmem_shared>> -> memref<256x128xf32, #tpu.memory_space<vmem_shared>>
      tpu.wait_dma2 semaphore(%run_scoped3A : memref<!tpu.dma_semaphore, #tpu.memory_space<semaphore_mem>>) src(%dma_wait3A_24 : memref<256x128xf32, #tpu.memory_space<vmem_shared>>) dst(%dma_wait3A_22 : memref<256x128xf32, #tpu.memory_space<hbm>>)
      tpu.yield
    }) : () -> ()
    return
  }
}

#map = affine_map<(d0, d1) -> (0, 0)>
#map1 = affine_map<(d0, d1) -> (0)>
module attributes {stable_mosaic.version = 14 : i64} {
  func.func @seg_kernel(%arg0: i32, %arg1: i32, %arg2: memref<4096x128xf32, #tpu.memory_space<hbm>>, %arg3: memref<131072xi32, #tpu.memory_space<hbm>>, %arg4: memref<131072xi32, #tpu.memory_space<hbm>>, %arg5: memref<4096x128xf32, #tpu.memory_space<hbm>>, %arg6: memref<8192x128xf32, #tpu.memory_space<hbm>>, %arg7: memref<128xi32, #tpu.memory_space<vmem>>, %arg8: memref<128xi32, #tpu.memory_space<vmem>>, %arg9: memref<128xi32, #tpu.memory_space<vmem>>, %arg10: memref<128xi32, #tpu.memory_space<vmem>>, %arg11: memref<128xi32, #tpu.memory_space<vmem>>, %arg12: memref<128xi32, #tpu.memory_space<vmem>>, %arg13: memref<128xi32, #tpu.memory_space<vmem>>, %arg14: memref<128xi32, #tpu.memory_space<vmem>>, %arg15: memref<128x128xf32, #tpu.memory_space<vmem>>, %arg16: memref<128x128xf32, #tpu.memory_space<vmem>>, %arg17: memref<128x128xf32, #tpu.memory_space<vmem>>, %arg18: memref<128x128xf32, #tpu.memory_space<vmem>>, %arg19: memref<!tpu.dma_semaphore, #tpu.memory_space<semaphore_mem>>, %arg20: memref<!tpu.dma_semaphore, #tpu.memory_space<semaphore_mem>>, %arg21: memref<!tpu.dma_semaphore, #tpu.memory_space<semaphore_mem>>, %arg22: memref<!tpu.dma_semaphore, #tpu.memory_space<semaphore_mem>>, %arg23: memref<!tpu.dma_semaphore, #tpu.memory_space<semaphore_mem>>, %arg24: memref<!tpu.dma_semaphore, #tpu.memory_space<semaphore_mem>>, %arg25: memref<!tpu.dma_semaphore, #tpu.memory_space<semaphore_mem>>, %arg26: memref<!tpu.dma_semaphore, #tpu.memory_space<semaphore_mem>>, %arg27: memref<!tpu.dma_semaphore, #tpu.memory_space<semaphore_mem>>, %arg28: memref<!tpu.dma_semaphore, #tpu.memory_space<semaphore_mem>>, %arg29: memref<!tpu.dma_semaphore, #tpu.memory_space<semaphore_mem>>, %arg30: memref<!tpu.dma_semaphore, #tpu.memory_space<semaphore_mem>>, %arg31: memref<4096x128xf32, #tpu.memory_space<vmem_shared>>) attributes {dimension_semantics = [#tpu.dimension_semantics<core_parallel>, #tpu.dimension_semantics<subcore_parallel>], iteration_bounds = array<i64: 2, 16>, scalar_prefetch = 0 : i64, scratch_operands = 25 : i64, tpu.core_type = #tpu.core_type<sc_vector_subcore>, window_params = [{transform_indices = #map}, {transform_indices = #map1}, {transform_indices = #map1}, {transform_indices = #map}, {transform_indices = #map}]} {
    %mul3A = arith.constant 2 : i32
    %mul3A_0 = arith.muli %arg1, %mul3A : i32
    %add3A = arith.addi %mul3A_0, %arg0 : i32
    %mul3A_1 = arith.constant 256 : i32
    %mul3A_2 = arith.muli %arg1, %mul3A_1 : i32
    %mul3A_3 = arith.constant 256 : i32
    %mul3A_4 = arith.muli %arg1, %mul3A_3 : i32
    "tpu.region"() ({
      %run_scoped3A = tpu.sem_alloc : memref<!tpu.dma_semaphore, #tpu.memory_space<semaphore_mem>>
      %dma_start3A = arith.constant 0 : i32
      %dma_start3A_19 = tpu.memref_slice %arg31[%mul3A_4, %dma_start3A] : memref<4096x128xf32, #tpu.memory_space<vmem_shared>> -> memref<256x128xf32, #tpu.memory_space<vmem_shared>>
      %dma_start3A_20 = arith.constant 0 : i32
      %dma_start3A_21 = tpu.memref_slice %arg5[%mul3A_2, %dma_start3A_20] : memref<4096x128xf32, #tpu.memory_space<hbm>> -> memref<256x128xf32, #tpu.memory_space<hbm>>
      tpu.enqueue_dma source(%dma_start3A_21 : memref<256x128xf32, #tpu.memory_space<hbm>>) target(%dma_start3A_19 : memref<256x128xf32, #tpu.memory_space<vmem_shared>>) target_semaphore(%run_scoped3A : memref<!tpu.dma_semaphore, #tpu.memory_space<semaphore_mem>>)
      %dma_wait3A = arith.constant 0 : i32
      %dma_wait3A_22 = tpu.memref_slice %arg31[%mul3A_4, %dma_wait3A] : memref<4096x128xf32, #tpu.memory_space<vmem_shared>> -> memref<256x128xf32, #tpu.memory_space<vmem_shared>>
      %dma_wait3A_23 = arith.constant 0 : i32
      %dma_wait3A_24 = tpu.memref_slice %arg5[%mul3A_2, %dma_wait3A_23] : memref<4096x128xf32, #tpu.memory_space<hbm>> -> memref<256x128xf32, #tpu.memory_space<hbm>>
      tpu.wait_dma2 semaphore(%run_scoped3A : memref<!tpu.dma_semaphore, #tpu.memory_space<semaphore_mem>>) src(%dma_wait3A_24 : memref<256x128xf32, #tpu.memory_space<hbm>>) dst(%dma_wait3A_22 : memref<256x128xf32, #tpu.memory_space<vmem_shared>>)
      tpu.yield
    }) : () -> ()
    %barrier3A = arith.constant 0 : index
    tpu.barrier barrier_id(%barrier3A)
    %mul3A_5 = arith.constant 4096 : i32
    %mul3A_6 = arith.muli %add3A, %mul3A_5 : i32
    %scan3A = arith.constant 0 : i32
    %scan3A_7 = arith.constant 8 : i32
    %scan3A_8 = arith.addi %scan3A, %scan3A_7 : i32
    %scan3A_9 = arith.constant 1 : i32
    scf.for %scan3A_19 = %scan3A to %scan3A_8 step %scan3A_9  : i32 {
      %mul3A_20 = arith.constant 1 : i32
      %mul3A_21 = arith.muli %scan3A_19, %mul3A_20 : i32
      %add3A_22 = arith.constant 0 : i32
      %add3A_23 = arith.addi %add3A_22, %mul3A_21 : i32
      %mul3A_24 = arith.constant 512 : i32
      %mul3A_25 = arith.muli %add3A_23, %mul3A_24 : i32
      %add3A_26 = arith.addi %mul3A_6, %mul3A_25 : i32
      %add3A_27 = arith.constant 0 : i32
      %add3A_28 = arith.addi %add3A_26, %add3A_27 : i32
      %dma_start3A = tpu.memref_slice %arg3[%add3A_28] : memref<131072xi32, #tpu.memory_space<hbm>> -> memref<128xi32, #tpu.memory_space<hbm>>
      %dma_start3A_29 = tpu.memref_slice %arg3[%add3A_28] : memref<131072xi32, #tpu.memory_space<hbm>> -> memref<128xi32, #tpu.memory_space<hbm>>
      tpu.enqueue_dma source(%dma_start3A_29 : memref<128xi32, #tpu.memory_space<hbm>>) target(%arg7 : memref<128xi32, #tpu.memory_space<vmem>>) target_semaphore(%arg19 : memref<!tpu.dma_semaphore, #tpu.memory_space<semaphore_mem>>)
      %dma_start3A_30 = tpu.memref_slice %arg4[%add3A_28] : memref<131072xi32, #tpu.memory_space<hbm>> -> memref<128xi32, #tpu.memory_space<hbm>>
      %dma_start3A_31 = tpu.memref_slice %arg4[%add3A_28] : memref<131072xi32, #tpu.memory_space<hbm>> -> memref<128xi32, #tpu.memory_space<hbm>>
      tpu.enqueue_dma source(%dma_start3A_31 : memref<128xi32, #tpu.memory_space<hbm>>) target(%arg11 : memref<128xi32, #tpu.memory_space<vmem>>) target_semaphore(%arg23 : memref<!tpu.dma_semaphore, #tpu.memory_space<semaphore_mem>>)
      %add3A_32 = arith.constant 128 : i32
      %add3A_33 = arith.addi %add3A_26, %add3A_32 : i32
      %dma_start3A_34 = tpu.memref_slice %arg3[%add3A_33] : memref<131072xi32, #tpu.memory_space<hbm>> -> memref<128xi32, #tpu.memory_space<hbm>>
      %dma_start3A_35 = tpu.memref_slice %arg3[%add3A_33] : memref<131072xi32, #tpu.memory_space<hbm>> -> memref<128xi32, #tpu.memory_space<hbm>>
      tpu.enqueue_dma source(%dma_start3A_35 : memref<128xi32, #tpu.memory_space<hbm>>) target(%arg8 : memref<128xi32, #tpu.memory_space<vmem>>) target_semaphore(%arg20 : memref<!tpu.dma_semaphore, #tpu.memory_space<semaphore_mem>>)
      %dma_start3A_36 = tpu.memref_slice %arg4[%add3A_33] : memref<131072xi32, #tpu.memory_space<hbm>> -> memref<128xi32, #tpu.memory_space<hbm>>
      %dma_start3A_37 = tpu.memref_slice %arg4[%add3A_33] : memref<131072xi32, #tpu.memory_space<hbm>> -> memref<128xi32, #tpu.memory_space<hbm>>
      tpu.enqueue_dma source(%dma_start3A_37 : memref<128xi32, #tpu.memory_space<hbm>>) target(%arg12 : memref<128xi32, #tpu.memory_space<vmem>>) target_semaphore(%arg24 : memref<!tpu.dma_semaphore, #tpu.memory_space<semaphore_mem>>)
      %add3A_38 = arith.constant 256 : i32
      %add3A_39 = arith.addi %add3A_26, %add3A_38 : i32
      %dma_start3A_40 = tpu.memref_slice %arg3[%add3A_39] : memref<131072xi32, #tpu.memory_space<hbm>> -> memref<128xi32, #tpu.memory_space<hbm>>
      %dma_start3A_41 = tpu.memref_slice %arg3[%add3A_39] : memref<131072xi32, #tpu.memory_space<hbm>> -> memref<128xi32, #tpu.memory_space<hbm>>
      tpu.enqueue_dma source(%dma_start3A_41 : memref<128xi32, #tpu.memory_space<hbm>>) target(%arg9 : memref<128xi32, #tpu.memory_space<vmem>>) target_semaphore(%arg21 : memref<!tpu.dma_semaphore, #tpu.memory_space<semaphore_mem>>)
      %dma_start3A_42 = tpu.memref_slice %arg4[%add3A_39] : memref<131072xi32, #tpu.memory_space<hbm>> -> memref<128xi32, #tpu.memory_space<hbm>>
      %dma_start3A_43 = tpu.memref_slice %arg4[%add3A_39] : memref<131072xi32, #tpu.memory_space<hbm>> -> memref<128xi32, #tpu.memory_space<hbm>>
      tpu.enqueue_dma source(%dma_start3A_43 : memref<128xi32, #tpu.memory_space<hbm>>) target(%arg13 : memref<128xi32, #tpu.memory_space<vmem>>) target_semaphore(%arg25 : memref<!tpu.dma_semaphore, #tpu.memory_space<semaphore_mem>>)
      %add3A_44 = arith.constant 384 : i32
      %add3A_45 = arith.addi %add3A_26, %add3A_44 : i32
      %dma_start3A_46 = tpu.memref_slice %arg3[%add3A_45] : memref<131072xi32, #tpu.memory_space<hbm>> -> memref<128xi32, #tpu.memory_space<hbm>>
      %dma_start3A_47 = tpu.memref_slice %arg3[%add3A_45] : memref<131072xi32, #tpu.memory_space<hbm>> -> memref<128xi32, #tpu.memory_space<hbm>>
      tpu.enqueue_dma source(%dma_start3A_47 : memref<128xi32, #tpu.memory_space<hbm>>) target(%arg10 : memref<128xi32, #tpu.memory_space<vmem>>) target_semaphore(%arg22 : memref<!tpu.dma_semaphore, #tpu.memory_space<semaphore_mem>>)
      %dma_start3A_48 = tpu.memref_slice %arg4[%add3A_45] : memref<131072xi32, #tpu.memory_space<hbm>> -> memref<128xi32, #tpu.memory_space<hbm>>
      %dma_start3A_49 = tpu.memref_slice %arg4[%add3A_45] : memref<131072xi32, #tpu.memory_space<hbm>> -> memref<128xi32, #tpu.memory_space<hbm>>
      tpu.enqueue_dma source(%dma_start3A_49 : memref<128xi32, #tpu.memory_space<hbm>>) target(%arg14 : memref<128xi32, #tpu.memory_space<vmem>>) target_semaphore(%arg26 : memref<!tpu.dma_semaphore, #tpu.memory_space<semaphore_mem>>)
      %dma_wait3A = tpu.memref_slice %arg3[%add3A_28] : memref<131072xi32, #tpu.memory_space<hbm>> -> memref<128xi32, #tpu.memory_space<hbm>>
      %dma_wait3A_50 = tpu.memref_slice %arg3[%add3A_28] : memref<131072xi32, #tpu.memory_space<hbm>> -> memref<128xi32, #tpu.memory_space<hbm>>
      tpu.wait_dma2 semaphore(%arg19 : memref<!tpu.dma_semaphore, #tpu.memory_space<semaphore_mem>>) src(%dma_wait3A_50 : memref<128xi32, #tpu.memory_space<hbm>>) dst(%arg7 : memref<128xi32, #tpu.memory_space<vmem>>)
      %dma_start3A_51 = arith.constant 0 : i32
      %dma_start3A_52 = arith.constant 0 : i32
      %dma_start3A_53 = tpu.memref_slice %arg2[%dma_start3A_51, %dma_start3A_52] : memref<4096x128xf32, #tpu.memory_space<hbm>> -> memref<4096x128xf32, #tpu.memory_space<hbm>>
      tpu.enqueue_indirect_dma source(%dma_start3A_53 : memref<4096x128xf32, #tpu.memory_space<hbm>>) target(%arg15 : memref<128x128xf32, #tpu.memory_space<vmem>>) offsets(%arg7 : memref<128xi32, #tpu.memory_space<vmem>>) semaphore(%arg27 : memref<!tpu.dma_semaphore, #tpu.memory_space<semaphore_mem>>)
      %dma_wait3A_54 = tpu.memref_slice %arg3[%add3A_33] : memref<131072xi32, #tpu.memory_space<hbm>> -> memref<128xi32, #tpu.memory_space<hbm>>
      %dma_wait3A_55 = tpu.memref_slice %arg3[%add3A_33] : memref<131072xi32, #tpu.memory_space<hbm>> -> memref<128xi32, #tpu.memory_space<hbm>>
      tpu.wait_dma2 semaphore(%arg20 : memref<!tpu.dma_semaphore, #tpu.memory_space<semaphore_mem>>) src(%dma_wait3A_55 : memref<128xi32, #tpu.memory_space<hbm>>) dst(%arg8 : memref<128xi32, #tpu.memory_space<vmem>>)
      %dma_start3A_56 = arith.constant 0 : i32
      %dma_start3A_57 = arith.constant 0 : i32
      %dma_start3A_58 = tpu.memref_slice %arg2[%dma_start3A_56, %dma_start3A_57] : memref<4096x128xf32, #tpu.memory_space<hbm>> -> memref<4096x128xf32, #tpu.memory_space<hbm>>
      tpu.enqueue_indirect_dma source(%dma_start3A_58 : memref<4096x128xf32, #tpu.memory_space<hbm>>) target(%arg16 : memref<128x128xf32, #tpu.memory_space<vmem>>) offsets(%arg8 : memref<128xi32, #tpu.memory_space<vmem>>) semaphore(%arg28 : memref<!tpu.dma_semaphore, #tpu.memory_space<semaphore_mem>>)
      %dma_wait3A_59 = tpu.memref_slice %arg3[%add3A_39] : memref<131072xi32, #tpu.memory_space<hbm>> -> memref<128xi32, #tpu.memory_space<hbm>>
      %dma_wait3A_60 = tpu.memref_slice %arg3[%add3A_39] : memref<131072xi32, #tpu.memory_space<hbm>> -> memref<128xi32, #tpu.memory_space<hbm>>
      tpu.wait_dma2 semaphore(%arg21 : memref<!tpu.dma_semaphore, #tpu.memory_space<semaphore_mem>>) src(%dma_wait3A_60 : memref<128xi32, #tpu.memory_space<hbm>>) dst(%arg9 : memref<128xi32, #tpu.memory_space<vmem>>)
      %dma_start3A_61 = arith.constant 0 : i32
      %dma_start3A_62 = arith.constant 0 : i32
      %dma_start3A_63 = tpu.memref_slice %arg2[%dma_start3A_61, %dma_start3A_62] : memref<4096x128xf32, #tpu.memory_space<hbm>> -> memref<4096x128xf32, #tpu.memory_space<hbm>>
      tpu.enqueue_indirect_dma source(%dma_start3A_63 : memref<4096x128xf32, #tpu.memory_space<hbm>>) target(%arg17 : memref<128x128xf32, #tpu.memory_space<vmem>>) offsets(%arg9 : memref<128xi32, #tpu.memory_space<vmem>>) semaphore(%arg29 : memref<!tpu.dma_semaphore, #tpu.memory_space<semaphore_mem>>)
      %dma_wait3A_64 = tpu.memref_slice %arg3[%add3A_45] : memref<131072xi32, #tpu.memory_space<hbm>> -> memref<128xi32, #tpu.memory_space<hbm>>
      %dma_wait3A_65 = tpu.memref_slice %arg3[%add3A_45] : memref<131072xi32, #tpu.memory_space<hbm>> -> memref<128xi32, #tpu.memory_space<hbm>>
      tpu.wait_dma2 semaphore(%arg22 : memref<!tpu.dma_semaphore, #tpu.memory_space<semaphore_mem>>) src(%dma_wait3A_65 : memref<128xi32, #tpu.memory_space<hbm>>) dst(%arg10 : memref<128xi32, #tpu.memory_space<vmem>>)
      %dma_start3A_66 = arith.constant 0 : i32
      %dma_start3A_67 = arith.constant 0 : i32
      %dma_start3A_68 = tpu.memref_slice %arg2[%dma_start3A_66, %dma_start3A_67] : memref<4096x128xf32, #tpu.memory_space<hbm>> -> memref<4096x128xf32, #tpu.memory_space<hbm>>
      tpu.enqueue_indirect_dma source(%dma_start3A_68 : memref<4096x128xf32, #tpu.memory_space<hbm>>) target(%arg18 : memref<128x128xf32, #tpu.memory_space<vmem>>) offsets(%arg10 : memref<128xi32, #tpu.memory_space<vmem>>) semaphore(%arg30 : memref<!tpu.dma_semaphore, #tpu.memory_space<semaphore_mem>>)
      %dma_wait3A_69 = arith.constant 0 : i32
      %dma_wait3A_70 = arith.constant 0 : i32
      %dma_wait3A_71 = tpu.memref_slice %arg2[%dma_wait3A_69, %dma_wait3A_70] : memref<4096x128xf32, #tpu.memory_space<hbm>> -> memref<4096x128xf32, #tpu.memory_space<hbm>>
      tpu.wait_indirect_dma semaphore(%arg27 : memref<!tpu.dma_semaphore, #tpu.memory_space<semaphore_mem>>) src(%dma_wait3A_71 : memref<4096x128xf32, #tpu.memory_space<hbm>>) dst(%arg15 : memref<128x128xf32, #tpu.memory_space<vmem>>)
      %dma_wait3A_72 = tpu.memref_slice %arg4[%add3A_28] : memref<131072xi32, #tpu.memory_space<hbm>> -> memref<128xi32, #tpu.memory_space<hbm>>
      %dma_wait3A_73 = tpu.memref_slice %arg4[%add3A_28] : memref<131072xi32, #tpu.memory_space<hbm>> -> memref<128xi32, #tpu.memory_space<hbm>>
      tpu.wait_dma2 semaphore(%arg23 : memref<!tpu.dma_semaphore, #tpu.memory_space<semaphore_mem>>) src(%dma_wait3A_73 : memref<128xi32, #tpu.memory_space<hbm>>) dst(%arg11 : memref<128xi32, #tpu.memory_space<vmem>>)
      "tpu.region"() ({
        %run_scoped3A = tpu.sem_alloc : memref<!tpu.dma_semaphore, #tpu.memory_space<semaphore_mem>>
        %dma_start3A_89 = arith.constant 0 : i32
        %dma_start3A_90 = arith.constant 0 : i32
        %dma_start3A_91 = tpu.memref_slice %arg31[%dma_start3A_89, %dma_start3A_90] : memref<4096x128xf32, #tpu.memory_space<vmem_shared>> -> memref<4096x128xf32, #tpu.memory_space<vmem_shared>>
        tpu.enqueue_indirect_dma source(%arg15 : memref<128x128xf32, #tpu.memory_space<vmem>>) target(%dma_start3A_91 : memref<4096x128xf32, #tpu.memory_space<vmem_shared>>) offsets(%arg11 : memref<128xi32, #tpu.memory_space<vmem>>) semaphore(%run_scoped3A : memref<!tpu.dma_semaphore, #tpu.memory_space<semaphore_mem>>) {add = true}
        %dma_wait3A_92 = arith.constant 0 : i32
        %dma_wait3A_93 = arith.constant 0 : i32
        %dma_wait3A_94 = tpu.memref_slice %arg31[%dma_wait3A_92, %dma_wait3A_93] : memref<4096x128xf32, #tpu.memory_space<vmem_shared>> -> memref<4096x128xf32, #tpu.memory_space<vmem_shared>>
        tpu.wait_indirect_dma semaphore(%run_scoped3A : memref<!tpu.dma_semaphore, #tpu.memory_space<semaphore_mem>>) src(%arg15 : memref<128x128xf32, #tpu.memory_space<vmem>>) dst(%dma_wait3A_94 : memref<4096x128xf32, #tpu.memory_space<vmem_shared>>)
        tpu.yield
      }) : () -> ()
      %dma_wait3A_74 = arith.constant 0 : i32
      %dma_wait3A_75 = arith.constant 0 : i32
      %dma_wait3A_76 = tpu.memref_slice %arg2[%dma_wait3A_74, %dma_wait3A_75] : memref<4096x128xf32, #tpu.memory_space<hbm>> -> memref<4096x128xf32, #tpu.memory_space<hbm>>
      tpu.wait_indirect_dma semaphore(%arg28 : memref<!tpu.dma_semaphore, #tpu.memory_space<semaphore_mem>>) src(%dma_wait3A_76 : memref<4096x128xf32, #tpu.memory_space<hbm>>) dst(%arg16 : memref<128x128xf32, #tpu.memory_space<vmem>>)
      %dma_wait3A_77 = tpu.memref_slice %arg4[%add3A_33] : memref<131072xi32, #tpu.memory_space<hbm>> -> memref<128xi32, #tpu.memory_space<hbm>>
      %dma_wait3A_78 = tpu.memref_slice %arg4[%add3A_33] : memref<131072xi32, #tpu.memory_space<hbm>> -> memref<128xi32, #tpu.memory_space<hbm>>
      tpu.wait_dma2 semaphore(%arg24 : memref<!tpu.dma_semaphore, #tpu.memory_space<semaphore_mem>>) src(%dma_wait3A_78 : memref<128xi32, #tpu.memory_space<hbm>>) dst(%arg12 : memref<128xi32, #tpu.memory_space<vmem>>)
      "tpu.region"() ({
        %run_scoped3A = tpu.sem_alloc : memref<!tpu.dma_semaphore, #tpu.memory_space<semaphore_mem>>
        %dma_start3A_89 = arith.constant 0 : i32
        %dma_start3A_90 = arith.constant 0 : i32
        %dma_start3A_91 = tpu.memref_slice %arg31[%dma_start3A_89, %dma_start3A_90] : memref<4096x128xf32, #tpu.memory_space<vmem_shared>> -> memref<4096x128xf32, #tpu.memory_space<vmem_shared>>
        tpu.enqueue_indirect_dma source(%arg16 : memref<128x128xf32, #tpu.memory_space<vmem>>) target(%dma_start3A_91 : memref<4096x128xf32, #tpu.memory_space<vmem_shared>>) offsets(%arg12 : memref<128xi32, #tpu.memory_space<vmem>>) semaphore(%run_scoped3A : memref<!tpu.dma_semaphore, #tpu.memory_space<semaphore_mem>>) {add = true}
        %dma_wait3A_92 = arith.constant 0 : i32
        %dma_wait3A_93 = arith.constant 0 : i32
        %dma_wait3A_94 = tpu.memref_slice %arg31[%dma_wait3A_92, %dma_wait3A_93] : memref<4096x128xf32, #tpu.memory_space<vmem_shared>> -> memref<4096x128xf32, #tpu.memory_space<vmem_shared>>
        tpu.wait_indirect_dma semaphore(%run_scoped3A : memref<!tpu.dma_semaphore, #tpu.memory_space<semaphore_mem>>) src(%arg16 : memref<128x128xf32, #tpu.memory_space<vmem>>) dst(%dma_wait3A_94 : memref<4096x128xf32, #tpu.memory_space<vmem_shared>>)
        tpu.yield
      }) : () -> ()
      %dma_wait3A_79 = arith.constant 0 : i32
      %dma_wait3A_80 = arith.constant 0 : i32
      %dma_wait3A_81 = tpu.memref_slice %arg2[%dma_wait3A_79, %dma_wait3A_80] : memref<4096x128xf32, #tpu.memory_space<hbm>> -> memref<4096x128xf32, #tpu.memory_space<hbm>>
      tpu.wait_indirect_dma semaphore(%arg29 : memref<!tpu.dma_semaphore, #tpu.memory_space<semaphore_mem>>) src(%dma_wait3A_81 : memref<4096x128xf32, #tpu.memory_space<hbm>>) dst(%arg17 : memref<128x128xf32, #tpu.memory_space<vmem>>)
      %dma_wait3A_82 = tpu.memref_slice %arg4[%add3A_39] : memref<131072xi32, #tpu.memory_space<hbm>> -> memref<128xi32, #tpu.memory_space<hbm>>
      %dma_wait3A_83 = tpu.memref_slice %arg4[%add3A_39] : memref<131072xi32, #tpu.memory_space<hbm>> -> memref<128xi32, #tpu.memory_space<hbm>>
      tpu.wait_dma2 semaphore(%arg25 : memref<!tpu.dma_semaphore, #tpu.memory_space<semaphore_mem>>) src(%dma_wait3A_83 : memref<128xi32, #tpu.memory_space<hbm>>) dst(%arg13 : memref<128xi32, #tpu.memory_space<vmem>>)
      "tpu.region"() ({
        %run_scoped3A = tpu.sem_alloc : memref<!tpu.dma_semaphore, #tpu.memory_space<semaphore_mem>>
        %dma_start3A_89 = arith.constant 0 : i32
        %dma_start3A_90 = arith.constant 0 : i32
        %dma_start3A_91 = tpu.memref_slice %arg31[%dma_start3A_89, %dma_start3A_90] : memref<4096x128xf32, #tpu.memory_space<vmem_shared>> -> memref<4096x128xf32, #tpu.memory_space<vmem_shared>>
        tpu.enqueue_indirect_dma source(%arg17 : memref<128x128xf32, #tpu.memory_space<vmem>>) target(%dma_start3A_91 : memref<4096x128xf32, #tpu.memory_space<vmem_shared>>) offsets(%arg13 : memref<128xi32, #tpu.memory_space<vmem>>) semaphore(%run_scoped3A : memref<!tpu.dma_semaphore, #tpu.memory_space<semaphore_mem>>) {add = true}
        %dma_wait3A_92 = arith.constant 0 : i32
        %dma_wait3A_93 = arith.constant 0 : i32
        %dma_wait3A_94 = tpu.memref_slice %arg31[%dma_wait3A_92, %dma_wait3A_93] : memref<4096x128xf32, #tpu.memory_space<vmem_shared>> -> memref<4096x128xf32, #tpu.memory_space<vmem_shared>>
        tpu.wait_indirect_dma semaphore(%run_scoped3A : memref<!tpu.dma_semaphore, #tpu.memory_space<semaphore_mem>>) src(%arg17 : memref<128x128xf32, #tpu.memory_space<vmem>>) dst(%dma_wait3A_94 : memref<4096x128xf32, #tpu.memory_space<vmem_shared>>)
        tpu.yield
      }) : () -> ()
      %dma_wait3A_84 = arith.constant 0 : i32
      %dma_wait3A_85 = arith.constant 0 : i32
      %dma_wait3A_86 = tpu.memref_slice %arg2[%dma_wait3A_84, %dma_wait3A_85] : memref<4096x128xf32, #tpu.memory_space<hbm>> -> memref<4096x128xf32, #tpu.memory_space<hbm>>
      tpu.wait_indirect_dma semaphore(%arg30 : memref<!tpu.dma_semaphore, #tpu.memory_space<semaphore_mem>>) src(%dma_wait3A_86 : memref<4096x128xf32, #tpu.memory_space<hbm>>) dst(%arg18 : memref<128x128xf32, #tpu.memory_space<vmem>>)
      %dma_wait3A_87 = tpu.memref_slice %arg4[%add3A_45] : memref<131072xi32, #tpu.memory_space<hbm>> -> memref<128xi32, #tpu.memory_space<hbm>>
      %dma_wait3A_88 = tpu.memref_slice %arg4[%add3A_45] : memref<131072xi32, #tpu.memory_space<hbm>> -> memref<128xi32, #tpu.memory_space<hbm>>
      tpu.wait_dma2 semaphore(%arg26 : memref<!tpu.dma_semaphore, #tpu.memory_space<semaphore_mem>>) src(%dma_wait3A_88 : memref<128xi32, #tpu.memory_space<hbm>>) dst(%arg14 : memref<128xi32, #tpu.memory_space<vmem>>)
      "tpu.region"() ({
        %run_scoped3A = tpu.sem_alloc : memref<!tpu.dma_semaphore, #tpu.memory_space<semaphore_mem>>
        %dma_start3A_89 = arith.constant 0 : i32
        %dma_start3A_90 = arith.constant 0 : i32
        %dma_start3A_91 = tpu.memref_slice %arg31[%dma_start3A_89, %dma_start3A_90] : memref<4096x128xf32, #tpu.memory_space<vmem_shared>> -> memref<4096x128xf32, #tpu.memory_space<vmem_shared>>
        tpu.enqueue_indirect_dma source(%arg18 : memref<128x128xf32, #tpu.memory_space<vmem>>) target(%dma_start3A_91 : memref<4096x128xf32, #tpu.memory_space<vmem_shared>>) offsets(%arg14 : memref<128xi32, #tpu.memory_space<vmem>>) semaphore(%run_scoped3A : memref<!tpu.dma_semaphore, #tpu.memory_space<semaphore_mem>>) {add = true}
        %dma_wait3A_92 = arith.constant 0 : i32
        %dma_wait3A_93 = arith.constant 0 : i32
        %dma_wait3A_94 = tpu.memref_slice %arg31[%dma_wait3A_92, %dma_wait3A_93] : memref<4096x128xf32, #tpu.memory_space<vmem_shared>> -> memref<4096x128xf32, #tpu.memory_space<vmem_shared>>
        tpu.wait_indirect_dma semaphore(%run_scoped3A : memref<!tpu.dma_semaphore, #tpu.memory_space<semaphore_mem>>) src(%arg18 : memref<128x128xf32, #tpu.memory_space<vmem>>) dst(%dma_wait3A_94 : memref<4096x128xf32, #tpu.memory_space<vmem_shared>>)
        tpu.yield
      }) : () -> ()
    }
    %scan3A_10 = arith.constant 8 : i32
    %barrier3A_11 = arith.constant 0 : index
    tpu.barrier barrier_id(%barrier3A_11)
    %mul3A_12 = arith.constant 256 : i32
    %mul3A_13 = arith.muli %arg1, %mul3A_12 : i32
    %mul3A_14 = arith.constant 4096 : i32
    %mul3A_15 = arith.muli %arg0, %mul3A_14 : i32
    %mul3A_16 = arith.constant 256 : i32
    %mul3A_17 = arith.muli %arg1, %mul3A_16 : i32
    %add3A_18 = arith.addi %mul3A_15, %mul3A_17 : i32
    "tpu.region"() ({
      %run_scoped3A = tpu.sem_alloc : memref<!tpu.dma_semaphore, #tpu.memory_space<semaphore_mem>>
      %dma_start3A = arith.constant 0 : i32
      %dma_start3A_19 = tpu.memref_slice %arg6[%add3A_18, %dma_start3A] : memref<8192x128xf32, #tpu.memory_space<hbm>> -> memref<256x128xf32, #tpu.memory_space<hbm>>
      %dma_start3A_20 = arith.constant 0 : i32
      %dma_start3A_21 = tpu.memref_slice %arg31[%mul3A_13, %dma_start3A_20] : memref<4096x128xf32, #tpu.memory_space<vmem_shared>> -> memref<256x128xf32, #tpu.memory_space<vmem_shared>>
      tpu.enqueue_dma source(%dma_start3A_21 : memref<256x128xf32, #tpu.memory_space<vmem_shared>>) target(%dma_start3A_19 : memref<256x128xf32, #tpu.memory_space<hbm>>) target_semaphore(%run_scoped3A : memref<!tpu.dma_semaphore, #tpu.memory_space<semaphore_mem>>)
      %dma_wait3A = arith.constant 0 : i32
      %dma_wait3A_22 = tpu.memref_slice %arg6[%add3A_18, %dma_wait3A] : memref<8192x128xf32, #tpu.memory_space<hbm>> -> memref<256x128xf32, #tpu.memory_space<hbm>>
      %dma_wait3A_23 = arith.constant 0 : i32
      %dma_wait3A_24 = tpu.memref_slice %arg31[%mul3A_13, %dma_wait3A_23] : memref<4096x128xf32, #tpu.memory_space<vmem_shared>> -> memref<256x128xf32, #tpu.memory_space<vmem_shared>>
      tpu.wait_dma2 semaphore(%run_scoped3A : memref<!tpu.dma_semaphore, #tpu.memory_space<semaphore_mem>>) src(%dma_wait3A_24 : memref<256x128xf32, #tpu.memory_space<vmem_shared>>) dst(%dma_wait3A_22 : memref<256x128xf32, #tpu.memory_space<hbm>>)
      tpu.yield
    }) : () -> ()
    return
  }
}

#map = affine_map<(d0, d1) -> (0)>
#map1 = affine_map<(d0, d1) -> (0, 0)>
module attributes {stable_mosaic.version = 14 : i64} {
  func.func @deg_kernel(%arg0: i32, %arg1: i32, %arg2: memref<131072xi32, #tpu.memory_space<hbm>>, %arg3: memref<131072xi32, #tpu.memory_space<hbm>>, %arg4: memref<128x128xf32, #tpu.memory_space<hbm>>, %arg5: memref<128x128xf32, #tpu.memory_space<hbm>>, %arg6: memref<4096x128xf32, #tpu.memory_space<hbm>>, %arg7: memref<8192x128xf32, #tpu.memory_space<hbm>>, %arg8: memref<128xi32, #tpu.memory_space<vmem>>, %arg9: memref<128xi32, #tpu.memory_space<vmem>>, %arg10: memref<128xi32, #tpu.memory_space<vmem>>, %arg11: memref<128xi32, #tpu.memory_space<vmem>>, %arg12: memref<128xi32, #tpu.memory_space<vmem>>, %arg13: memref<128xi32, #tpu.memory_space<vmem>>, %arg14: memref<128xi32, #tpu.memory_space<vmem>>, %arg15: memref<128xi32, #tpu.memory_space<vmem>>, %arg16: memref<128x128xf32, #tpu.memory_space<vmem>>, %arg17: memref<128x128xf32, #tpu.memory_space<vmem>>, %arg18: memref<!tpu.dma_semaphore, #tpu.memory_space<semaphore_mem>>, %arg19: memref<!tpu.dma_semaphore, #tpu.memory_space<semaphore_mem>>, %arg20: memref<!tpu.dma_semaphore, #tpu.memory_space<semaphore_mem>>, %arg21: memref<!tpu.dma_semaphore, #tpu.memory_space<semaphore_mem>>, %arg22: memref<!tpu.dma_semaphore, #tpu.memory_space<semaphore_mem>>, %arg23: memref<!tpu.dma_semaphore, #tpu.memory_space<semaphore_mem>>, %arg24: memref<!tpu.dma_semaphore, #tpu.memory_space<semaphore_mem>>, %arg25: memref<!tpu.dma_semaphore, #tpu.memory_space<semaphore_mem>>, %arg26: memref<4096x128xf32, #tpu.memory_space<vmem_shared>>) attributes {dimension_semantics = [#tpu.dimension_semantics<core_parallel>, #tpu.dimension_semantics<subcore_parallel>], iteration_bounds = array<i64: 2, 16>, scalar_prefetch = 0 : i64, scratch_operands = 19 : i64, tpu.core_type = #tpu.core_type<sc_vector_subcore>, window_params = [{transform_indices = #map}, {transform_indices = #map}, {transform_indices = #map1}, {transform_indices = #map1}, {transform_indices = #map1}, {transform_indices = #map1}]} {
    %mul3A = arith.constant 2 : i32
    %mul3A_0 = arith.muli %arg1, %mul3A : i32
    %add3A = arith.addi %mul3A_0, %arg0 : i32
    %mul3A_1 = arith.constant 256 : i32
    %mul3A_2 = arith.muli %arg1, %mul3A_1 : i32
    %mul3A_3 = arith.constant 256 : i32
    %mul3A_4 = arith.muli %arg1, %mul3A_3 : i32
    "tpu.region"() ({
      %run_scoped3A = tpu.sem_alloc : memref<!tpu.dma_semaphore, #tpu.memory_space<semaphore_mem>>
      %dma_start3A = arith.constant 0 : i32
      %dma_start3A_19 = tpu.memref_slice %arg26[%mul3A_4, %dma_start3A] : memref<4096x128xf32, #tpu.memory_space<vmem_shared>> -> memref<256x128xf32, #tpu.memory_space<vmem_shared>>
      %dma_start3A_20 = arith.constant 0 : i32
      %dma_start3A_21 = tpu.memref_slice %arg6[%mul3A_2, %dma_start3A_20] : memref<4096x128xf32, #tpu.memory_space<hbm>> -> memref<256x128xf32, #tpu.memory_space<hbm>>
      tpu.enqueue_dma source(%dma_start3A_21 : memref<256x128xf32, #tpu.memory_space<hbm>>) target(%dma_start3A_19 : memref<256x128xf32, #tpu.memory_space<vmem_shared>>) target_semaphore(%run_scoped3A : memref<!tpu.dma_semaphore, #tpu.memory_space<semaphore_mem>>)
      %dma_wait3A = arith.constant 0 : i32
      %dma_wait3A_22 = tpu.memref_slice %arg26[%mul3A_4, %dma_wait3A] : memref<4096x128xf32, #tpu.memory_space<vmem_shared>> -> memref<256x128xf32, #tpu.memory_space<vmem_shared>>
      %dma_wait3A_23 = arith.constant 0 : i32
      %dma_wait3A_24 = tpu.memref_slice %arg6[%mul3A_2, %dma_wait3A_23] : memref<4096x128xf32, #tpu.memory_space<hbm>> -> memref<256x128xf32, #tpu.memory_space<hbm>>
      tpu.wait_dma2 semaphore(%run_scoped3A : memref<!tpu.dma_semaphore, #tpu.memory_space<semaphore_mem>>) src(%dma_wait3A_24 : memref<256x128xf32, #tpu.memory_space<hbm>>) dst(%dma_wait3A_22 : memref<256x128xf32, #tpu.memory_space<vmem_shared>>)
      tpu.yield
    }) : () -> ()
    "tpu.region"() ({
      %run_scoped3A = tpu.sem_alloc : memref<!tpu.dma_semaphore, #tpu.memory_space<semaphore_mem>>
      tpu.enqueue_dma source(%arg4 : memref<128x128xf32, #tpu.memory_space<hbm>>) target(%arg16 : memref<128x128xf32, #tpu.memory_space<vmem>>) target_semaphore(%run_scoped3A : memref<!tpu.dma_semaphore, #tpu.memory_space<semaphore_mem>>)
      tpu.wait_dma2 semaphore(%run_scoped3A : memref<!tpu.dma_semaphore, #tpu.memory_space<semaphore_mem>>) src(%arg4 : memref<128x128xf32, #tpu.memory_space<hbm>>) dst(%arg16 : memref<128x128xf32, #tpu.memory_space<vmem>>)
      tpu.yield
    }) : () -> ()
    "tpu.region"() ({
      %run_scoped3A = tpu.sem_alloc : memref<!tpu.dma_semaphore, #tpu.memory_space<semaphore_mem>>
      tpu.enqueue_dma source(%arg5 : memref<128x128xf32, #tpu.memory_space<hbm>>) target(%arg17 : memref<128x128xf32, #tpu.memory_space<vmem>>) target_semaphore(%run_scoped3A : memref<!tpu.dma_semaphore, #tpu.memory_space<semaphore_mem>>)
      tpu.wait_dma2 semaphore(%run_scoped3A : memref<!tpu.dma_semaphore, #tpu.memory_space<semaphore_mem>>) src(%arg5 : memref<128x128xf32, #tpu.memory_space<hbm>>) dst(%arg17 : memref<128x128xf32, #tpu.memory_space<vmem>>)
      tpu.yield
    }) : () -> ()
    %barrier3A = arith.constant 0 : index
    tpu.barrier barrier_id(%barrier3A)
    %mul3A_5 = arith.constant 4096 : i32
    %mul3A_6 = arith.muli %add3A, %mul3A_5 : i32
    %scan3A = arith.constant 0 : i32
    %scan3A_7 = arith.constant 8 : i32
    %scan3A_8 = arith.addi %scan3A, %scan3A_7 : i32
    %scan3A_9 = arith.constant 1 : i32
    scf.for %scan3A_19 = %scan3A to %scan3A_8 step %scan3A_9  : i32 {
      %mul3A_20 = arith.constant 1 : i32
      %mul3A_21 = arith.muli %scan3A_19, %mul3A_20 : i32
      %add3A_22 = arith.constant 0 : i32
      %add3A_23 = arith.addi %add3A_22, %mul3A_21 : i32
      %mul3A_24 = arith.constant 512 : i32
      %mul3A_25 = arith.muli %add3A_23, %mul3A_24 : i32
      %add3A_26 = arith.addi %mul3A_6, %mul3A_25 : i32
      %add3A_27 = arith.constant 0 : i32
      %add3A_28 = arith.addi %add3A_26, %add3A_27 : i32
      %dma_start3A = tpu.memref_slice %arg2[%add3A_28] : memref<131072xi32, #tpu.memory_space<hbm>> -> memref<128xi32, #tpu.memory_space<hbm>>
      %dma_start3A_29 = tpu.memref_slice %arg2[%add3A_28] : memref<131072xi32, #tpu.memory_space<hbm>> -> memref<128xi32, #tpu.memory_space<hbm>>
      tpu.enqueue_dma source(%dma_start3A_29 : memref<128xi32, #tpu.memory_space<hbm>>) target(%arg8 : memref<128xi32, #tpu.memory_space<vmem>>) target_semaphore(%arg18 : memref<!tpu.dma_semaphore, #tpu.memory_space<semaphore_mem>>)
      %dma_start3A_30 = tpu.memref_slice %arg3[%add3A_28] : memref<131072xi32, #tpu.memory_space<hbm>> -> memref<128xi32, #tpu.memory_space<hbm>>
      %dma_start3A_31 = tpu.memref_slice %arg3[%add3A_28] : memref<131072xi32, #tpu.memory_space<hbm>> -> memref<128xi32, #tpu.memory_space<hbm>>
      tpu.enqueue_dma source(%dma_start3A_31 : memref<128xi32, #tpu.memory_space<hbm>>) target(%arg12 : memref<128xi32, #tpu.memory_space<vmem>>) target_semaphore(%arg22 : memref<!tpu.dma_semaphore, #tpu.memory_space<semaphore_mem>>)
      %add3A_32 = arith.constant 128 : i32
      %add3A_33 = arith.addi %add3A_26, %add3A_32 : i32
      %dma_start3A_34 = tpu.memref_slice %arg2[%add3A_33] : memref<131072xi32, #tpu.memory_space<hbm>> -> memref<128xi32, #tpu.memory_space<hbm>>
      %dma_start3A_35 = tpu.memref_slice %arg2[%add3A_33] : memref<131072xi32, #tpu.memory_space<hbm>> -> memref<128xi32, #tpu.memory_space<hbm>>
      tpu.enqueue_dma source(%dma_start3A_35 : memref<128xi32, #tpu.memory_space<hbm>>) target(%arg9 : memref<128xi32, #tpu.memory_space<vmem>>) target_semaphore(%arg19 : memref<!tpu.dma_semaphore, #tpu.memory_space<semaphore_mem>>)
      %dma_start3A_36 = tpu.memref_slice %arg3[%add3A_33] : memref<131072xi32, #tpu.memory_space<hbm>> -> memref<128xi32, #tpu.memory_space<hbm>>
      %dma_start3A_37 = tpu.memref_slice %arg3[%add3A_33] : memref<131072xi32, #tpu.memory_space<hbm>> -> memref<128xi32, #tpu.memory_space<hbm>>
      tpu.enqueue_dma source(%dma_start3A_37 : memref<128xi32, #tpu.memory_space<hbm>>) target(%arg13 : memref<128xi32, #tpu.memory_space<vmem>>) target_semaphore(%arg23 : memref<!tpu.dma_semaphore, #tpu.memory_space<semaphore_mem>>)
      %add3A_38 = arith.constant 256 : i32
      %add3A_39 = arith.addi %add3A_26, %add3A_38 : i32
      %dma_start3A_40 = tpu.memref_slice %arg2[%add3A_39] : memref<131072xi32, #tpu.memory_space<hbm>> -> memref<128xi32, #tpu.memory_space<hbm>>
      %dma_start3A_41 = tpu.memref_slice %arg2[%add3A_39] : memref<131072xi32, #tpu.memory_space<hbm>> -> memref<128xi32, #tpu.memory_space<hbm>>
      tpu.enqueue_dma source(%dma_start3A_41 : memref<128xi32, #tpu.memory_space<hbm>>) target(%arg10 : memref<128xi32, #tpu.memory_space<vmem>>) target_semaphore(%arg20 : memref<!tpu.dma_semaphore, #tpu.memory_space<semaphore_mem>>)
      %dma_start3A_42 = tpu.memref_slice %arg3[%add3A_39] : memref<131072xi32, #tpu.memory_space<hbm>> -> memref<128xi32, #tpu.memory_space<hbm>>
      %dma_start3A_43 = tpu.memref_slice %arg3[%add3A_39] : memref<131072xi32, #tpu.memory_space<hbm>> -> memref<128xi32, #tpu.memory_space<hbm>>
      tpu.enqueue_dma source(%dma_start3A_43 : memref<128xi32, #tpu.memory_space<hbm>>) target(%arg14 : memref<128xi32, #tpu.memory_space<vmem>>) target_semaphore(%arg24 : memref<!tpu.dma_semaphore, #tpu.memory_space<semaphore_mem>>)
      %add3A_44 = arith.constant 384 : i32
      %add3A_45 = arith.addi %add3A_26, %add3A_44 : i32
      %dma_start3A_46 = tpu.memref_slice %arg2[%add3A_45] : memref<131072xi32, #tpu.memory_space<hbm>> -> memref<128xi32, #tpu.memory_space<hbm>>
      %dma_start3A_47 = tpu.memref_slice %arg2[%add3A_45] : memref<131072xi32, #tpu.memory_space<hbm>> -> memref<128xi32, #tpu.memory_space<hbm>>
      tpu.enqueue_dma source(%dma_start3A_47 : memref<128xi32, #tpu.memory_space<hbm>>) target(%arg11 : memref<128xi32, #tpu.memory_space<vmem>>) target_semaphore(%arg21 : memref<!tpu.dma_semaphore, #tpu.memory_space<semaphore_mem>>)
      %dma_start3A_48 = tpu.memref_slice %arg3[%add3A_45] : memref<131072xi32, #tpu.memory_space<hbm>> -> memref<128xi32, #tpu.memory_space<hbm>>
      %dma_start3A_49 = tpu.memref_slice %arg3[%add3A_45] : memref<131072xi32, #tpu.memory_space<hbm>> -> memref<128xi32, #tpu.memory_space<hbm>>
      tpu.enqueue_dma source(%dma_start3A_49 : memref<128xi32, #tpu.memory_space<hbm>>) target(%arg15 : memref<128xi32, #tpu.memory_space<vmem>>) target_semaphore(%arg25 : memref<!tpu.dma_semaphore, #tpu.memory_space<semaphore_mem>>)
      %dma_wait3A = tpu.memref_slice %arg2[%add3A_28] : memref<131072xi32, #tpu.memory_space<hbm>> -> memref<128xi32, #tpu.memory_space<hbm>>
      %dma_wait3A_50 = tpu.memref_slice %arg2[%add3A_28] : memref<131072xi32, #tpu.memory_space<hbm>> -> memref<128xi32, #tpu.memory_space<hbm>>
      tpu.wait_dma2 semaphore(%arg18 : memref<!tpu.dma_semaphore, #tpu.memory_space<semaphore_mem>>) src(%dma_wait3A_50 : memref<128xi32, #tpu.memory_space<hbm>>) dst(%arg8 : memref<128xi32, #tpu.memory_space<vmem>>)
      "tpu.region"() ({
        %run_scoped3A = tpu.sem_alloc : memref<!tpu.dma_semaphore, #tpu.memory_space<semaphore_mem>>
        %dma_start3A_65 = arith.constant 0 : i32
        %dma_start3A_66 = arith.constant 0 : i32
        %dma_start3A_67 = tpu.memref_slice %arg26[%dma_start3A_65, %dma_start3A_66] : memref<4096x128xf32, #tpu.memory_space<vmem_shared>> -> memref<4096x128xf32, #tpu.memory_space<vmem_shared>>
        tpu.enqueue_indirect_dma source(%arg16 : memref<128x128xf32, #tpu.memory_space<vmem>>) target(%dma_start3A_67 : memref<4096x128xf32, #tpu.memory_space<vmem_shared>>) offsets(%arg8 : memref<128xi32, #tpu.memory_space<vmem>>) semaphore(%run_scoped3A : memref<!tpu.dma_semaphore, #tpu.memory_space<semaphore_mem>>) {add = true}
        %dma_wait3A_68 = arith.constant 0 : i32
        %dma_wait3A_69 = arith.constant 0 : i32
        %dma_wait3A_70 = tpu.memref_slice %arg26[%dma_wait3A_68, %dma_wait3A_69] : memref<4096x128xf32, #tpu.memory_space<vmem_shared>> -> memref<4096x128xf32, #tpu.memory_space<vmem_shared>>
        tpu.wait_indirect_dma semaphore(%run_scoped3A : memref<!tpu.dma_semaphore, #tpu.memory_space<semaphore_mem>>) src(%arg16 : memref<128x128xf32, #tpu.memory_space<vmem>>) dst(%dma_wait3A_70 : memref<4096x128xf32, #tpu.memory_space<vmem_shared>>)
        tpu.yield
      }) : () -> ()
      %dma_wait3A_51 = tpu.memref_slice %arg3[%add3A_28] : memref<131072xi32, #tpu.memory_space<hbm>> -> memref<128xi32, #tpu.memory_space<hbm>>
      %dma_wait3A_52 = tpu.memref_slice %arg3[%add3A_28] : memref<131072xi32, #tpu.memory_space<hbm>> -> memref<128xi32, #tpu.memory_space<hbm>>
      tpu.wait_dma2 semaphore(%arg22 : memref<!tpu.dma_semaphore, #tpu.memory_space<semaphore_mem>>) src(%dma_wait3A_52 : memref<128xi32, #tpu.memory_space<hbm>>) dst(%arg12 : memref<128xi32, #tpu.memory_space<vmem>>)
      "tpu.region"() ({
        %run_scoped3A = tpu.sem_alloc : memref<!tpu.dma_semaphore, #tpu.memory_space<semaphore_mem>>
        %dma_start3A_65 = arith.constant 0 : i32
        %dma_start3A_66 = arith.constant 0 : i32
        %dma_start3A_67 = tpu.memref_slice %arg26[%dma_start3A_65, %dma_start3A_66] : memref<4096x128xf32, #tpu.memory_space<vmem_shared>> -> memref<4096x128xf32, #tpu.memory_space<vmem_shared>>
        tpu.enqueue_indirect_dma source(%arg17 : memref<128x128xf32, #tpu.memory_space<vmem>>) target(%dma_start3A_67 : memref<4096x128xf32, #tpu.memory_space<vmem_shared>>) offsets(%arg12 : memref<128xi32, #tpu.memory_space<vmem>>) semaphore(%run_scoped3A : memref<!tpu.dma_semaphore, #tpu.memory_space<semaphore_mem>>) {add = true}
        %dma_wait3A_68 = arith.constant 0 : i32
        %dma_wait3A_69 = arith.constant 0 : i32
        %dma_wait3A_70 = tpu.memref_slice %arg26[%dma_wait3A_68, %dma_wait3A_69] : memref<4096x128xf32, #tpu.memory_space<vmem_shared>> -> memref<4096x128xf32, #tpu.memory_space<vmem_shared>>
        tpu.wait_indirect_dma semaphore(%run_scoped3A : memref<!tpu.dma_semaphore, #tpu.memory_space<semaphore_mem>>) src(%arg17 : memref<128x128xf32, #tpu.memory_space<vmem>>) dst(%dma_wait3A_70 : memref<4096x128xf32, #tpu.memory_space<vmem_shared>>)
        tpu.yield
      }) : () -> ()
      %dma_wait3A_53 = tpu.memref_slice %arg2[%add3A_33] : memref<131072xi32, #tpu.memory_space<hbm>> -> memref<128xi32, #tpu.memory_space<hbm>>
      %dma_wait3A_54 = tpu.memref_slice %arg2[%add3A_33] : memref<131072xi32, #tpu.memory_space<hbm>> -> memref<128xi32, #tpu.memory_space<hbm>>
      tpu.wait_dma2 semaphore(%arg19 : memref<!tpu.dma_semaphore, #tpu.memory_space<semaphore_mem>>) src(%dma_wait3A_54 : memref<128xi32, #tpu.memory_space<hbm>>) dst(%arg9 : memref<128xi32, #tpu.memory_space<vmem>>)
      "tpu.region"() ({
        %run_scoped3A = tpu.sem_alloc : memref<!tpu.dma_semaphore, #tpu.memory_space<semaphore_mem>>
        %dma_start3A_65 = arith.constant 0 : i32
        %dma_start3A_66 = arith.constant 0 : i32
        %dma_start3A_67 = tpu.memref_slice %arg26[%dma_start3A_65, %dma_start3A_66] : memref<4096x128xf32, #tpu.memory_space<vmem_shared>> -> memref<4096x128xf32, #tpu.memory_space<vmem_shared>>
        tpu.enqueue_indirect_dma source(%arg16 : memref<128x128xf32, #tpu.memory_space<vmem>>) target(%dma_start3A_67 : memref<4096x128xf32, #tpu.memory_space<vmem_shared>>) offsets(%arg9 : memref<128xi32, #tpu.memory_space<vmem>>) semaphore(%run_scoped3A : memref<!tpu.dma_semaphore, #tpu.memory_space<semaphore_mem>>) {add = true}
        %dma_wait3A_68 = arith.constant 0 : i32
        %dma_wait3A_69 = arith.constant 0 : i32
        %dma_wait3A_70 = tpu.memref_slice %arg26[%dma_wait3A_68, %dma_wait3A_69] : memref<4096x128xf32, #tpu.memory_space<vmem_shared>> -> memref<4096x128xf32, #tpu.memory_space<vmem_shared>>
        tpu.wait_indirect_dma semaphore(%run_scoped3A : memref<!tpu.dma_semaphore, #tpu.memory_space<semaphore_mem>>) src(%arg16 : memref<128x128xf32, #tpu.memory_space<vmem>>) dst(%dma_wait3A_70 : memref<4096x128xf32, #tpu.memory_space<vmem_shared>>)
        tpu.yield
      }) : () -> ()
      %dma_wait3A_55 = tpu.memref_slice %arg3[%add3A_33] : memref<131072xi32, #tpu.memory_space<hbm>> -> memref<128xi32, #tpu.memory_space<hbm>>
      %dma_wait3A_56 = tpu.memref_slice %arg3[%add3A_33] : memref<131072xi32, #tpu.memory_space<hbm>> -> memref<128xi32, #tpu.memory_space<hbm>>
      tpu.wait_dma2 semaphore(%arg23 : memref<!tpu.dma_semaphore, #tpu.memory_space<semaphore_mem>>) src(%dma_wait3A_56 : memref<128xi32, #tpu.memory_space<hbm>>) dst(%arg13 : memref<128xi32, #tpu.memory_space<vmem>>)
      "tpu.region"() ({
        %run_scoped3A = tpu.sem_alloc : memref<!tpu.dma_semaphore, #tpu.memory_space<semaphore_mem>>
        %dma_start3A_65 = arith.constant 0 : i32
        %dma_start3A_66 = arith.constant 0 : i32
        %dma_start3A_67 = tpu.memref_slice %arg26[%dma_start3A_65, %dma_start3A_66] : memref<4096x128xf32, #tpu.memory_space<vmem_shared>> -> memref<4096x128xf32, #tpu.memory_space<vmem_shared>>
        tpu.enqueue_indirect_dma source(%arg17 : memref<128x128xf32, #tpu.memory_space<vmem>>) target(%dma_start3A_67 : memref<4096x128xf32, #tpu.memory_space<vmem_shared>>) offsets(%arg13 : memref<128xi32, #tpu.memory_space<vmem>>) semaphore(%run_scoped3A : memref<!tpu.dma_semaphore, #tpu.memory_space<semaphore_mem>>) {add = true}
        %dma_wait3A_68 = arith.constant 0 : i32
        %dma_wait3A_69 = arith.constant 0 : i32
        %dma_wait3A_70 = tpu.memref_slice %arg26[%dma_wait3A_68, %dma_wait3A_69] : memref<4096x128xf32, #tpu.memory_space<vmem_shared>> -> memref<4096x128xf32, #tpu.memory_space<vmem_shared>>
        tpu.wait_indirect_dma semaphore(%run_scoped3A : memref<!tpu.dma_semaphore, #tpu.memory_space<semaphore_mem>>) src(%arg17 : memref<128x128xf32, #tpu.memory_space<vmem>>) dst(%dma_wait3A_70 : memref<4096x128xf32, #tpu.memory_space<vmem_shared>>)
        tpu.yield
      }) : () -> ()
      %dma_wait3A_57 = tpu.memref_slice %arg2[%add3A_39] : memref<131072xi32, #tpu.memory_space<hbm>> -> memref<128xi32, #tpu.memory_space<hbm>>
      %dma_wait3A_58 = tpu.memref_slice %arg2[%add3A_39] : memref<131072xi32, #tpu.memory_space<hbm>> -> memref<128xi32, #tpu.memory_space<hbm>>
      tpu.wait_dma2 semaphore(%arg20 : memref<!tpu.dma_semaphore, #tpu.memory_space<semaphore_mem>>) src(%dma_wait3A_58 : memref<128xi32, #tpu.memory_space<hbm>>) dst(%arg10 : memref<128xi32, #tpu.memory_space<vmem>>)
      "tpu.region"() ({
        %run_scoped3A = tpu.sem_alloc : memref<!tpu.dma_semaphore, #tpu.memory_space<semaphore_mem>>
        %dma_start3A_65 = arith.constant 0 : i32
        %dma_start3A_66 = arith.constant 0 : i32
        %dma_start3A_67 = tpu.memref_slice %arg26[%dma_start3A_65, %dma_start3A_66] : memref<4096x128xf32, #tpu.memory_space<vmem_shared>> -> memref<4096x128xf32, #tpu.memory_space<vmem_shared>>
        tpu.enqueue_indirect_dma source(%arg16 : memref<128x128xf32, #tpu.memory_space<vmem>>) target(%dma_start3A_67 : memref<4096x128xf32, #tpu.memory_space<vmem_shared>>) offsets(%arg10 : memref<128xi32, #tpu.memory_space<vmem>>) semaphore(%run_scoped3A : memref<!tpu.dma_semaphore, #tpu.memory_space<semaphore_mem>>) {add = true}
        %dma_wait3A_68 = arith.constant 0 : i32
        %dma_wait3A_69 = arith.constant 0 : i32
        %dma_wait3A_70 = tpu.memref_slice %arg26[%dma_wait3A_68, %dma_wait3A_69] : memref<4096x128xf32, #tpu.memory_space<vmem_shared>> -> memref<4096x128xf32, #tpu.memory_space<vmem_shared>>
        tpu.wait_indirect_dma semaphore(%run_scoped3A : memref<!tpu.dma_semaphore, #tpu.memory_space<semaphore_mem>>) src(%arg16 : memref<128x128xf32, #tpu.memory_space<vmem>>) dst(%dma_wait3A_70 : memref<4096x128xf32, #tpu.memory_space<vmem_shared>>)
        tpu.yield
      }) : () -> ()
      %dma_wait3A_59 = tpu.memref_slice %arg3[%add3A_39] : memref<131072xi32, #tpu.memory_space<hbm>> -> memref<128xi32, #tpu.memory_space<hbm>>
      %dma_wait3A_60 = tpu.memref_slice %arg3[%add3A_39] : memref<131072xi32, #tpu.memory_space<hbm>> -> memref<128xi32, #tpu.memory_space<hbm>>
      tpu.wait_dma2 semaphore(%arg24 : memref<!tpu.dma_semaphore, #tpu.memory_space<semaphore_mem>>) src(%dma_wait3A_60 : memref<128xi32, #tpu.memory_space<hbm>>) dst(%arg14 : memref<128xi32, #tpu.memory_space<vmem>>)
      "tpu.region"() ({
        %run_scoped3A = tpu.sem_alloc : memref<!tpu.dma_semaphore, #tpu.memory_space<semaphore_mem>>
        %dma_start3A_65 = arith.constant 0 : i32
        %dma_start3A_66 = arith.constant 0 : i32
        %dma_start3A_67 = tpu.memref_slice %arg26[%dma_start3A_65, %dma_start3A_66] : memref<4096x128xf32, #tpu.memory_space<vmem_shared>> -> memref<4096x128xf32, #tpu.memory_space<vmem_shared>>
        tpu.enqueue_indirect_dma source(%arg17 : memref<128x128xf32, #tpu.memory_space<vmem>>) target(%dma_start3A_67 : memref<4096x128xf32, #tpu.memory_space<vmem_shared>>) offsets(%arg14 : memref<128xi32, #tpu.memory_space<vmem>>) semaphore(%run_scoped3A : memref<!tpu.dma_semaphore, #tpu.memory_space<semaphore_mem>>) {add = true}
        %dma_wait3A_68 = arith.constant 0 : i32
        %dma_wait3A_69 = arith.constant 0 : i32
        %dma_wait3A_70 = tpu.memref_slice %arg26[%dma_wait3A_68, %dma_wait3A_69] : memref<4096x128xf32, #tpu.memory_space<vmem_shared>> -> memref<4096x128xf32, #tpu.memory_space<vmem_shared>>
        tpu.wait_indirect_dma semaphore(%run_scoped3A : memref<!tpu.dma_semaphore, #tpu.memory_space<semaphore_mem>>) src(%arg17 : memref<128x128xf32, #tpu.memory_space<vmem>>) dst(%dma_wait3A_70 : memref<4096x128xf32, #tpu.memory_space<vmem_shared>>)
        tpu.yield
      }) : () -> ()
      %dma_wait3A_61 = tpu.memref_slice %arg2[%add3A_45] : memref<131072xi32, #tpu.memory_space<hbm>> -> memref<128xi32, #tpu.memory_space<hbm>>
      %dma_wait3A_62 = tpu.memref_slice %arg2[%add3A_45] : memref<131072xi32, #tpu.memory_space<hbm>> -> memref<128xi32, #tpu.memory_space<hbm>>
      tpu.wait_dma2 semaphore(%arg21 : memref<!tpu.dma_semaphore, #tpu.memory_space<semaphore_mem>>) src(%dma_wait3A_62 : memref<128xi32, #tpu.memory_space<hbm>>) dst(%arg11 : memref<128xi32, #tpu.memory_space<vmem>>)
      "tpu.region"() ({
        %run_scoped3A = tpu.sem_alloc : memref<!tpu.dma_semaphore, #tpu.memory_space<semaphore_mem>>
        %dma_start3A_65 = arith.constant 0 : i32
        %dma_start3A_66 = arith.constant 0 : i32
        %dma_start3A_67 = tpu.memref_slice %arg26[%dma_start3A_65, %dma_start3A_66] : memref<4096x128xf32, #tpu.memory_space<vmem_shared>> -> memref<4096x128xf32, #tpu.memory_space<vmem_shared>>
        tpu.enqueue_indirect_dma source(%arg16 : memref<128x128xf32, #tpu.memory_space<vmem>>) target(%dma_start3A_67 : memref<4096x128xf32, #tpu.memory_space<vmem_shared>>) offsets(%arg11 : memref<128xi32, #tpu.memory_space<vmem>>) semaphore(%run_scoped3A : memref<!tpu.dma_semaphore, #tpu.memory_space<semaphore_mem>>) {add = true}
        %dma_wait3A_68 = arith.constant 0 : i32
        %dma_wait3A_69 = arith.constant 0 : i32
        %dma_wait3A_70 = tpu.memref_slice %arg26[%dma_wait3A_68, %dma_wait3A_69] : memref<4096x128xf32, #tpu.memory_space<vmem_shared>> -> memref<4096x128xf32, #tpu.memory_space<vmem_shared>>
        tpu.wait_indirect_dma semaphore(%run_scoped3A : memref<!tpu.dma_semaphore, #tpu.memory_space<semaphore_mem>>) src(%arg16 : memref<128x128xf32, #tpu.memory_space<vmem>>) dst(%dma_wait3A_70 : memref<4096x128xf32, #tpu.memory_space<vmem_shared>>)
        tpu.yield
      }) : () -> ()
      %dma_wait3A_63 = tpu.memref_slice %arg3[%add3A_45] : memref<131072xi32, #tpu.memory_space<hbm>> -> memref<128xi32, #tpu.memory_space<hbm>>
      %dma_wait3A_64 = tpu.memref_slice %arg3[%add3A_45] : memref<131072xi32, #tpu.memory_space<hbm>> -> memref<128xi32, #tpu.memory_space<hbm>>
      tpu.wait_dma2 semaphore(%arg25 : memref<!tpu.dma_semaphore, #tpu.memory_space<semaphore_mem>>) src(%dma_wait3A_64 : memref<128xi32, #tpu.memory_space<hbm>>) dst(%arg15 : memref<128xi32, #tpu.memory_space<vmem>>)
      "tpu.region"() ({
        %run_scoped3A = tpu.sem_alloc : memref<!tpu.dma_semaphore, #tpu.memory_space<semaphore_mem>>
        %dma_start3A_65 = arith.constant 0 : i32
        %dma_start3A_66 = arith.constant 0 : i32
        %dma_start3A_67 = tpu.memref_slice %arg26[%dma_start3A_65, %dma_start3A_66] : memref<4096x128xf32, #tpu.memory_space<vmem_shared>> -> memref<4096x128xf32, #tpu.memory_space<vmem_shared>>
        tpu.enqueue_indirect_dma source(%arg17 : memref<128x128xf32, #tpu.memory_space<vmem>>) target(%dma_start3A_67 : memref<4096x128xf32, #tpu.memory_space<vmem_shared>>) offsets(%arg15 : memref<128xi32, #tpu.memory_space<vmem>>) semaphore(%run_scoped3A : memref<!tpu.dma_semaphore, #tpu.memory_space<semaphore_mem>>) {add = true}
        %dma_wait3A_68 = arith.constant 0 : i32
        %dma_wait3A_69 = arith.constant 0 : i32
        %dma_wait3A_70 = tpu.memref_slice %arg26[%dma_wait3A_68, %dma_wait3A_69] : memref<4096x128xf32, #tpu.memory_space<vmem_shared>> -> memref<4096x128xf32, #tpu.memory_space<vmem_shared>>
        tpu.wait_indirect_dma semaphore(%run_scoped3A : memref<!tpu.dma_semaphore, #tpu.memory_space<semaphore_mem>>) src(%arg17 : memref<128x128xf32, #tpu.memory_space<vmem>>) dst(%dma_wait3A_70 : memref<4096x128xf32, #tpu.memory_space<vmem_shared>>)
        tpu.yield
      }) : () -> ()
    }
    %scan3A_10 = arith.constant 8 : i32
    %barrier3A_11 = arith.constant 0 : index
    tpu.barrier barrier_id(%barrier3A_11)
    %mul3A_12 = arith.constant 256 : i32
    %mul3A_13 = arith.muli %arg1, %mul3A_12 : i32
    %mul3A_14 = arith.constant 4096 : i32
    %mul3A_15 = arith.muli %arg0, %mul3A_14 : i32
    %mul3A_16 = arith.constant 256 : i32
    %mul3A_17 = arith.muli %arg1, %mul3A_16 : i32
    %add3A_18 = arith.addi %mul3A_15, %mul3A_17 : i32
    "tpu.region"() ({
      %run_scoped3A = tpu.sem_alloc : memref<!tpu.dma_semaphore, #tpu.memory_space<semaphore_mem>>
      %dma_start3A = arith.constant 0 : i32
      %dma_start3A_19 = tpu.memref_slice %arg7[%add3A_18, %dma_start3A] : memref<8192x128xf32, #tpu.memory_space<hbm>> -> memref<256x128xf32, #tpu.memory_space<hbm>>
      %dma_start3A_20 = arith.constant 0 : i32
      %dma_start3A_21 = tpu.memref_slice %arg26[%mul3A_13, %dma_start3A_20] : memref<4096x128xf32, #tpu.memory_space<vmem_shared>> -> memref<256x128xf32, #tpu.memory_space<vmem_shared>>
      tpu.enqueue_dma source(%dma_start3A_21 : memref<256x128xf32, #tpu.memory_space<vmem_shared>>) target(%dma_start3A_19 : memref<256x128xf32, #tpu.memory_space<hbm>>) target_semaphore(%run_scoped3A : memref<!tpu.dma_semaphore, #tpu.memory_space<semaphore_mem>>)
      %dma_wait3A = arith.constant 0 : i32
      %dma_wait3A_22 = tpu.memref_slice %arg7[%add3A_18, %dma_wait3A] : memref<8192x128xf32, #tpu.memory_space<hbm>> -> memref<256x128xf32, #tpu.memory_space<hbm>>
      %dma_wait3A_23 = arith.constant 0 : i32
      %dma_wait3A_24 = tpu.memref_slice %arg26[%mul3A_13, %dma_wait3A_23] : memref<4096x128xf32, #tpu.memory_space<vmem_shared>> -> memref<256x128xf32, #tpu.memory_space<vmem_shared>>
      tpu.wait_dma2 semaphore(%run_scoped3A : memref<!tpu.dma_semaphore, #tpu.memory_space<semaphore_mem>>) src(%dma_wait3A_24 : memref<256x128xf32, #tpu.memory_space<vmem_shared>>) dst(%dma_wait3A_22 : memref<256x128xf32, #tpu.memory_space<hbm>>)
      tpu.yield
    }) : () -> ()
    return
  }
}

module attributes {stable_mosaic.version = 14 : i64} {
  func.func @_fusion_body(%arg0: i32, %arg1: memref<256x1024xf32, #tpu.memory_space<vmem>>, %arg2: memref<256x256xf32, #tpu.memory_space<vmem>>, %arg3: memref<1024x256xf32, #tpu.memory_space<vmem>>, %arg4: memref<1x256xf32, #tpu.memory_space<vmem>>, %arg5: memref<256x64xf32, #tpu.memory_space<vmem>>, %arg6: memref<1x64xf32, #tpu.memory_space<vmem>>, %arg7: memref<1x64xf32, #tpu.memory_space<vmem>>, %arg8: memref<256x128xf32, #tpu.memory_space<vmem>>, %arg9: memref<256x128xf32, #tpu.memory_space<vmem>>) attributes {dimension_semantics = [#tpu.dimension_semantics<arbitrary>], iteration_bounds = array<i64: 16>, scalar_prefetch = 0 : i64, scratch_operands = 0 : i64, tpu.core_type = #tpu.core_type<tc>, window_params = [{transform_indices = @transform_0, window_bounds = array<i64: 256, 1024>}, {transform_indices = @transform_1, window_bounds = array<i64: 256, 256>}, {pipeline_mode = #tpu.pipeline_mode<synchronous>, transform_indices = @transform_2, window_bounds = array<i64: 1024, 256>}, {pipeline_mode = #tpu.pipeline_mode<synchronous>, transform_indices = @transform_3, window_bounds = array<i64: 1, 256>}, {pipeline_mode = #tpu.pipeline_mode<synchronous>, transform_indices = @transform_4, window_bounds = array<i64: 256, 64>}, {pipeline_mode = #tpu.pipeline_mode<synchronous>, transform_indices = @transform_5, window_bounds = array<i64: 1, 64>}, {pipeline_mode = #tpu.pipeline_mode<synchronous>, transform_indices = @transform_6, window_bounds = array<i64: 1, 64>}, {pipeline_mode = #tpu.pipeline_mode<synchronous>, transform_indices = @transform_7, window_bounds = array<i64: 256, 128>}, {transform_indices = @transform_8, window_bounds = array<i64: 256, 128>}]} {
    %get3A = arith.constant 0 : index
    %get3A_0 = arith.constant 0 : index
    %get3A_1 = vector.load %arg2[%get3A, %get3A_0] : memref<256x256xf32, #tpu.memory_space<vmem>>, vector<256x256xf32>
    %get3A_2 = arith.constant 0 : index
    %get3A_3 = arith.constant 0 : index
    %get3A_4 = vector.load %arg1[%get3A_2, %get3A_3] : memref<256x1024xf32, #tpu.memory_space<vmem>>, vector<256x1024xf32>
    %convert_element_type3A = arith.truncf %get3A_4 : vector<256x1024xf32> to vector<256x1024xbf16>
    %get3A_5 = arith.constant 0 : index
    %get3A_6 = arith.constant 0 : index
    %get3A_7 = vector.load %arg3[%get3A_5, %get3A_6] : memref<1024x256xf32, #tpu.memory_space<vmem>>, vector<1024x256xf32>
    %convert_element_type3A_8 = arith.truncf %get3A_7 : vector<1024x256xf32> to vector<1024x256xbf16>
    %dot_general3A = arith.constant dense<0.000000e+00> : vector<256x256xf32>
    %dot_general3A_9 = tpu.matmul %convert_element_type3A, %convert_element_type3A_8, %dot_general3A {dimension_numbers = #tpu.dot_dimension_numbers<[1], [0], [0], [1], [0, 0, 1, 1], [], []>, transpose_lhs_hint = false} : vector<256x1024xbf16>, vector<1024x256xbf16>, vector<256x256xf32> -> vector<256x256xf32>
    %get3A_10 = arith.constant 0 : index
    %get3A_11 = arith.constant 0 : index
    %get3A_12 = vector.load %arg4[%get3A_10, %get3A_11] : memref<1x256xf32, #tpu.memory_space<vmem>>, vector<1x256xf32>
    %add3A = vector.broadcast %get3A_12 : vector<1x256xf32> to vector<256x256xf32>
    %add3A_13 = arith.addf %dot_general3A_9, %add3A : vector<256x256xf32>
    %get3A_14 = arith.constant 0 : index
    %get3A_15 = arith.constant 0 : index
    %get3A_16 = vector.load %arg5[%get3A_14, %get3A_15] : memref<256x64xf32, #tpu.memory_space<vmem>>, vector<256x64xf32>
    %get3A_17 = arith.constant 0 : index
    %get3A_18 = arith.constant 0 : index
    %get3A_19 = vector.load %arg6[%get3A_17, %get3A_18] : memref<1x64xf32, #tpu.memory_space<vmem>>, vector<1x64xf32>
    %get3A_20 = arith.constant 0 : index
    %get3A_21 = arith.constant 0 : index
    %get3A_22 = vector.load %arg7[%get3A_20, %get3A_21] : memref<1x64xf32, #tpu.memory_space<vmem>>, vector<1x64xf32>
    %dot_general3A_23 = arith.constant dense<0.000000e+00> : vector<256x64xf32>
    %dot_general3A_24 = tpu.matmul %get3A_1, %get3A_16, %dot_general3A_23 {dimension_numbers = #tpu.dot_dimension_numbers<[1], [0], [0], [1], [0, 0, 1, 1], [], []>, transpose_lhs_hint = false} : vector<256x256xf32>, vector<256x64xf32>, vector<256x64xf32> -> vector<256x64xf32>
    %add3A_25 = vector.broadcast %get3A_19 : vector<1x64xf32> to vector<256x64xf32>
    %add3A_26 = arith.addf %dot_general3A_24, %add3A_25 : vector<256x64xf32>
    %max3A = arith.constant 0.000000e+00 : f32
    %max3A_27 = vector.broadcast %max3A : f32 to vector<256x64xf32>
    %max3A_28 = arith.maximumf %add3A_26, %max3A_27 : vector<256x64xf32>
    %mul3A = vector.broadcast %get3A_22 : vector<1x64xf32> to vector<256x64xf32>
    %mul3A_29 = arith.mulf %max3A_28, %mul3A : vector<256x64xf32>
    %reduce_sum3A = arith.constant dense<0.000000e+00> : vector<256xf32>
    %reduce_sum3A_30 = vector.multi_reduction <add>, %mul3A_29, %reduce_sum3A [1] : vector<256x64xf32> to vector<256xf32>
    %broadcast_in_dim3A = vector.shape_cast %reduce_sum3A_30 : vector<256xf32> to vector<256x1xf32>
    %dot_general3A_31 = arith.constant dense<0.000000e+00> : vector<256x64xf32>
    %dot_general3A_32 = tpu.matmul %add3A_13, %get3A_16, %dot_general3A_31 {dimension_numbers = #tpu.dot_dimension_numbers<[1], [0], [0], [1], [0, 0, 1, 1], [], []>, transpose_lhs_hint = false} : vector<256x256xf32>, vector<256x64xf32>, vector<256x64xf32> -> vector<256x64xf32>
    %add3A_33 = vector.broadcast %get3A_19 : vector<1x64xf32> to vector<256x64xf32>
    %add3A_34 = arith.addf %dot_general3A_32, %add3A_33 : vector<256x64xf32>
    %max3A_35 = arith.constant 0.000000e+00 : f32
    %max3A_36 = vector.broadcast %max3A_35 : f32 to vector<256x64xf32>
    %max3A_37 = arith.maximumf %add3A_34, %max3A_36 : vector<256x64xf32>
    %mul3A_38 = vector.broadcast %get3A_22 : vector<1x64xf32> to vector<256x64xf32>
    %mul3A_39 = arith.mulf %max3A_37, %mul3A_38 : vector<256x64xf32>
    %reduce_sum3A_40 = arith.constant dense<0.000000e+00> : vector<256xf32>
    %reduce_sum3A_41 = vector.multi_reduction <add>, %mul3A_39, %reduce_sum3A_40 [1] : vector<256x64xf32> to vector<256xf32>
    %broadcast_in_dim3A_42 = vector.shape_cast %reduce_sum3A_41 : vector<256xf32> to vector<256x1xf32>
    %max3A_43 = arith.maximumf %broadcast_in_dim3A, %broadcast_in_dim3A_42 : vector<256x1xf32>
    %sub3A = arith.subf %broadcast_in_dim3A, %max3A_43 : vector<256x1xf32>
    %exp3A = math.exp %sub3A : vector<256x1xf32>
    %sub3A_44 = arith.subf %broadcast_in_dim3A_42, %max3A_43 : vector<256x1xf32>
    %exp3A_45 = math.exp %sub3A_44 : vector<256x1xf32>
    %mul3A_46 = vector.broadcast %exp3A : vector<256x1xf32> to vector<256x256xf32>
    %mul3A_47 = arith.mulf %mul3A_46, %get3A_1 : vector<256x256xf32>
    %mul3A_48 = vector.broadcast %exp3A_45 : vector<256x1xf32> to vector<256x256xf32>
    %mul3A_49 = arith.mulf %mul3A_48, %add3A_13 : vector<256x256xf32>
    %add3A_50 = arith.addf %mul3A_47, %mul3A_49 : vector<256x256xf32>
    %add3A_51 = arith.addf %exp3A, %exp3A_45 : vector<256x1xf32>
    %div3A = vector.broadcast %add3A_51 : vector<256x1xf32> to vector<256x256xf32>
    %div3A_52 = arith.divf %add3A_50, %div3A : vector<256x256xf32>
    %get3A_53 = arith.constant 0 : index
    %get3A_54 = arith.constant 0 : index
    %get3A_55 = vector.load %arg8[%get3A_53, %get3A_54] : memref<256x128xf32, #tpu.memory_space<vmem>>, vector<256x128xf32>
    %dot_general3A_56 = arith.constant dense<0.000000e+00> : vector<256x128xf32>
    %dot_general3A_57 = tpu.matmul %div3A_52, %get3A_55, %dot_general3A_56 {dimension_numbers = #tpu.dot_dimension_numbers<[1], [0], [0], [1], [0, 0, 1, 1], [], []>, transpose_lhs_hint = false} : vector<256x256xf32>, vector<256x128xf32>, vector<256x128xf32> -> vector<256x128xf32>
    %swap3A = arith.constant 0 : index
    %swap3A_58 = arith.constant 0 : index
    %swap3A_59 = vector.load %arg9[%swap3A, %swap3A_58] : memref<256x128xf32, #tpu.memory_space<vmem>>, vector<256x128xf32>
    tpu.vector_store %arg9[%swap3A, %swap3A_58], %dot_general3A_57 {strides = array<i32>} : memref<256x128xf32, #tpu.memory_space<vmem>>, vector<256x128xf32>,
    return
  }
  func.func @transform_0(%arg0: i32) -> (i32, i32) {
    %c0_i32 = arith.constant 0 : i32
    %c0_i32_0 = arith.constant 0 : i32
    return %arg0, %c0_i32 : i32, i32
  }
  func.func @transform_1(%arg0: i32) -> (i32, i32) {
    %c0_i32 = arith.constant 0 : i32
    %c0_i32_0 = arith.constant 0 : i32
    return %arg0, %c0_i32 : i32, i32
  }
  func.func @transform_2(%arg0: i32) -> (i32, i32) {
    %c0_i32 = arith.constant 0 : i32
    %c0_i32_0 = arith.constant 0 : i32
    %c0_i32_1 = arith.constant 0 : i32
    return %c0_i32, %c0_i32_0 : i32, i32
  }
  func.func @transform_3(%arg0: i32) -> (i32, i32) {
    %c0_i32 = arith.constant 0 : i32
    %c0_i32_0 = arith.constant 0 : i32
    %c0_i32_1 = arith.constant 0 : i32
    return %c0_i32, %c0_i32_0 : i32, i32
  }
  func.func @transform_4(%arg0: i32) -> (i32, i32) {
    %c0_i32 = arith.constant 0 : i32
    %c0_i32_0 = arith.constant 0 : i32
    %c0_i32_1 = arith.constant 0 : i32
    return %c0_i32, %c0_i32_0 : i32, i32
  }
  func.func @transform_5(%arg0: i32) -> (i32, i32) {
    %c0_i32 = arith.constant 0 : i32
    %c0_i32_0 = arith.constant 0 : i32
    %c0_i32_1 = arith.constant 0 : i32
    return %c0_i32, %c0_i32_0 : i32, i32
  }
  func.func @transform_6(%arg0: i32) -> (i32, i32) {
    %c0_i32 = arith.constant 0 : i32
    %c0_i32_0 = arith.constant 0 : i32
    %c0_i32_1 = arith.constant 0 : i32
    return %c0_i32, %c0_i32_0 : i32, i32
  }
  func.func @transform_7(%arg0: i32) -> (i32, i32) {
    %c0_i32 = arith.constant 0 : i32
    %c0_i32_0 = arith.constant 0 : i32
    %c0_i32_1 = arith.constant 0 : i32
    return %c0_i32, %c0_i32_0 : i32, i32
  }
  func.func @transform_8(%arg0: i32) -> (i32, i32) {
    %c0_i32 = arith.constant 0 : i32
    %c0_i32_0 = arith.constant 0 : i32
    return %arg0, %c0_i32 : i32, i32
  }
}

module attributes {stable_mosaic.version = 14 : i64} {
  func.func @_scale_body(%arg0: i32, %arg1: memref<256x128xf32, #tpu.memory_space<vmem>>, %arg2: memref<8192x128xf32, #tpu.memory_space<vmem>>, %arg3: memref<256x128xf32, #tpu.memory_space<vmem>>) attributes {dimension_semantics = [#tpu.dimension_semantics<arbitrary>], iteration_bounds = array<i64: 16>, scalar_prefetch = 0 : i64, scratch_operands = 0 : i64, tpu.core_type = #tpu.core_type<tc>, window_params = [{transform_indices = @transform_0, window_bounds = array<i64: 256, 128>}, {pipeline_mode = #tpu.pipeline_mode<synchronous>, transform_indices = @transform_1, window_bounds = array<i64: 8192, 128>}, {transform_indices = @transform_2, window_bounds = array<i64: 256, 128>}]} {
    %mul3A = arith.constant 256 : i32
    %mul3A_0 = arith.muli %arg0, %mul3A : i32
    %get3A = arith.index_cast %mul3A_0 : i32 to index
    %get3A_1 = arith.constant 0 : index
    %get3A_2 = vector.load %arg2[%get3A, %get3A_1] : memref<8192x128xf32, #tpu.memory_space<vmem>>, vector<256x1xf32>
    %mul3A_3 = arith.constant 256 : i32
    %mul3A_4 = arith.muli %arg0, %mul3A_3 : i32
    %add3A = arith.constant 4096 : i32
    %add3A_5 = arith.addi %add3A, %mul3A_4 : i32
    %get3A_6 = arith.index_cast %add3A_5 : i32 to index
    %get3A_7 = arith.constant 0 : index
    %get3A_8 = vector.load %arg2[%get3A_6, %get3A_7] : memref<8192x128xf32, #tpu.memory_space<vmem>>, vector<256x1xf32>
    %add3A_9 = arith.addf %get3A_2, %get3A_8 : vector<256x1xf32>
    %get3A_10 = arith.constant 0 : index
    %get3A_11 = arith.constant 0 : index
    %get3A_12 = vector.load %arg1[%get3A_10, %get3A_11] : memref<256x128xf32, #tpu.memory_space<vmem>>, vector<256x128xf32>
    %max3A = arith.constant 1.000000e+00 : f32
    %max3A_13 = vector.broadcast %max3A : f32 to vector<256x1xf32>
    %max3A_14 = arith.maximumf %add3A_9, %max3A_13 : vector<256x1xf32>
    %rsqrt3A = math.rsqrt %max3A_14 : vector<256x1xf32>
    %mul3A_15 = vector.broadcast %rsqrt3A : vector<256x1xf32> to vector<256x128xf32>
    %mul3A_16 = arith.mulf %get3A_12, %mul3A_15 : vector<256x128xf32>
    %swap3A = arith.constant 0 : index
    %swap3A_17 = arith.constant 0 : index
    %swap3A_18 = vector.load %arg3[%swap3A, %swap3A_17] : memref<256x128xf32, #tpu.memory_space<vmem>>, vector<256x128xf32>
    tpu.vector_store %arg3[%swap3A, %swap3A_17], %mul3A_16 {strides = array<i32>} : memref<256x128xf32, #tpu.memory_space<vmem>>, vector<256x128xf32>,
    return
  }
  func.func @transform_0(%arg0: i32) -> (i32, i32) {
    %c0_i32 = arith.constant 0 : i32
    %c0_i32_0 = arith.constant 0 : i32
    return %arg0, %c0_i32 : i32, i32
  }
  func.func @transform_1(%arg0: i32) -> (i32, i32) {
    %c0_i32 = arith.constant 0 : i32
    %c0_i32_0 = arith.constant 0 : i32
    %c0_i32_1 = arith.constant 0 : i32
    return %c0_i32, %c0_i32_0 : i32, i32
  }
  func.func @transform_2(%arg0: i32) -> (i32, i32) {
    %c0_i32 = arith.constant 0 : i32
    %c0_i32_0 = arith.constant 0 : i32
    return %arg0, %c0_i32 : i32, i32
  }
}

module attributes {stable_mosaic.version = 14 : i64} {
  func.func @_crd_body(%arg0: i32, %arg1: memref<8192x128xf32, #tpu.memory_space<vmem>>, %arg2: memref<8192x128xf32, #tpu.memory_space<vmem>>, %arg3: memref<1x128xf32, #tpu.memory_space<vmem>>, %arg4: memref<128x128xf32, #tpu.memory_space<vmem>>, %arg5: memref<1x128xf32, #tpu.memory_space<vmem>>, %arg6: memref<128x128xf32, #tpu.memory_space<vmem>>, %arg7: memref<1x128xf32, #tpu.memory_space<vmem>>, %arg8: memref<128x128xf32, #tpu.memory_space<vmem>>, %arg9: memref<1x128xf32, #tpu.memory_space<vmem>>, %arg10: memref<128x128xf32, #tpu.memory_space<vmem>>, %arg11: memref<1x128xf32, #tpu.memory_space<vmem>>, %arg12: memref<1x128xf32, #tpu.memory_space<vmem>>, %arg13: memref<1x128xf32, #tpu.memory_space<vmem>>, %arg14: memref<128x64xf32, #tpu.memory_space<vmem>>, %arg15: memref<256x128xf32, #tpu.memory_space<vmem>>, %arg16: memref<4096x128xf32, #tpu.memory_space<vmem>>, %arg17: memref<128x4096xbf16, #tpu.memory_space<vmem>>, %arg18: memref<4096x128xbf16, #tpu.memory_space<vmem>>) attributes {dimension_semantics = [#tpu.dimension_semantics<arbitrary>], iteration_bounds = array<i64: 16>, scalar_prefetch = 0 : i64, scratch_operands = 3 : i64, tpu.core_type = #tpu.core_type<tc>, window_params = [{pipeline_mode = #tpu.pipeline_mode<synchronous>, transform_indices = @transform_0, window_bounds = array<i64: 8192, 128>}, {pipeline_mode = #tpu.pipeline_mode<synchronous>, transform_indices = @transform_1, window_bounds = array<i64: 8192, 128>}, {pipeline_mode = #tpu.pipeline_mode<synchronous>, transform_indices = @transform_2, window_bounds = array<i64: 1, 128>}, {pipeline_mode = #tpu.pipeline_mode<synchronous>, transform_indices = @transform_3, window_bounds = array<i64: 128, 128>}, {pipeline_mode = #tpu.pipeline_mode<synchronous>, transform_indices = @transform_4, window_bounds = array<i64: 1, 128>}, {pipeline_mode = #tpu.pipeline_mode<synchronous>, transform_indices = @transform_5, window_bounds = array<i64: 128, 128>}, {pipeline_mode = #tpu.pipeline_mode<synchronous>, transform_indices = @transform_6, window_bounds = array<i64: 1, 128>}, {pipeline_mode = #tpu.pipeline_mode<synchronous>, transform_indices = @transform_7, window_bounds = array<i64: 128, 128>}, {pipeline_mode = #tpu.pipeline_mode<synchronous>, transform_indices = @transform_8, window_bounds = array<i64: 1, 128>}, {pipeline_mode = #tpu.pipeline_mode<synchronous>, transform_indices = @transform_9, window_bounds = array<i64: 128, 128>}, {pipeline_mode = #tpu.pipeline_mode<synchronous>, transform_indices = @transform_10, window_bounds = array<i64: 1, 128>}, {pipeline_mode = #tpu.pipeline_mode<synchronous>, transform_indices = @transform_11, window_bounds = array<i64: 1, 128>}, {pipeline_mode = #tpu.pipeline_mode<synchronous>, transform_indices = @transform_12, window_bounds = array<i64: 1, 128>}, {pipeline_mode = #tpu.pipeline_mode<synchronous>, transform_indices = @transform_13, window_bounds = array<i64: 128, 64>}, {transform_indices = @transform_14, window_bounds = array<i64: 256, 128>}]} {
    %eq3A = arith.constant 0 : i32
    %eq3A_0 = arith.cmpi eq, %arg0, %eq3A : i32
    %convert_element_type3A = arith.extui %eq3A_0 : i1 to i32
    %cond3A = arith.constant 0 : i32
    %cond3A_1 = arith.cmpi ne, %convert_element_type3A, %cond3A : i32
    scf.if %cond3A_1 {
      %get3A_252 = arith.constant 0 : index
      %get3A_253 = arith.constant 1 : index
      %get3A_254 = vector.load %arg2[%get3A_252, %get3A_253] : memref<8192x128xf32, #tpu.memory_space<vmem>>, vector<4096x1xf32>
      %get3A_255 = arith.constant 4096 : index
      %get3A_256 = arith.constant 1 : index
      %get3A_257 = vector.load %arg2[%get3A_255, %get3A_256] : memref<8192x128xf32, #tpu.memory_space<vmem>>, vector<4096x1xf32>
      %add3A_258 = arith.addf %get3A_254, %get3A_257 : vector<4096x1xf32>
      %max3A_259 = arith.constant 1.000000e+00 : f32
      %max3A_260 = vector.broadcast %max3A_259 : f32 to vector<4096x1xf32>
      %max3A_261 = arith.maximumf %add3A_258, %max3A_260 : vector<4096x1xf32>
      %rsqrt3A_262 = math.rsqrt %max3A_261 : vector<4096x1xf32>
      %get3A_263 = arith.constant 0 : index
      %get3A_264 = arith.constant 0 : index
      %get3A_265 = vector.load %arg1[%get3A_263, %get3A_264] : memref<8192x128xf32, #tpu.memory_space<vmem>>, vector<4096x128xf32>
      %get3A_266 = arith.constant 4096 : index
      %get3A_267 = arith.constant 0 : index
      %get3A_268 = vector.load %arg1[%get3A_266, %get3A_267] : memref<8192x128xf32, #tpu.memory_space<vmem>>, vector<4096x128xf32>
      %add3A_269 = arith.addf %get3A_265, %get3A_268 : vector<4096x128xf32>
      %mul3A_270 = vector.broadcast %rsqrt3A_262 : vector<4096x1xf32> to vector<4096x128xf32>
      %mul3A_271 = arith.mulf %add3A_269, %mul3A_270 : vector<4096x128xf32>
      %get3A_272 = arith.constant 0 : index
      %get3A_273 = arith.constant 0 : index
      %get3A_274 = vector.load %arg3[%get3A_272, %get3A_273] : memref<1x128xf32, #tpu.memory_space<vmem>>, vector<1x128xf32>
      %add3A_275 = vector.broadcast %get3A_274 : vector<1x128xf32> to vector<4096x128xf32>
      %add3A_276 = arith.addf %mul3A_271, %add3A_275 : vector<4096x128xf32>
      %swap3A_277 = arith.constant 0 : index
      %swap3A_278 = arith.constant 0 : index
      %swap3A_279 = vector.load %arg16[%swap3A_277, %swap3A_278] : memref<4096x128xf32, #tpu.memory_space<vmem>>, vector<4096x128xf32>
      tpu.vector_store %arg16[%swap3A_277, %swap3A_278], %add3A_276 {strides = array<i32>} : memref<4096x128xf32, #tpu.memory_space<vmem>>, vector<4096x128xf32>,
      %get3A_280 = arith.constant 0 : index
      %get3A_281 = arith.constant 0 : index
      %get3A_282 = vector.load %arg6[%get3A_280, %get3A_281] : memref<128x128xf32, #tpu.memory_space<vmem>>, vector<128x128xf32>
      %dot_general3A_283 = arith.constant dense<0.000000e+00> : vector<4096x128xf32>
      %dot_general3A_284 = tpu.matmul %add3A_276, %get3A_282, %dot_general3A_283 {dimension_numbers = #tpu.dot_dimension_numbers<[1], [0], [0], [1], [0, 0, 1, 1], [], []>, transpose_lhs_hint = false} : vector<4096x128xf32>, vector<128x128xf32>, vector<4096x128xf32> -> vector<4096x128xf32>
      %get3A_285 = arith.constant 0 : index
      %get3A_286 = arith.constant 0 : index
      %get3A_287 = vector.load %arg7[%get3A_285, %get3A_286] : memref<1x128xf32, #tpu.memory_space<vmem>>, vector<1x128xf32>
      %add3A_288 = vector.broadcast %get3A_287 : vector<1x128xf32> to vector<4096x128xf32>
      %add3A_289 = arith.addf %dot_general3A_284, %add3A_288 : vector<4096x128xf32>
      %transpose3A = tpu.transpose %add3A_289, [1, 0] : vector<4096x128xf32> -> vector<128x4096xf32>
      %convert_element_type3A_290 = arith.truncf %transpose3A : vector<128x4096xf32> to vector<128x4096xbf16>
      %swap3A_291 = arith.constant 0 : index
      %swap3A_292 = arith.constant 0 : index
      %swap3A_293 = vector.load %arg17[%swap3A_291, %swap3A_292] : memref<128x4096xbf16, #tpu.memory_space<vmem>>, vector<128x4096xbf16>
      tpu.vector_store %arg17[%swap3A_291, %swap3A_292], %convert_element_type3A_290 {strides = array<i32>} : memref<128x4096xbf16, #tpu.memory_space<vmem>>, vector<128x4096xbf16>,
      %get3A_294 = arith.constant 0 : index
      %get3A_295 = arith.constant 0 : index
      %get3A_296 = vector.load %arg8[%get3A_294, %get3A_295] : memref<128x128xf32, #tpu.memory_space<vmem>>, vector<128x128xf32>
      %dot_general3A_297 = arith.constant dense<0.000000e+00> : vector<4096x128xf32>
      %dot_general3A_298 = tpu.matmul %add3A_276, %get3A_296, %dot_general3A_297 {dimension_numbers = #tpu.dot_dimension_numbers<[1], [0], [0], [1], [0, 0, 1, 1], [], []>, transpose_lhs_hint = false} : vector<4096x128xf32>, vector<128x128xf32>, vector<4096x128xf32> -> vector<4096x128xf32>
      %get3A_299 = arith.constant 0 : index
      %get3A_300 = arith.constant 0 : index
      %get3A_301 = vector.load %arg9[%get3A_299, %get3A_300] : memref<1x128xf32, #tpu.memory_space<vmem>>, vector<1x128xf32>
      %add3A_302 = vector.broadcast %get3A_301 : vector<1x128xf32> to vector<4096x128xf32>
      %add3A_303 = arith.addf %dot_general3A_298, %add3A_302 : vector<4096x128xf32>
      %convert_element_type3A_304 = arith.truncf %add3A_303 : vector<4096x128xf32> to vector<4096x128xbf16>
      %swap3A_305 = arith.constant 0 : index
      %swap3A_306 = arith.constant 0 : index
      %swap3A_307 = vector.load %arg18[%swap3A_305, %swap3A_306] : memref<4096x128xbf16, #tpu.memory_space<vmem>>, vector<4096x128xbf16>
      tpu.vector_store %arg18[%swap3A_305, %swap3A_306], %convert_element_type3A_304 {strides = array<i32>} : memref<4096x128xbf16, #tpu.memory_space<vmem>>, vector<4096x128xbf16>,
    } else {
    }
    %mul3A = arith.constant 256 : i32
    %mul3A_2 = arith.muli %arg0, %mul3A : i32
    %get3A = arith.index_cast %mul3A_2 : i32 to index
    %get3A_3 = arith.constant 0 : index
    %get3A_4 = vector.load %arg16[%get3A, %get3A_3] : memref<4096x128xf32, #tpu.memory_space<vmem>>, vector<256x128xf32>
    %get3A_5 = arith.constant 0 : index
    %get3A_6 = arith.constant 0 : index
    %get3A_7 = vector.load %arg4[%get3A_5, %get3A_6] : memref<128x128xf32, #tpu.memory_space<vmem>>, vector<128x128xf32>
    %dot_general3A = arith.constant dense<0.000000e+00> : vector<256x128xf32>
    %dot_general3A_8 = tpu.matmul %get3A_4, %get3A_7, %dot_general3A {dimension_numbers = #tpu.dot_dimension_numbers<[1], [0], [0], [1], [0, 0, 1, 1], [], []>, transpose_lhs_hint = false} : vector<256x128xf32>, vector<128x128xf32>, vector<256x128xf32> -> vector<256x128xf32>
    %get3A_9 = arith.constant 0 : index
    %get3A_10 = arith.constant 0 : index
    %get3A_11 = vector.load %arg5[%get3A_9, %get3A_10] : memref<1x128xf32, #tpu.memory_space<vmem>>, vector<1x128xf32>
    %add3A = vector.broadcast %get3A_11 : vector<1x128xf32> to vector<256x128xf32>
    %add3A_12 = arith.addf %dot_general3A_8, %add3A : vector<256x128xf32>
    %get3A_13 = arith.constant 0 : index
    %get3A_14 = arith.constant 0 : index
    %get3A_15 = vector.load %arg17[%get3A_13, %get3A_14] : memref<128x4096xbf16, #tpu.memory_space<vmem>>, vector<128x4096xbf16>
    %get3A_16 = arith.constant 0 : index
    %get3A_17 = arith.constant 0 : index
    %get3A_18 = vector.load %arg18[%get3A_16, %get3A_17] : memref<4096x128xbf16, #tpu.memory_space<vmem>>, vector<4096x128xbf16>
    %iota3A = tpu.iota {dimensions = array<i32: 1>} : vector<1x128xi32>
    %jit3A = arith.constant 32 : i32
    %div3A = vector.broadcast %jit3A : i32 to vector<1x128xi32>
    %div3A_19 = arith.divsi %iota3A, %div3A : vector<1x128xi32>
    %sign3A = arith.constant 0 : i32
    %sign3A_20 = vector.broadcast %sign3A : i32 to vector<1x128xi32>
    %sign3A_21 = arith.cmpi sgt, %iota3A, %sign3A_20 : vector<1x128xi32>
    %sign3A_22 = arith.extui %sign3A_21 : vector<1x128xi1> to vector<1x128xi32>
    %sign3A_23 = arith.constant 0 : i32
    %sign3A_24 = vector.broadcast %sign3A_23 : i32 to vector<1x128xi32>
    %sign3A_25 = arith.cmpi slt, %iota3A, %sign3A_24 : vector<1x128xi32>
    %sign3A_26 = arith.extui %sign3A_25 : vector<1x128xi1> to vector<1x128xi32>
    %sign3A_27 = arith.subi %sign3A_22, %sign3A_26 : vector<1x128xi32>
    %sign3A_28 = arith.constant 0 : i32
    %sign3A_29 = arith.cmpi sgt, %jit3A, %sign3A_28 : i32
    %sign3A_30 = arith.extui %sign3A_29 : i1 to i32
    %sign3A_31 = arith.constant 0 : i32
    %sign3A_32 = arith.cmpi slt, %jit3A, %sign3A_31 : i32
    %sign3A_33 = arith.extui %sign3A_32 : i1 to i32
    %sign3A_34 = arith.subi %sign3A_30, %sign3A_33 : i32
    %ne3A = vector.broadcast %sign3A_34 : i32 to vector<1x128xi32>
    %ne3A_35 = arith.cmpi ne, %sign3A_27, %ne3A : vector<1x128xi32>
    %rem3A = vector.broadcast %jit3A : i32 to vector<1x128xi32>
    %rem3A_36 = arith.remsi %iota3A, %rem3A : vector<1x128xi32>
    %ne3A_37 = arith.constant 0 : i32
    %ne3A_38 = vector.broadcast %ne3A_37 : i32 to vector<1x128xi32>
    %ne3A_39 = arith.cmpi ne, %rem3A_36, %ne3A_38 : vector<1x128xi32>
    %and3A = arith.andi %ne3A_35, %ne3A_39 : vector<1x128xi1>
    %sub3A = arith.constant 1 : i32
    %sub3A_40 = vector.broadcast %sub3A : i32 to vector<1x128xi32>
    %sub3A_41 = arith.subi %div3A_19, %sub3A_40 : vector<1x128xi32>
    %select_n3A = arith.select %and3A, %sub3A_41, %div3A_19 : vector<1x128xi1>, vector<1x128xi32>
    %broadcast_in_dim3A = arith.constant 0.000000e+00 : f32
    %broadcast_in_dim3A_42 = vector.broadcast %broadcast_in_dim3A : f32 to vector<256x128xf32>
    %eq3A_43 = arith.constant 0 : i32
    %eq3A_44 = vector.broadcast %eq3A_43 : i32 to vector<1x128xi32>
    %eq3A_45 = arith.cmpi eq, %select_n3A, %eq3A_44 : vector<1x128xi32>
    %jit3A_46 = arith.constant 0.000000e+00 : f32
    %broadcast_in_dim3A_47 = vector.shape_cast %eq3A_45 : vector<1x128xi1> to vector<1x128xi1>
    %broadcast_in_dim3A_48 = vector.broadcast %broadcast_in_dim3A_47 : vector<1x128xi1> to vector<256x128xi1>
    %broadcast_in_dim3A_49 = vector.broadcast %jit3A_46 : f32 to vector<256x128xf32>
    %select_n3A_50 = arith.select %broadcast_in_dim3A_48, %add3A_12, %broadcast_in_dim3A_49 : vector<256x128xi1>, vector<256x128xf32>
    %mul3A_51 = arith.constant 0.176776692 : f32
    %mul3A_52 = vector.broadcast %mul3A_51 : f32 to vector<256x128xf32>
    %mul3A_53 = arith.mulf %select_n3A_50, %mul3A_52 : vector<256x128xf32>
    %convert_element_type3A_54 = arith.truncf %mul3A_53 : vector<256x128xf32> to vector<256x128xbf16>
    %dot_general3A_55 = arith.constant dense<0.000000e+00> : vector<256x4096xf32>
    %dot_general3A_56 = tpu.matmul %convert_element_type3A_54, %get3A_15, %dot_general3A_55 {dimension_numbers = #tpu.dot_dimension_numbers<[1], [0], [0], [1], [0, 0, 1, 1], [], []>, transpose_lhs_hint = false} : vector<256x128xbf16>, vector<128x4096xbf16>, vector<256x4096xf32> -> vector<256x4096xf32>
    %reduce_max3A = arith.constant dense<0xFF800000> : vector<256xf32>
    %reduce_max3A_57 = vector.multi_reduction <maximumf>, %dot_general3A_56, %reduce_max3A [1] : vector<256x4096xf32> to vector<256xf32>
    %broadcast_in_dim3A_58 = vector.shape_cast %reduce_max3A_57 : vector<256xf32> to vector<256x1xf32>
    %sub3A_59 = vector.broadcast %broadcast_in_dim3A_58 : vector<256x1xf32> to vector<256x4096xf32>
    %sub3A_60 = arith.subf %dot_general3A_56, %sub3A_59 : vector<256x4096xf32>
    %convert_element_type3A_61 = arith.truncf %sub3A_60 : vector<256x4096xf32> to vector<256x4096xbf16>
    %exp3A = math.exp %convert_element_type3A_61 : vector<256x4096xbf16>
    %convert_element_type3A_62 = arith.extf %exp3A : vector<256x4096xbf16> to vector<256x4096xf32>
    %reduce_sum3A = arith.constant dense<0.000000e+00> : vector<256xf32>
    %reduce_sum3A_63 = vector.multi_reduction <add>, %convert_element_type3A_62, %reduce_sum3A [1] : vector<256x4096xf32> to vector<256xf32>
    %broadcast_in_dim3A_64 = vector.shape_cast %reduce_sum3A_63 : vector<256xf32> to vector<256x1xf32>
    %dot_general3A_65 = arith.constant dense<0.000000e+00> : vector<256x128xf32>
    %dot_general3A_66 = tpu.matmul %exp3A, %get3A_18, %dot_general3A_65 {dimension_numbers = #tpu.dot_dimension_numbers<[1], [0], [0], [1], [0, 0, 1, 1], [], []>, transpose_lhs_hint = false} : vector<256x4096xbf16>, vector<4096x128xbf16>, vector<256x128xf32> -> vector<256x128xf32>
    %div3A_67 = vector.broadcast %broadcast_in_dim3A_64 : vector<256x1xf32> to vector<256x128xf32>
    %div3A_68 = arith.divf %dot_general3A_66, %div3A_67 : vector<256x128xf32>
    %jit3A_69 = arith.constant 0.000000e+00 : f32
    %broadcast_in_dim3A_70 = vector.shape_cast %eq3A_45 : vector<1x128xi1> to vector<1x128xi1>
    %broadcast_in_dim3A_71 = vector.broadcast %broadcast_in_dim3A_70 : vector<1x128xi1> to vector<256x128xi1>
    %broadcast_in_dim3A_72 = vector.broadcast %jit3A_69 : f32 to vector<256x128xf32>
    %select_n3A_73 = arith.select %broadcast_in_dim3A_71, %div3A_68, %broadcast_in_dim3A_72 : vector<256x128xi1>, vector<256x128xf32>
    %add3A_74 = arith.addf %broadcast_in_dim3A_42, %select_n3A_73 : vector<256x128xf32>
    %eq3A_75 = arith.constant 1 : i32
    %eq3A_76 = vector.broadcast %eq3A_75 : i32 to vector<1x128xi32>
    %eq3A_77 = arith.cmpi eq, %select_n3A, %eq3A_76 : vector<1x128xi32>
    %jit3A_78 = arith.constant 0.000000e+00 : f32
    %broadcast_in_dim3A_79 = vector.shape_cast %eq3A_77 : vector<1x128xi1> to vector<1x128xi1>
    %broadcast_in_dim3A_80 = vector.broadcast %broadcast_in_dim3A_79 : vector<1x128xi1> to vector<256x128xi1>
    %broadcast_in_dim3A_81 = vector.broadcast %jit3A_78 : f32 to vector<256x128xf32>
    %select_n3A_82 = arith.select %broadcast_in_dim3A_80, %add3A_12, %broadcast_in_dim3A_81 : vector<256x128xi1>, vector<256x128xf32>
    %mul3A_83 = arith.constant 0.176776692 : f32
    %mul3A_84 = vector.broadcast %mul3A_83 : f32 to vector<256x128xf32>
    %mul3A_85 = arith.mulf %select_n3A_82, %mul3A_84 : vector<256x128xf32>
    %convert_element_type3A_86 = arith.truncf %mul3A_85 : vector<256x128xf32> to vector<256x128xbf16>
    %dot_general3A_87 = arith.constant dense<0.000000e+00> : vector<256x4096xf32>
    %dot_general3A_88 = tpu.matmul %convert_element_type3A_86, %get3A_15, %dot_general3A_87 {dimension_numbers = #tpu.dot_dimension_numbers<[1], [0], [0], [1], [0, 0, 1, 1], [], []>, transpose_lhs_hint = false} : vector<256x128xbf16>, vector<128x4096xbf16>, vector<256x4096xf32> -> vector<256x4096xf32>
    %reduce_max3A_89 = arith.constant dense<0xFF800000> : vector<256xf32>
    %reduce_max3A_90 = vector.multi_reduction <maximumf>, %dot_general3A_88, %reduce_max3A_89 [1] : vector<256x4096xf32> to vector<256xf32>
    %broadcast_in_dim3A_91 = vector.shape_cast %reduce_max3A_90 : vector<256xf32> to vector<256x1xf32>
    %sub3A_92 = vector.broadcast %broadcast_in_dim3A_91 : vector<256x1xf32> to vector<256x4096xf32>
    %sub3A_93 = arith.subf %dot_general3A_88, %sub3A_92 : vector<256x4096xf32>
    %convert_element_type3A_94 = arith.truncf %sub3A_93 : vector<256x4096xf32> to vector<256x4096xbf16>
    %exp3A_95 = math.exp %convert_element_type3A_94 : vector<256x4096xbf16>
    %convert_element_type3A_96 = arith.extf %exp3A_95 : vector<256x4096xbf16> to vector<256x4096xf32>
    %reduce_sum3A_97 = arith.constant dense<0.000000e+00> : vector<256xf32>
    %reduce_sum3A_98 = vector.multi_reduction <add>, %convert_element_type3A_96, %reduce_sum3A_97 [1] : vector<256x4096xf32> to vector<256xf32>
    %broadcast_in_dim3A_99 = vector.shape_cast %reduce_sum3A_98 : vector<256xf32> to vector<256x1xf32>
    %dot_general3A_100 = arith.constant dense<0.000000e+00> : vector<256x128xf32>
    %dot_general3A_101 = tpu.matmul %exp3A_95, %get3A_18, %dot_general3A_100 {dimension_numbers = #tpu.dot_dimension_numbers<[1], [0], [0], [1], [0, 0, 1, 1], [], []>, transpose_lhs_hint = false} : vector<256x4096xbf16>, vector<4096x128xbf16>, vector<256x128xf32> -> vector<256x128xf32>
    %div3A_102 = vector.broadcast %broadcast_in_dim3A_99 : vector<256x1xf32> to vector<256x128xf32>
    %div3A_103 = arith.divf %dot_general3A_101, %div3A_102 : vector<256x128xf32>
    %jit3A_104 = arith.constant 0.000000e+00 : f32
    %broadcast_in_dim3A_105 = vector.shape_cast %eq3A_77 : vector<1x128xi1> to vector<1x128xi1>
    %broadcast_in_dim3A_106 = vector.broadcast %broadcast_in_dim3A_105 : vector<1x128xi1> to vector<256x128xi1>
    %broadcast_in_dim3A_107 = vector.broadcast %jit3A_104 : f32 to vector<256x128xf32>
    %select_n3A_108 = arith.select %broadcast_in_dim3A_106, %div3A_103, %broadcast_in_dim3A_107 : vector<256x128xi1>, vector<256x128xf32>
    %add3A_109 = arith.addf %add3A_74, %select_n3A_108 : vector<256x128xf32>
    %eq3A_110 = arith.constant 2 : i32
    %eq3A_111 = vector.broadcast %eq3A_110 : i32 to vector<1x128xi32>
    %eq3A_112 = arith.cmpi eq, %select_n3A, %eq3A_111 : vector<1x128xi32>
    %jit3A_113 = arith.constant 0.000000e+00 : f32
    %broadcast_in_dim3A_114 = vector.shape_cast %eq3A_112 : vector<1x128xi1> to vector<1x128xi1>
    %broadcast_in_dim3A_115 = vector.broadcast %broadcast_in_dim3A_114 : vector<1x128xi1> to vector<256x128xi1>
    %broadcast_in_dim3A_116 = vector.broadcast %jit3A_113 : f32 to vector<256x128xf32>
    %select_n3A_117 = arith.select %broadcast_in_dim3A_115, %add3A_12, %broadcast_in_dim3A_116 : vector<256x128xi1>, vector<256x128xf32>
    %mul3A_118 = arith.constant 0.176776692 : f32
    %mul3A_119 = vector.broadcast %mul3A_118 : f32 to vector<256x128xf32>
    %mul3A_120 = arith.mulf %select_n3A_117, %mul3A_119 : vector<256x128xf32>
    %convert_element_type3A_121 = arith.truncf %mul3A_120 : vector<256x128xf32> to vector<256x128xbf16>
    %dot_general3A_122 = arith.constant dense<0.000000e+00> : vector<256x4096xf32>
    %dot_general3A_123 = tpu.matmul %convert_element_type3A_121, %get3A_15, %dot_general3A_122 {dimension_numbers = #tpu.dot_dimension_numbers<[1], [0], [0], [1], [0, 0, 1, 1], [], []>, transpose_lhs_hint = false} : vector<256x128xbf16>, vector<128x4096xbf16>, vector<256x4096xf32> -> vector<256x4096xf32>
    %reduce_max3A_124 = arith.constant dense<0xFF800000> : vector<256xf32>
    %reduce_max3A_125 = vector.multi_reduction <maximumf>, %dot_general3A_123, %reduce_max3A_124 [1] : vector<256x4096xf32> to vector<256xf32>
    %broadcast_in_dim3A_126 = vector.shape_cast %reduce_max3A_125 : vector<256xf32> to vector<256x1xf32>
    %sub3A_127 = vector.broadcast %broadcast_in_dim3A_126 : vector<256x1xf32> to vector<256x4096xf32>
    %sub3A_128 = arith.subf %dot_general3A_123, %sub3A_127 : vector<256x4096xf32>
    %convert_element_type3A_129 = arith.truncf %sub3A_128 : vector<256x4096xf32> to vector<256x4096xbf16>
    %exp3A_130 = math.exp %convert_element_type3A_129 : vector<256x4096xbf16>
    %convert_element_type3A_131 = arith.extf %exp3A_130 : vector<256x4096xbf16> to vector<256x4096xf32>
    %reduce_sum3A_132 = arith.constant dense<0.000000e+00> : vector<256xf32>
    %reduce_sum3A_133 = vector.multi_reduction <add>, %convert_element_type3A_131, %reduce_sum3A_132 [1] : vector<256x4096xf32> to vector<256xf32>
    %broadcast_in_dim3A_134 = vector.shape_cast %reduce_sum3A_133 : vector<256xf32> to vector<256x1xf32>
    %dot_general3A_135 = arith.constant dense<0.000000e+00> : vector<256x128xf32>
    %dot_general3A_136 = tpu.matmul %exp3A_130, %get3A_18, %dot_general3A_135 {dimension_numbers = #tpu.dot_dimension_numbers<[1], [0], [0], [1], [0, 0, 1, 1], [], []>, transpose_lhs_hint = false} : vector<256x4096xbf16>, vector<4096x128xbf16>, vector<256x128xf32> -> vector<256x128xf32>
    %div3A_137 = vector.broadcast %broadcast_in_dim3A_134 : vector<256x1xf32> to vector<256x128xf32>
    %div3A_138 = arith.divf %dot_general3A_136, %div3A_137 : vector<256x128xf32>
    %jit3A_139 = arith.constant 0.000000e+00 : f32
    %broadcast_in_dim3A_140 = vector.shape_cast %eq3A_112 : vector<1x128xi1> to vector<1x128xi1>
    %broadcast_in_dim3A_141 = vector.broadcast %broadcast_in_dim3A_140 : vector<1x128xi1> to vector<256x128xi1>
    %broadcast_in_dim3A_142 = vector.broadcast %jit3A_139 : f32 to vector<256x128xf32>
    %select_n3A_143 = arith.select %broadcast_in_dim3A_141, %div3A_138, %broadcast_in_dim3A_142 : vector<256x128xi1>, vector<256x128xf32>
    %add3A_144 = arith.addf %add3A_109, %select_n3A_143 : vector<256x128xf32>
    %eq3A_145 = arith.constant 3 : i32
    %eq3A_146 = vector.broadcast %eq3A_145 : i32 to vector<1x128xi32>
    %eq3A_147 = arith.cmpi eq, %select_n3A, %eq3A_146 : vector<1x128xi32>
    %jit3A_148 = arith.constant 0.000000e+00 : f32
    %broadcast_in_dim3A_149 = vector.shape_cast %eq3A_147 : vector<1x128xi1> to vector<1x128xi1>
    %broadcast_in_dim3A_150 = vector.broadcast %broadcast_in_dim3A_149 : vector<1x128xi1> to vector<256x128xi1>
    %broadcast_in_dim3A_151 = vector.broadcast %jit3A_148 : f32 to vector<256x128xf32>
    %select_n3A_152 = arith.select %broadcast_in_dim3A_150, %add3A_12, %broadcast_in_dim3A_151 : vector<256x128xi1>, vector<256x128xf32>
    %mul3A_153 = arith.constant 0.176776692 : f32
    %mul3A_154 = vector.broadcast %mul3A_153 : f32 to vector<256x128xf32>
    %mul3A_155 = arith.mulf %select_n3A_152, %mul3A_154 : vector<256x128xf32>
    %convert_element_type3A_156 = arith.truncf %mul3A_155 : vector<256x128xf32> to vector<256x128xbf16>
    %dot_general3A_157 = arith.constant dense<0.000000e+00> : vector<256x4096xf32>
    %dot_general3A_158 = tpu.matmul %convert_element_type3A_156, %get3A_15, %dot_general3A_157 {dimension_numbers = #tpu.dot_dimension_numbers<[1], [0], [0], [1], [0, 0, 1, 1], [], []>, transpose_lhs_hint = false} : vector<256x128xbf16>, vector<128x4096xbf16>, vector<256x4096xf32> -> vector<256x4096xf32>
    %reduce_max3A_159 = arith.constant dense<0xFF800000> : vector<256xf32>
    %reduce_max3A_160 = vector.multi_reduction <maximumf>, %dot_general3A_158, %reduce_max3A_159 [1] : vector<256x4096xf32> to vector<256xf32>
    %broadcast_in_dim3A_161 = vector.shape_cast %reduce_max3A_160 : vector<256xf32> to vector<256x1xf32>
    %sub3A_162 = vector.broadcast %broadcast_in_dim3A_161 : vector<256x1xf32> to vector<256x4096xf32>
    %sub3A_163 = arith.subf %dot_general3A_158, %sub3A_162 : vector<256x4096xf32>
    %convert_element_type3A_164 = arith.truncf %sub3A_163 : vector<256x4096xf32> to vector<256x4096xbf16>
    %exp3A_165 = math.exp %convert_element_type3A_164 : vector<256x4096xbf16>
    %convert_element_type3A_166 = arith.extf %exp3A_165 : vector<256x4096xbf16> to vector<256x4096xf32>
    %reduce_sum3A_167 = arith.constant dense<0.000000e+00> : vector<256xf32>
    %reduce_sum3A_168 = vector.multi_reduction <add>, %convert_element_type3A_166, %reduce_sum3A_167 [1] : vector<256x4096xf32> to vector<256xf32>
    %broadcast_in_dim3A_169 = vector.shape_cast %reduce_sum3A_168 : vector<256xf32> to vector<256x1xf32>
    %dot_general3A_170 = arith.constant dense<0.000000e+00> : vector<256x128xf32>
    %dot_general3A_171 = tpu.matmul %exp3A_165, %get3A_18, %dot_general3A_170 {dimension_numbers = #tpu.dot_dimension_numbers<[1], [0], [0], [1], [0, 0, 1, 1], [], []>, transpose_lhs_hint = false} : vector<256x4096xbf16>, vector<4096x128xbf16>, vector<256x128xf32> -> vector<256x128xf32>
    %div3A_172 = vector.broadcast %broadcast_in_dim3A_169 : vector<256x1xf32> to vector<256x128xf32>
    %div3A_173 = arith.divf %dot_general3A_171, %div3A_172 : vector<256x128xf32>
    %jit3A_174 = arith.constant 0.000000e+00 : f32
    %broadcast_in_dim3A_175 = vector.shape_cast %eq3A_147 : vector<1x128xi1> to vector<1x128xi1>
    %broadcast_in_dim3A_176 = vector.broadcast %broadcast_in_dim3A_175 : vector<1x128xi1> to vector<256x128xi1>
    %broadcast_in_dim3A_177 = vector.broadcast %jit3A_174 : f32 to vector<256x128xf32>
    %select_n3A_178 = arith.select %broadcast_in_dim3A_176, %div3A_173, %broadcast_in_dim3A_177 : vector<256x128xi1>, vector<256x128xf32>
    %add3A_179 = arith.addf %add3A_144, %select_n3A_178 : vector<256x128xf32>
    %get3A_180 = arith.constant 0 : index
    %get3A_181 = arith.constant 0 : index
    %get3A_182 = vector.load %arg10[%get3A_180, %get3A_181] : memref<128x128xf32, #tpu.memory_space<vmem>>, vector<128x128xf32>
    %dot_general3A_183 = arith.constant dense<0.000000e+00> : vector<256x128xf32>
    %dot_general3A_184 = tpu.matmul %add3A_179, %get3A_182, %dot_general3A_183 {dimension_numbers = #tpu.dot_dimension_numbers<[1], [0], [0], [1], [0, 0, 1, 1], [], []>, transpose_lhs_hint = false} : vector<256x128xf32>, vector<128x128xf32>, vector<256x128xf32> -> vector<256x128xf32>
    %get3A_185 = arith.constant 0 : index
    %get3A_186 = arith.constant 0 : index
    %get3A_187 = vector.load %arg11[%get3A_185, %get3A_186] : memref<1x128xf32, #tpu.memory_space<vmem>>, vector<1x128xf32>
    %add3A_188 = vector.broadcast %get3A_187 : vector<1x128xf32> to vector<256x128xf32>
    %add3A_189 = arith.addf %dot_general3A_184, %add3A_188 : vector<256x128xf32>
    %add3A_190 = arith.addf %add3A_189, %get3A_4 : vector<256x128xf32>
    %reduce_sum3A_191 = arith.constant dense<0.000000e+00> : vector<256xf32>
    %reduce_sum3A_192 = vector.multi_reduction <add>, %add3A_190, %reduce_sum3A_191 [1] : vector<256x128xf32> to vector<256xf32>
    %broadcast_in_dim3A_193 = vector.shape_cast %reduce_sum3A_192 : vector<256xf32> to vector<256x1xf32>
    %div3A_194 = arith.constant 1.280000e+02 : f32
    %div3A_195 = vector.broadcast %div3A_194 : f32 to vector<256x1xf32>
    %div3A_196 = arith.divf %broadcast_in_dim3A_193, %div3A_195 : vector<256x1xf32>
    %sub3A_197 = vector.broadcast %div3A_196 : vector<256x1xf32> to vector<256x128xf32>
    %sub3A_198 = arith.subf %add3A_190, %sub3A_197 : vector<256x128xf32>
    %integer_pow3A = arith.mulf %sub3A_198, %sub3A_198 : vector<256x128xf32>
    %reduce_sum3A_199 = arith.constant dense<0.000000e+00> : vector<256xf32>
    %reduce_sum3A_200 = vector.multi_reduction <add>, %integer_pow3A, %reduce_sum3A_199 [1] : vector<256x128xf32> to vector<256xf32>
    %broadcast_in_dim3A_201 = vector.shape_cast %reduce_sum3A_200 : vector<256xf32> to vector<256x1xf32>
    %div3A_202 = arith.constant 1.280000e+02 : f32
    %div3A_203 = vector.broadcast %div3A_202 : f32 to vector<256x1xf32>
    %div3A_204 = arith.divf %broadcast_in_dim3A_201, %div3A_203 : vector<256x1xf32>
    %get3A_205 = arith.constant 0 : index
    %get3A_206 = arith.constant 0 : index
    %get3A_207 = vector.load %arg12[%get3A_205, %get3A_206] : memref<1x128xf32, #tpu.memory_space<vmem>>, vector<1x128xf32>
    %sub3A_208 = vector.broadcast %div3A_196 : vector<256x1xf32> to vector<256x128xf32>
    %sub3A_209 = arith.subf %add3A_190, %sub3A_208 : vector<256x128xf32>
    %add3A_210 = arith.constant 9.99999996E-13 : f32
    %add3A_211 = vector.broadcast %add3A_210 : f32 to vector<256x1xf32>
    %add3A_212 = arith.addf %div3A_204, %add3A_211 : vector<256x1xf32>
    %rsqrt3A = math.rsqrt %add3A_212 : vector<256x1xf32>
    %mul3A_213 = vector.broadcast %rsqrt3A : vector<256x1xf32> to vector<256x128xf32>
    %mul3A_214 = arith.mulf %sub3A_209, %mul3A_213 : vector<256x128xf32>
    %mul3A_215 = vector.broadcast %get3A_207 : vector<1x128xf32> to vector<256x128xf32>
    %mul3A_216 = arith.mulf %mul3A_215, %mul3A_214 : vector<256x128xf32>
    %get3A_217 = arith.constant 0 : index
    %get3A_218 = arith.constant 0 : index
    %get3A_219 = vector.load %arg13[%get3A_217, %get3A_218] : memref<1x128xf32, #tpu.memory_space<vmem>>, vector<1x128xf32>
    %add3A_220 = vector.broadcast %get3A_219 : vector<1x128xf32> to vector<256x128xf32>
    %add3A_221 = arith.addf %mul3A_216, %add3A_220 : vector<256x128xf32>
    %max3A = arith.constant 0.000000e+00 : f32
    %max3A_222 = vector.broadcast %max3A : f32 to vector<256x128xf32>
    %max3A_223 = arith.maximumf %add3A_221, %max3A_222 : vector<256x128xf32>
    %mul3A_224 = arith.constant 256 : i32
    %mul3A_225 = arith.muli %arg0, %mul3A_224 : i32
    %get3A_226 = arith.index_cast %mul3A_225 : i32 to index
    %get3A_227 = arith.constant 0 : index
    %get3A_228 = vector.load %arg2[%get3A_226, %get3A_227] : memref<8192x128xf32, #tpu.memory_space<vmem>>, vector<256x1xf32>
    %mul3A_229 = arith.constant 256 : i32
    %mul3A_230 = arith.muli %arg0, %mul3A_229 : i32
    %add3A_231 = arith.constant 4096 : i32
    %add3A_232 = arith.addi %add3A_231, %mul3A_230 : i32
    %get3A_233 = arith.index_cast %add3A_232 : i32 to index
    %get3A_234 = arith.constant 0 : index
    %get3A_235 = vector.load %arg2[%get3A_233, %get3A_234] : memref<8192x128xf32, #tpu.memory_space<vmem>>, vector<256x1xf32>
    %add3A_236 = arith.addf %get3A_228, %get3A_235 : vector<256x1xf32>
    %max3A_237 = arith.constant 1.000000e+00 : f32
    %max3A_238 = vector.broadcast %max3A_237 : f32 to vector<256x1xf32>
    %max3A_239 = arith.maximumf %add3A_236, %max3A_238 : vector<256x1xf32>
    %rsqrt3A_240 = math.rsqrt %max3A_239 : vector<256x1xf32>
    %get3A_241 = arith.constant 0 : index
    %get3A_242 = arith.constant 0 : index
    %get3A_243 = vector.load %arg14[%get3A_241, %get3A_242] : memref<128x64xf32, #tpu.memory_space<vmem>>, vector<128x64xf32>
    %dot_general3A_244 = arith.constant dense<0.000000e+00> : vector<256x64xf32>
    %dot_general3A_245 = tpu.matmul %max3A_223, %get3A_243, %dot_general3A_244 {dimension_numbers = #tpu.dot_dimension_numbers<[1], [0], [0], [1], [0, 0, 1, 1], [], []>, transpose_lhs_hint = false} : vector<256x128xf32>, vector<128x64xf32>, vector<256x64xf32> -> vector<256x64xf32>
    %mul3A_246 = vector.broadcast %rsqrt3A_240 : vector<256x1xf32> to vector<256x64xf32>
    %mul3A_247 = arith.mulf %dot_general3A_245, %mul3A_246 : vector<256x64xf32>
    %broadcast_in_dim3A_248 = arith.constant 0.000000e+00 : f32
    %broadcast_in_dim3A_249 = vector.broadcast %broadcast_in_dim3A_248 : f32 to vector<256x64xf32>
    %concatenate3A = tpu.concatenate %mul3A_247, %broadcast_in_dim3A_249 in 1 : vector<256x64xf32>, vector<256x64xf32> -> vector<256x128xf32>
    %swap3A = arith.constant 0 : index
    %swap3A_250 = arith.constant 0 : index
    %swap3A_251 = vector.load %arg15[%swap3A, %swap3A_250] : memref<256x128xf32, #tpu.memory_space<vmem>>, vector<256x128xf32>
    tpu.vector_store %arg15[%swap3A, %swap3A_250], %concatenate3A {strides = array<i32>} : memref<256x128xf32, #tpu.memory_space<vmem>>, vector<256x128xf32>,
    return
  }
  func.func @transform_0(%arg0: i32) -> (i32, i32) {
    %c0_i32 = arith.constant 0 : i32
    %c0_i32_0 = arith.constant 0 : i32
    %c0_i32_1 = arith.constant 0 : i32
    return %c0_i32, %c0_i32_0 : i32, i32
  }
  func.func @transform_1(%arg0: i32) -> (i32, i32) {
    %c0_i32 = arith.constant 0 : i32
    %c0_i32_0 = arith.constant 0 : i32
    %c0_i32_1 = arith.constant 0 : i32
    return %c0_i32, %c0_i32_0 : i32, i32
  }
  func.func @transform_2(%arg0: i32) -> (i32, i32) {
    %c0_i32 = arith.constant 0 : i32
    %c0_i32_0 = arith.constant 0 : i32
    %c0_i32_1 = arith.constant 0 : i32
    return %c0_i32, %c0_i32_0 : i32, i32
  }
  func.func @transform_3(%arg0: i32) -> (i32, i32) {
    %c0_i32 = arith.constant 0 : i32
    %c0_i32_0 = arith.constant 0 : i32
    %c0_i32_1 = arith.constant 0 : i32
    return %c0_i32, %c0_i32_0 : i32, i32
  }
  func.func @transform_4(%arg0: i32) -> (i32, i32) {
    %c0_i32 = arith.constant 0 : i32
    %c0_i32_0 = arith.constant 0 : i32
    %c0_i32_1 = arith.constant 0 : i32
    return %c0_i32, %c0_i32_0 : i32, i32
  }
  func.func @transform_5(%arg0: i32) -> (i32, i32) {
    %c0_i32 = arith.constant 0 : i32
    %c0_i32_0 = arith.constant 0 : i32
    %c0_i32_1 = arith.constant 0 : i32
    return %c0_i32, %c0_i32_0 : i32, i32
  }
  func.func @transform_6(%arg0: i32) -> (i32, i32) {
    %c0_i32 = arith.constant 0 : i32
    %c0_i32_0 = arith.constant 0 : i32
    %c0_i32_1 = arith.constant 0 : i32
    return %c0_i32, %c0_i32_0 : i32, i32
  }
  func.func @transform_7(%arg0: i32) -> (i32, i32) {
    %c0_i32 = arith.constant 0 : i32
    %c0_i32_0 = arith.constant 0 : i32
    %c0_i32_1 = arith.constant 0 : i32
    return %c0_i32, %c0_i32_0 : i32, i32
  }
  func.func @transform_8(%arg0: i32) -> (i32, i32) {
    %c0_i32 = arith.constant 0 : i32
    %c0_i32_0 = arith.constant 0 : i32
    %c0_i32_1 = arith.constant 0 : i32
    return %c0_i32, %c0_i32_0 : i32, i32
  }
  func.func @transform_9(%arg0: i32) -> (i32, i32) {
    %c0_i32 = arith.constant 0 : i32
    %c0_i32_0 = arith.constant 0 : i32
    %c0_i32_1 = arith.constant 0 : i32
    return %c0_i32, %c0_i32_0 : i32, i32
  }
  func.func @transform_10(%arg0: i32) -> (i32, i32) {
    %c0_i32 = arith.constant 0 : i32
    %c0_i32_0 = arith.constant 0 : i32
    %c0_i32_1 = arith.constant 0 : i32
    return %c0_i32, %c0_i32_0 : i32, i32
  }
  func.func @transform_11(%arg0: i32) -> (i32, i32) {
    %c0_i32 = arith.constant 0 : i32
    %c0_i32_0 = arith.constant 0 : i32
    %c0_i32_1 = arith.constant 0 : i32
    return %c0_i32, %c0_i32_0 : i32, i32
  }
  func.func @transform_12(%arg0: i32) -> (i32, i32) {
    %c0_i32 = arith.constant 0 : i32
    %c0_i32_0 = arith.constant 0 : i32
    %c0_i32_1 = arith.constant 0 : i32
    return %c0_i32, %c0_i32_0 : i32, i32
  }
  func.func @transform_13(%arg0: i32) -> (i32, i32) {
    %c0_i32 = arith.constant 0 : i32
    %c0_i32_0 = arith.constant 0 : i32
    %c0_i32_1 = arith.constant 0 : i32
    return %c0_i32, %c0_i32_0 : i32, i32
  }
  func.func @transform_14(%arg0: i32) -> (i32, i32) {
    %c0_i32 = arith.constant 0 : i32
    %c0_i32_0 = arith.constant 0 : i32
    return %arg0, %c0_i32 : i32, i32
  }
}

module attributes {stable_mosaic.version = 14 : i64} {
  func.func @_cls_body(%arg0: i32, %arg1: memref<8192x128xf32, #tpu.memory_space<vmem>>, %arg2: memref<8192x128xf32, #tpu.memory_space<vmem>>, %arg3: memref<1x64xf32, #tpu.memory_space<vmem>>, %arg4: memref<64x64xf32, #tpu.memory_space<vmem>>, %arg5: memref<1x64xf32, #tpu.memory_space<vmem>>, %arg6: memref<64x64xf32, #tpu.memory_space<vmem>>, %arg7: memref<1x64xf32, #tpu.memory_space<vmem>>, %arg8: memref<64x64xf32, #tpu.memory_space<vmem>>, %arg9: memref<1x64xf32, #tpu.memory_space<vmem>>, %arg10: memref<64x64xf32, #tpu.memory_space<vmem>>, %arg11: memref<1x64xf32, #tpu.memory_space<vmem>>, %arg12: memref<1x64xf32, #tpu.memory_space<vmem>>, %arg13: memref<1x64xf32, #tpu.memory_space<vmem>>, %arg14: memref<256x64xf32, #tpu.memory_space<vmem>>, %arg15: memref<4096x64xf32, #tpu.memory_space<vmem>>, %arg16: memref<64x4096xbf16, #tpu.memory_space<vmem>>, %arg17: memref<4096x64xbf16, #tpu.memory_space<vmem>>) attributes {dimension_semantics = [#tpu.dimension_semantics<arbitrary>], iteration_bounds = array<i64: 16>, scalar_prefetch = 0 : i64, scratch_operands = 3 : i64, tpu.core_type = #tpu.core_type<tc>, window_params = [{pipeline_mode = #tpu.pipeline_mode<synchronous>, transform_indices = @transform_0, window_bounds = array<i64: 8192, 128>}, {pipeline_mode = #tpu.pipeline_mode<synchronous>, transform_indices = @transform_1, window_bounds = array<i64: 8192, 128>}, {pipeline_mode = #tpu.pipeline_mode<synchronous>, transform_indices = @transform_2, window_bounds = array<i64: 1, 64>}, {pipeline_mode = #tpu.pipeline_mode<synchronous>, transform_indices = @transform_3, window_bounds = array<i64: 64, 64>}, {pipeline_mode = #tpu.pipeline_mode<synchronous>, transform_indices = @transform_4, window_bounds = array<i64: 1, 64>}, {pipeline_mode = #tpu.pipeline_mode<synchronous>, transform_indices = @transform_5, window_bounds = array<i64: 64, 64>}, {pipeline_mode = #tpu.pipeline_mode<synchronous>, transform_indices = @transform_6, window_bounds = array<i64: 1, 64>}, {pipeline_mode = #tpu.pipeline_mode<synchronous>, transform_indices = @transform_7, window_bounds = array<i64: 64, 64>}, {pipeline_mode = #tpu.pipeline_mode<synchronous>, transform_indices = @transform_8, window_bounds = array<i64: 1, 64>}, {pipeline_mode = #tpu.pipeline_mode<synchronous>, transform_indices = @transform_9, window_bounds = array<i64: 64, 64>}, {pipeline_mode = #tpu.pipeline_mode<synchronous>, transform_indices = @transform_10, window_bounds = array<i64: 1, 64>}, {pipeline_mode = #tpu.pipeline_mode<synchronous>, transform_indices = @transform_11, window_bounds = array<i64: 1, 64>}, {pipeline_mode = #tpu.pipeline_mode<synchronous>, transform_indices = @transform_12, window_bounds = array<i64: 1, 64>}, {transform_indices = @transform_13, window_bounds = array<i64: 256, 64>}]} {
    %eq3A = arith.constant 0 : i32
    %eq3A_0 = arith.cmpi eq, %arg0, %eq3A : i32
    %convert_element_type3A = arith.extui %eq3A_0 : i1 to i32
    %cond3A = arith.constant 0 : i32
    %cond3A_1 = arith.cmpi ne, %convert_element_type3A, %cond3A : i32
    scf.if %cond3A_1 {
      %get3A_89 = arith.constant 0 : index
      %get3A_90 = arith.constant 1 : index
      %get3A_91 = vector.load %arg2[%get3A_89, %get3A_90] : memref<8192x128xf32, #tpu.memory_space<vmem>>, vector<4096x1xf32>
      %get3A_92 = arith.constant 4096 : index
      %get3A_93 = arith.constant 1 : index
      %get3A_94 = vector.load %arg2[%get3A_92, %get3A_93] : memref<8192x128xf32, #tpu.memory_space<vmem>>, vector<4096x1xf32>
      %add3A_95 = arith.addf %get3A_91, %get3A_94 : vector<4096x1xf32>
      %max3A = arith.constant 1.000000e+00 : f32
      %max3A_96 = vector.broadcast %max3A : f32 to vector<4096x1xf32>
      %max3A_97 = arith.maximumf %add3A_95, %max3A_96 : vector<4096x1xf32>
      %rsqrt3A_98 = math.rsqrt %max3A_97 : vector<4096x1xf32>
      %get3A_99 = arith.constant 0 : index
      %get3A_100 = arith.constant 0 : index
      %get3A_101 = vector.load %arg1[%get3A_99, %get3A_100] : memref<8192x128xf32, #tpu.memory_space<vmem>>, vector<4096x64xf32>
      %get3A_102 = arith.constant 4096 : index
      %get3A_103 = arith.constant 0 : index
      %get3A_104 = vector.load %arg1[%get3A_102, %get3A_103] : memref<8192x128xf32, #tpu.memory_space<vmem>>, vector<4096x64xf32>
      %add3A_105 = arith.addf %get3A_101, %get3A_104 : vector<4096x64xf32>
      %mul3A_106 = vector.broadcast %rsqrt3A_98 : vector<4096x1xf32> to vector<4096x64xf32>
      %mul3A_107 = arith.mulf %add3A_105, %mul3A_106 : vector<4096x64xf32>
      %get3A_108 = arith.constant 0 : index
      %get3A_109 = arith.constant 0 : index
      %get3A_110 = vector.load %arg3[%get3A_108, %get3A_109] : memref<1x64xf32, #tpu.memory_space<vmem>>, vector<1x64xf32>
      %add3A_111 = vector.broadcast %get3A_110 : vector<1x64xf32> to vector<4096x64xf32>
      %add3A_112 = arith.addf %mul3A_107, %add3A_111 : vector<4096x64xf32>
      %swap3A_113 = arith.constant 0 : index
      %swap3A_114 = arith.constant 0 : index
      %swap3A_115 = vector.load %arg15[%swap3A_113, %swap3A_114] : memref<4096x64xf32, #tpu.memory_space<vmem>>, vector<4096x64xf32>
      tpu.vector_store %arg15[%swap3A_113, %swap3A_114], %add3A_112 {strides = array<i32>} : memref<4096x64xf32, #tpu.memory_space<vmem>>, vector<4096x64xf32>,
      %get3A_116 = arith.constant 0 : index
      %get3A_117 = arith.constant 0 : index
      %get3A_118 = vector.load %arg6[%get3A_116, %get3A_117] : memref<64x64xf32, #tpu.memory_space<vmem>>, vector<64x64xf32>
      %dot_general3A_119 = arith.constant dense<0.000000e+00> : vector<4096x64xf32>
      %dot_general3A_120 = tpu.matmul %add3A_112, %get3A_118, %dot_general3A_119 {dimension_numbers = #tpu.dot_dimension_numbers<[1], [0], [0], [1], [0, 0, 1, 1], [], []>, transpose_lhs_hint = false} : vector<4096x64xf32>, vector<64x64xf32>, vector<4096x64xf32> -> vector<4096x64xf32>
      %get3A_121 = arith.constant 0 : index
      %get3A_122 = arith.constant 0 : index
      %get3A_123 = vector.load %arg7[%get3A_121, %get3A_122] : memref<1x64xf32, #tpu.memory_space<vmem>>, vector<1x64xf32>
      %add3A_124 = vector.broadcast %get3A_123 : vector<1x64xf32> to vector<4096x64xf32>
      %add3A_125 = arith.addf %dot_general3A_120, %add3A_124 : vector<4096x64xf32>
      %transpose3A = tpu.transpose %add3A_125, [1, 0] : vector<4096x64xf32> -> vector<64x4096xf32>
      %convert_element_type3A_126 = arith.truncf %transpose3A : vector<64x4096xf32> to vector<64x4096xbf16>
      %swap3A_127 = arith.constant 0 : index
      %swap3A_128 = arith.constant 0 : index
      %swap3A_129 = vector.load %arg16[%swap3A_127, %swap3A_128] : memref<64x4096xbf16, #tpu.memory_space<vmem>>, vector<64x4096xbf16>
      tpu.vector_store %arg16[%swap3A_127, %swap3A_128], %convert_element_type3A_126 {strides = array<i32>} : memref<64x4096xbf16, #tpu.memory_space<vmem>>, vector<64x4096xbf16>,
      %get3A_130 = arith.constant 0 : index
      %get3A_131 = arith.constant 0 : index
      %get3A_132 = vector.load %arg8[%get3A_130, %get3A_131] : memref<64x64xf32, #tpu.memory_space<vmem>>, vector<64x64xf32>
      %dot_general3A_133 = arith.constant dense<0.000000e+00> : vector<4096x64xf32>
      %dot_general3A_134 = tpu.matmul %add3A_112, %get3A_132, %dot_general3A_133 {dimension_numbers = #tpu.dot_dimension_numbers<[1], [0], [0], [1], [0, 0, 1, 1], [], []>, transpose_lhs_hint = false} : vector<4096x64xf32>, vector<64x64xf32>, vector<4096x64xf32> -> vector<4096x64xf32>
      %get3A_135 = arith.constant 0 : index
      %get3A_136 = arith.constant 0 : index
      %get3A_137 = vector.load %arg9[%get3A_135, %get3A_136] : memref<1x64xf32, #tpu.memory_space<vmem>>, vector<1x64xf32>
      %add3A_138 = vector.broadcast %get3A_137 : vector<1x64xf32> to vector<4096x64xf32>
      %add3A_139 = arith.addf %dot_general3A_134, %add3A_138 : vector<4096x64xf32>
      %convert_element_type3A_140 = arith.truncf %add3A_139 : vector<4096x64xf32> to vector<4096x64xbf16>
      %swap3A_141 = arith.constant 0 : index
      %swap3A_142 = arith.constant 0 : index
      %swap3A_143 = vector.load %arg17[%swap3A_141, %swap3A_142] : memref<4096x64xbf16, #tpu.memory_space<vmem>>, vector<4096x64xbf16>
      tpu.vector_store %arg17[%swap3A_141, %swap3A_142], %convert_element_type3A_140 {strides = array<i32>} : memref<4096x64xbf16, #tpu.memory_space<vmem>>, vector<4096x64xbf16>,
    } else {
    }
    %mul3A = arith.constant 256 : i32
    %mul3A_2 = arith.muli %arg0, %mul3A : i32
    %get3A = arith.index_cast %mul3A_2 : i32 to index
    %get3A_3 = arith.constant 0 : index
    %get3A_4 = vector.load %arg15[%get3A, %get3A_3] : memref<4096x64xf32, #tpu.memory_space<vmem>>, vector<256x64xf32>
    %get3A_5 = arith.constant 0 : index
    %get3A_6 = arith.constant 0 : index
    %get3A_7 = vector.load %arg4[%get3A_5, %get3A_6] : memref<64x64xf32, #tpu.memory_space<vmem>>, vector<64x64xf32>
    %dot_general3A = arith.constant dense<0.000000e+00> : vector<256x64xf32>
    %dot_general3A_8 = tpu.matmul %get3A_4, %get3A_7, %dot_general3A {dimension_numbers = #tpu.dot_dimension_numbers<[1], [0], [0], [1], [0, 0, 1, 1], [], []>, transpose_lhs_hint = false} : vector<256x64xf32>, vector<64x64xf32>, vector<256x64xf32> -> vector<256x64xf32>
    %get3A_9 = arith.constant 0 : index
    %get3A_10 = arith.constant 0 : index
    %get3A_11 = vector.load %arg5[%get3A_9, %get3A_10] : memref<1x64xf32, #tpu.memory_space<vmem>>, vector<1x64xf32>
    %add3A = vector.broadcast %get3A_11 : vector<1x64xf32> to vector<256x64xf32>
    %add3A_12 = arith.addf %dot_general3A_8, %add3A : vector<256x64xf32>
    %mul3A_13 = arith.constant 1.250000e-01 : f32
    %mul3A_14 = vector.broadcast %mul3A_13 : f32 to vector<256x64xf32>
    %mul3A_15 = arith.mulf %add3A_12, %mul3A_14 : vector<256x64xf32>
    %convert_element_type3A_16 = arith.truncf %mul3A_15 : vector<256x64xf32> to vector<256x64xbf16>
    %get3A_17 = arith.constant 0 : index
    %get3A_18 = arith.constant 0 : index
    %get3A_19 = vector.load %arg16[%get3A_17, %get3A_18] : memref<64x4096xbf16, #tpu.memory_space<vmem>>, vector<64x4096xbf16>
    %dot_general3A_20 = arith.constant dense<0.000000e+00> : vector<256x4096xf32>
    %dot_general3A_21 = tpu.matmul %convert_element_type3A_16, %get3A_19, %dot_general3A_20 {dimension_numbers = #tpu.dot_dimension_numbers<[1], [0], [0], [1], [0, 0, 1, 1], [], []>, transpose_lhs_hint = false} : vector<256x64xbf16>, vector<64x4096xbf16>, vector<256x4096xf32> -> vector<256x4096xf32>
    %reduce_max3A = arith.constant dense<0xFF800000> : vector<256xf32>
    %reduce_max3A_22 = vector.multi_reduction <maximumf>, %dot_general3A_21, %reduce_max3A [1] : vector<256x4096xf32> to vector<256xf32>
    %broadcast_in_dim3A = vector.shape_cast %reduce_max3A_22 : vector<256xf32> to vector<256x1xf32>
    %sub3A = vector.broadcast %broadcast_in_dim3A : vector<256x1xf32> to vector<256x4096xf32>
    %sub3A_23 = arith.subf %dot_general3A_21, %sub3A : vector<256x4096xf32>
    %convert_element_type3A_24 = arith.truncf %sub3A_23 : vector<256x4096xf32> to vector<256x4096xbf16>
    %exp3A = math.exp %convert_element_type3A_24 : vector<256x4096xbf16>
    %convert_element_type3A_25 = arith.extf %exp3A : vector<256x4096xbf16> to vector<256x4096xf32>
    %reduce_sum3A = arith.constant dense<0.000000e+00> : vector<256xf32>
    %reduce_sum3A_26 = vector.multi_reduction <add>, %convert_element_type3A_25, %reduce_sum3A [1] : vector<256x4096xf32> to vector<256xf32>
    %broadcast_in_dim3A_27 = vector.shape_cast %reduce_sum3A_26 : vector<256xf32> to vector<256x1xf32>
    %get3A_28 = arith.constant 0 : index
    %get3A_29 = arith.constant 0 : index
    %get3A_30 = vector.load %arg17[%get3A_28, %get3A_29] : memref<4096x64xbf16, #tpu.memory_space<vmem>>, vector<4096x64xbf16>
    %dot_general3A_31 = arith.constant dense<0.000000e+00> : vector<256x64xf32>
    %dot_general3A_32 = tpu.matmul %exp3A, %get3A_30, %dot_general3A_31 {dimension_numbers = #tpu.dot_dimension_numbers<[1], [0], [0], [1], [0, 0, 1, 1], [], []>, transpose_lhs_hint = false} : vector<256x4096xbf16>, vector<4096x64xbf16>, vector<256x64xf32> -> vector<256x64xf32>
    %div3A = vector.broadcast %broadcast_in_dim3A_27 : vector<256x1xf32> to vector<256x64xf32>
    %div3A_33 = arith.divf %dot_general3A_32, %div3A : vector<256x64xf32>
    %get3A_34 = arith.constant 0 : index
    %get3A_35 = arith.constant 0 : index
    %get3A_36 = vector.load %arg10[%get3A_34, %get3A_35] : memref<64x64xf32, #tpu.memory_space<vmem>>, vector<64x64xf32>
    %dot_general3A_37 = arith.constant dense<0.000000e+00> : vector<256x64xf32>
    %dot_general3A_38 = tpu.matmul %div3A_33, %get3A_36, %dot_general3A_37 {dimension_numbers = #tpu.dot_dimension_numbers<[1], [0], [0], [1], [0, 0, 1, 1], [], []>, transpose_lhs_hint = false} : vector<256x64xf32>, vector<64x64xf32>, vector<256x64xf32> -> vector<256x64xf32>
    %get3A_39 = arith.constant 0 : index
    %get3A_40 = arith.constant 0 : index
    %get3A_41 = vector.load %arg11[%get3A_39, %get3A_40] : memref<1x64xf32, #tpu.memory_space<vmem>>, vector<1x64xf32>
    %add3A_42 = vector.broadcast %get3A_41 : vector<1x64xf32> to vector<256x64xf32>
    %add3A_43 = arith.addf %dot_general3A_38, %add3A_42 : vector<256x64xf32>
    %add3A_44 = arith.addf %add3A_43, %get3A_4 : vector<256x64xf32>
    %reduce_sum3A_45 = arith.constant dense<0.000000e+00> : vector<256xf32>
    %reduce_sum3A_46 = vector.multi_reduction <add>, %add3A_44, %reduce_sum3A_45 [1] : vector<256x64xf32> to vector<256xf32>
    %broadcast_in_dim3A_47 = vector.shape_cast %reduce_sum3A_46 : vector<256xf32> to vector<256x1xf32>
    %div3A_48 = arith.constant 6.400000e+01 : f32
    %div3A_49 = vector.broadcast %div3A_48 : f32 to vector<256x1xf32>
    %div3A_50 = arith.divf %broadcast_in_dim3A_47, %div3A_49 : vector<256x1xf32>
    %sub3A_51 = vector.broadcast %div3A_50 : vector<256x1xf32> to vector<256x64xf32>
    %sub3A_52 = arith.subf %add3A_44, %sub3A_51 : vector<256x64xf32>
    %integer_pow3A = arith.mulf %sub3A_52, %sub3A_52 : vector<256x64xf32>
    %reduce_sum3A_53 = arith.constant dense<0.000000e+00> : vector<256xf32>
    %reduce_sum3A_54 = vector.multi_reduction <add>, %integer_pow3A, %reduce_sum3A_53 [1] : vector<256x64xf32> to vector<256xf32>
    %broadcast_in_dim3A_55 = vector.shape_cast %reduce_sum3A_54 : vector<256xf32> to vector<256x1xf32>
    %div3A_56 = arith.constant 6.400000e+01 : f32
    %div3A_57 = vector.broadcast %div3A_56 : f32 to vector<256x1xf32>
    %div3A_58 = arith.divf %broadcast_in_dim3A_55, %div3A_57 : vector<256x1xf32>
    %get3A_59 = arith.constant 0 : index
    %get3A_60 = arith.constant 0 : index
    %get3A_61 = vector.load %arg12[%get3A_59, %get3A_60] : memref<1x64xf32, #tpu.memory_space<vmem>>, vector<1x64xf32>
    %sub3A_62 = vector.broadcast %div3A_50 : vector<256x1xf32> to vector<256x64xf32>
    %sub3A_63 = arith.subf %add3A_44, %sub3A_62 : vector<256x64xf32>
    %add3A_64 = arith.constant 9.99999996E-13 : f32
    %add3A_65 = vector.broadcast %add3A_64 : f32 to vector<256x1xf32>
    %add3A_66 = arith.addf %div3A_58, %add3A_65 : vector<256x1xf32>
    %rsqrt3A = math.rsqrt %add3A_66 : vector<256x1xf32>
    %mul3A_67 = vector.broadcast %rsqrt3A : vector<256x1xf32> to vector<256x64xf32>
    %mul3A_68 = arith.mulf %sub3A_63, %mul3A_67 : vector<256x64xf32>
    %mul3A_69 = vector.broadcast %get3A_61 : vector<1x64xf32> to vector<256x64xf32>
    %mul3A_70 = arith.mulf %mul3A_69, %mul3A_68 : vector<256x64xf32>
    %get3A_71 = arith.constant 0 : index
    %get3A_72 = arith.constant 0 : index
    %get3A_73 = vector.load %arg13[%get3A_71, %get3A_72] : memref<1x64xf32, #tpu.memory_space<vmem>>, vector<1x64xf32>
    %add3A_74 = vector.broadcast %get3A_73 : vector<1x64xf32> to vector<256x64xf32>
    %add3A_75 = arith.addf %mul3A_70, %add3A_74 : vector<256x64xf32>
    %reduce_max3A_76 = arith.constant dense<0xFF800000> : vector<256xf32>
    %reduce_max3A_77 = vector.multi_reduction <maximumf>, %add3A_75, %reduce_max3A_76 [1] : vector<256x64xf32> to vector<256xf32>
    %broadcast_in_dim3A_78 = vector.shape_cast %reduce_max3A_77 : vector<256xf32> to vector<256x1xf32>
    %sub3A_79 = vector.broadcast %broadcast_in_dim3A_78 : vector<256x1xf32> to vector<256x64xf32>
    %sub3A_80 = arith.subf %add3A_75, %sub3A_79 : vector<256x64xf32>
    %exp3A_81 = math.exp %sub3A_80 : vector<256x64xf32>
    %reduce_sum3A_82 = arith.constant dense<0.000000e+00> : vector<256xf32>
    %reduce_sum3A_83 = vector.multi_reduction <add>, %exp3A_81, %reduce_sum3A_82 [1] : vector<256x64xf32> to vector<256xf32>
    %broadcast_in_dim3A_84 = vector.shape_cast %reduce_sum3A_83 : vector<256xf32> to vector<256x1xf32>
    %div3A_85 = vector.broadcast %broadcast_in_dim3A_84 : vector<256x1xf32> to vector<256x64xf32>
    %div3A_86 = arith.divf %exp3A_81, %div3A_85 : vector<256x64xf32>
    %swap3A = arith.constant 0 : index
    %swap3A_87 = arith.constant 0 : index
    %swap3A_88 = vector.load %arg14[%swap3A, %swap3A_87] : memref<256x64xf32, #tpu.memory_space<vmem>>, vector<256x64xf32>
    tpu.vector_store %arg14[%swap3A, %swap3A_87], %div3A_86 {strides = array<i32>} : memref<256x64xf32, #tpu.memory_space<vmem>>, vector<256x64xf32>,
    return
  }
  func.func @transform_0(%arg0: i32) -> (i32, i32) {
    %c0_i32 = arith.constant 0 : i32
    %c0_i32_0 = arith.constant 0 : i32
    %c0_i32_1 = arith.constant 0 : i32
    return %c0_i32, %c0_i32_0 : i32, i32
  }
  func.func @transform_1(%arg0: i32) -> (i32, i32) {
    %c0_i32 = arith.constant 0 : i32
    %c0_i32_0 = arith.constant 0 : i32
    %c0_i32_1 = arith.constant 0 : i32
    return %c0_i32, %c0_i32_0 : i32, i32
  }
  func.func @transform_2(%arg0: i32) -> (i32, i32) {
    %c0_i32 = arith.constant 0 : i32
    %c0_i32_0 = arith.constant 0 : i32
    %c0_i32_1 = arith.constant 0 : i32
    return %c0_i32, %c0_i32_0 : i32, i32
  }
  func.func @transform_3(%arg0: i32) -> (i32, i32) {
    %c0_i32 = arith.constant 0 : i32
    %c0_i32_0 = arith.constant 0 : i32
    %c0_i32_1 = arith.constant 0 : i32
    return %c0_i32, %c0_i32_0 : i32, i32
  }
  func.func @transform_4(%arg0: i32) -> (i32, i32) {
    %c0_i32 = arith.constant 0 : i32
    %c0_i32_0 = arith.constant 0 : i32
    %c0_i32_1 = arith.constant 0 : i32
    return %c0_i32, %c0_i32_0 : i32, i32
  }
  func.func @transform_5(%arg0: i32) -> (i32, i32) {
    %c0_i32 = arith.constant 0 : i32
    %c0_i32_0 = arith.constant 0 : i32
    %c0_i32_1 = arith.constant 0 : i32
    return %c0_i32, %c0_i32_0 : i32, i32
  }
  func.func @transform_6(%arg0: i32) -> (i32, i32) {
    %c0_i32 = arith.constant 0 : i32
    %c0_i32_0 = arith.constant 0 : i32
    %c0_i32_1 = arith.constant 0 : i32
    return %c0_i32, %c0_i32_0 : i32, i32
  }
  func.func @transform_7(%arg0: i32) -> (i32, i32) {
    %c0_i32 = arith.constant 0 : i32
    %c0_i32_0 = arith.constant 0 : i32
    %c0_i32_1 = arith.constant 0 : i32
    return %c0_i32, %c0_i32_0 : i32, i32
  }
  func.func @transform_8(%arg0: i32) -> (i32, i32) {
    %c0_i32 = arith.constant 0 : i32
    %c0_i32_0 = arith.constant 0 : i32
    %c0_i32_1 = arith.constant 0 : i32
    return %c0_i32, %c0_i32_0 : i32, i32
  }
  func.func @transform_9(%arg0: i32) -> (i32, i32) {
    %c0_i32 = arith.constant 0 : i32
    %c0_i32_0 = arith.constant 0 : i32
    %c0_i32_1 = arith.constant 0 : i32
    return %c0_i32, %c0_i32_0 : i32, i32
  }
  func.func @transform_10(%arg0: i32) -> (i32, i32) {
    %c0_i32 = arith.constant 0 : i32
    %c0_i32_0 = arith.constant 0 : i32
    %c0_i32_1 = arith.constant 0 : i32
    return %c0_i32, %c0_i32_0 : i32, i32
  }
  func.func @transform_11(%arg0: i32) -> (i32, i32) {
    %c0_i32 = arith.constant 0 : i32
    %c0_i32_0 = arith.constant 0 : i32
    %c0_i32_1 = arith.constant 0 : i32
    return %c0_i32, %c0_i32_0 : i32, i32
  }
  func.func @transform_12(%arg0: i32) -> (i32, i32) {
    %c0_i32 = arith.constant 0 : i32
    %c0_i32_0 = arith.constant 0 : i32
    %c0_i32_1 = arith.constant 0 : i32
    return %c0_i32, %c0_i32_0 : i32, i32
  }
  func.func @transform_13(%arg0: i32) -> (i32, i32) {
    %c0_i32 = arith.constant 0 : i32
    %c0_i32_0 = arith.constant 0 : i32
    return %arg0, %c0_i32 : i32, i32
  }
}

module attributes {stable_mosaic.version = 14 : i64} {
  func.func @_hyper_body(%arg0: i32, %arg1: memref<256x4096xf32, #tpu.memory_space<vmem>>, %arg2: memref<4096x64xf32, #tpu.memory_space<vmem>>, %arg3: memref<64x256xf32, #tpu.memory_space<vmem>>, %arg4: memref<256x256xf32, #tpu.memory_space<vmem>>) attributes {dimension_semantics = [#tpu.dimension_semantics<arbitrary>], iteration_bounds = array<i64: 16>, scalar_prefetch = 0 : i64, scratch_operands = 0 : i64, tpu.core_type = #tpu.core_type<tc>, window_params = [{transform_indices = @transform_0, window_bounds = array<i64: 256, 4096>}, {pipeline_mode = #tpu.pipeline_mode<synchronous>, transform_indices = @transform_1, window_bounds = array<i64: 4096, 64>}, {pipeline_mode = #tpu.pipeline_mode<synchronous>, transform_indices = @transform_2, window_bounds = array<i64: 64, 256>}, {transform_indices = @transform_3, window_bounds = array<i64: 256, 256>}]} {
    %get3A = arith.constant 0 : index
    %get3A_0 = arith.constant 0 : index
    %get3A_1 = vector.load %arg1[%get3A, %get3A_0] : memref<256x4096xf32, #tpu.memory_space<vmem>>, vector<256x4096xf32>
    %convert_element_type3A = arith.truncf %get3A_1 : vector<256x4096xf32> to vector<256x4096xbf16>
    %get3A_2 = arith.constant 0 : index
    %get3A_3 = arith.constant 0 : index
    %get3A_4 = vector.load %arg2[%get3A_2, %get3A_3] : memref<4096x64xf32, #tpu.memory_space<vmem>>, vector<4096x64xf32>
    %convert_element_type3A_5 = arith.truncf %get3A_4 : vector<4096x64xf32> to vector<4096x64xbf16>
    %dot_general3A = arith.constant dense<0.000000e+00> : vector<256x64xf32>
    %dot_general3A_6 = tpu.matmul %convert_element_type3A, %convert_element_type3A_5, %dot_general3A {dimension_numbers = #tpu.dot_dimension_numbers<[1], [0], [0], [1], [0, 0, 1, 1], [], []>, transpose_lhs_hint = false} : vector<256x4096xbf16>, vector<4096x64xbf16>, vector<256x64xf32> -> vector<256x64xf32>
    %get3A_7 = arith.constant 0 : index
    %get3A_8 = arith.constant 0 : index
    %get3A_9 = vector.load %arg3[%get3A_7, %get3A_8] : memref<64x256xf32, #tpu.memory_space<vmem>>, vector<64x256xf32>
    %dot_general3A_10 = arith.constant dense<0.000000e+00> : vector<256x256xf32>
    %dot_general3A_11 = tpu.matmul %dot_general3A_6, %get3A_9, %dot_general3A_10 {dimension_numbers = #tpu.dot_dimension_numbers<[1], [0], [0], [1], [0, 0, 1, 1], [], []>, transpose_lhs_hint = false} : vector<256x64xf32>, vector<64x256xf32>, vector<256x256xf32> -> vector<256x256xf32>
    %reduce_max3A = arith.constant dense<0xFF800000> : vector<256xf32>
    %reduce_max3A_12 = vector.multi_reduction <maximumf>, %dot_general3A_11, %reduce_max3A [1] : vector<256x256xf32> to vector<256xf32>
    %broadcast_in_dim3A = vector.shape_cast %reduce_max3A_12 : vector<256xf32> to vector<256x1xf32>
    %sub3A = vector.broadcast %broadcast_in_dim3A : vector<256x1xf32> to vector<256x256xf32>
    %sub3A_13 = arith.subf %dot_general3A_11, %sub3A : vector<256x256xf32>
    %exp3A = math.exp %sub3A_13 : vector<256x256xf32>
    %reduce_sum3A = arith.constant dense<0.000000e+00> : vector<256xf32>
    %reduce_sum3A_14 = vector.multi_reduction <add>, %exp3A, %reduce_sum3A [1] : vector<256x256xf32> to vector<256xf32>
    %broadcast_in_dim3A_15 = vector.shape_cast %reduce_sum3A_14 : vector<256xf32> to vector<256x1xf32>
    %div3A = vector.broadcast %broadcast_in_dim3A_15 : vector<256x1xf32> to vector<256x256xf32>
    %div3A_16 = arith.divf %exp3A, %div3A : vector<256x256xf32>
    %swap3A = arith.constant 0 : index
    %swap3A_17 = arith.constant 0 : index
    %swap3A_18 = vector.load %arg4[%swap3A, %swap3A_17] : memref<256x256xf32, #tpu.memory_space<vmem>>, vector<256x256xf32>
    tpu.vector_store %arg4[%swap3A, %swap3A_17], %div3A_16 {strides = array<i32>} : memref<256x256xf32, #tpu.memory_space<vmem>>, vector<256x256xf32>,
    return
  }
  func.func @transform_0(%arg0: i32) -> (i32, i32) {
    %c0_i32 = arith.constant 0 : i32
    %c0_i32_0 = arith.constant 0 : i32
    return %arg0, %c0_i32 : i32, i32
  }
  func.func @transform_1(%arg0: i32) -> (i32, i32) {
    %c0_i32 = arith.constant 0 : i32
    %c0_i32_0 = arith.constant 0 : i32
    %c0_i32_1 = arith.constant 0 : i32
    return %c0_i32, %c0_i32_0 : i32, i32
  }
  func.func @transform_2(%arg0: i32) -> (i32, i32) {
    %c0_i32 = arith.constant 0 : i32
    %c0_i32_0 = arith.constant 0 : i32
    %c0_i32_1 = arith.constant 0 : i32
    return %c0_i32, %c0_i32_0 : i32, i32
  }
  func.func @transform_3(%arg0: i32) -> (i32, i32) {
    %c0_i32 = arith.constant 0 : i32
    %c0_i32_0 = arith.constant 0 : i32
    return %arg0, %c0_i32 : i32, i32
  }
}

</mosaic_0001>

<sc_bundles>
// kernel: kernel.10.cloned.1.call-start
scs
__scs_entry_jumppad:
0x0: {  	(pc) =	sbr.rel $0x88, $3  }
0x1: {  	(tag) =	ssettag $0x0;
	lr =	simm.s32 $0x1  }
0x2: {  	[smem:$0x3F7F] =	sst lr;
	_ =	strace $0xD0000000  }
0x3: {  	_ = 	snop  }
0x4: {  	_ = 	snop  }
0x5: {  	_ = 	snop  }
0x6: {  	_ = 	snop  }
0x7: {  	_ = 	snop  }
__scs_overlays_trampoline_lowered:
0x8: {  	[smem:$0x3F8E] =	sst s0  }
0x9: {  	[smem:$0x3F8F] =	sst s1  }
0xa: {  	[smem:$0x3F90] =	sst s2  }
0xb: {  	[smem:$0x3F91] =	sst s3  }
0xc: {  	[smem:$0x3F92] =	sst s4  }
0xd: {  	[smem:$0x3F93] =	sst s5  }
0xe: {  	[smem:$0x3F94] =	sst s6  }
0xf: {  	[smem:$0x3F95] =	sst s7  }
0x10: {  	[smem:$0x3F96] =	sst s8  }
0x11: {  	[smem:$0x3F97] =	sst s9;
	s0 =	simm.s32 @!p0 $0x0  }
0x12: {  	s1 =	sld [smem:$0x3F7D];
	s0 =	simm.s32 @p0 $0x1  }
0x13: {  	[smem:$0x3F98] =	sst s0;
	s0 =	simm.s32 @!p1 $0x0  }
0x14: {  	s2 =	sld [smem:$0x3F7C];
	s0 =	simm.s32 @p1 $0x1  }
0x15: {  	[smem:$0x3F99] =	sst s0;
	s0 =	simm.s32 @!p2 $0x0  }
0x16: {  	s3 =	sld [smem:$0x3FDB];
	s0 =	simm.s32 @p2 $0x1  }
0x17: {  	s4 =	simm.s32 $0x1BF5;
	[smem:$0x3F9B] =	sst s0  }
0x18: {  	s0 =	sld [smem:$0x3F7E];
	_ =	swait.ge [sflag:s4], $0x0  }
0x19: {  	s7 =	sld [smem:$0x3F7F]  }
0x1a: {  	s8 =	sadd.s32 $0xFFFFE003, lr  }
0x1b: {  	s9 =	sadd.s32 $0xFFFFFEF7, lr;
	s5 =	simm.s32 $0xFFFFFFFF;
	p2 =	slt.u32 s8, $0xFFFFF086  }
0x1c: {  	p1 =	slt.u32 s9, $0xF7A;
	s5 =	simm.s32 @!p2 $0x0  }
0x1d: {  	s5 =	simm.s32 @p1 $0x1;
	p0 =	seq.s32 s7, s2  }
0x1e: {  	s7 =	smul.u32 @!p0 $0xF7A, s2;
	p2 =	seq.s32 @!p0 s5, $0x0  }
0x1f: {  	s9 =	smul.u32 $0xF7A, s1;
	s8 =	simm.s32 @!p0 $0x1BF5;
	p2 =	por !p2, p0  }
0x20: {  	[sflag:s8] =	ssyncset.s32 @!p0 $0xFFFFF086;
	s6 =	sadd.s32 @!p0 s3, s7;
	s7 =	simm.s32 @!p0 $0x108  }
0x21: {  	s3 =	sadd.s32 s3, s9;
	s6 =	sadd.s32 @!p0 $0x88, s6;
	s7 =	simm.s32 @p2 $0x1082  }
0x22: {  	[simem:s7], [sflag:s8] =	dma.local @!p0 [hbm:s6], $0xF7A  }
0x23: {  	s9 =	sor.u32 $0xD0000000, s2;
	s6 =	simm.s32 $0x108;
	_ =	swait.ge @!p0 [sflag:s8], $0x0  }
0x24: {  	s3 =	sadd.s32 $0x88, s3;
	s6 =	simm.s32 @!p1 $0x1082;
	[sflag:s4] =	ssyncset.s32 $0xFFFFF086  }
0x25: {  	[simem:s6], [sflag:s4] =	dma.local [hbm:s3], $0xF7A  }
0x26: {  	[smem:$0x3F7F] =	sst s1;
	(tag) =	ssettag s2;
	_ =	strace s9  }
0x27: {  	s1 =	sld [smem:$0x3F8F]  }
0x28: {  	s2 =	sld [smem:$0x3F90]  }
0x29: {  	s4 =	sld [smem:$0x3F92]  }
0x2a: {  	p0 =	seq.s32 s5, $0x0;
	s5 =	sld [smem:$0x3F93]  }
0x2b: {  	s6 =	sld [smem:$0x3F94]  }
0x2c: {  	s7 =	sld [smem:$0x3F95]  }
0x2d: {  	s3 =	simm.s32 $0x108;
	s8 =	sld [smem:$0x3F96]  }
0x2e: {  	s3 =	simm.s32 @!p0 $0x1082;
	s9 =	sld [smem:$0x3F97]  }
0x2f: {  	lr =	sadd.s32 s0, s3;
	s0 =	sld [smem:$0x3F8E]  }
0x30: {  	s3 =	sld [smem:$0x3F91]  }
0x31: {  	[smem:$0x3F9A] =	sst s10  }
0x32: {  	s10 =	sld [smem:$0x3F98];
	_ =	sdelay $0x3  }
0x33: {  	p0 =	seq.s32 s10, $0x1;
	s10 =	sld [smem:$0x3F9A];
	_ =	sdelay $0x3  }
0x34: {  	[smem:$0x3F9A] =	sst s10  }
0x35: {  	s10 =	sld [smem:$0x3F99];
	_ =	sdelay $0x3  }
0x36: {  	p1 =	seq.s32 s10, $0x1;
	s10 =	sld [smem:$0x3F9A];
	_ =	sdelay $0x3  }
0x37: {  	[smem:$0x3F9A] =	sst s10  }
0x38: {  	s10 =	sld [smem:$0x3F9B]  }
0x39: {  	_ = 	snop;
	(pc) =	sbr.ind lr, $3  }
0x3a: {  	_ = 	snop  }
0x3b: {  	_ = 	snop  }
0x3c: {  	p2 =	seq.s32 s10, $0x1;
	s10 =	sld [smem:$0x3F9A]  }
0x3d: {  	_ =	shalt  }
0x3e: {  	_ =	shalt  }
0x3f: {  	_ =	shalt  }
0x40: {  	_ =	shalt  }
0x41: {  	_ =	shalt  }
0x42: {  	_ =	shalt  }
0x43: {  	_ =	shalt  }
0x44: {  	_ =	shalt  }
0x45: {  	_ =	shalt  }
0x46: {  	_ =	shalt  }
0x47: {  	_ =	shalt  }
0x48: {  	_ =	shalt  }
0x49: {  	_ =	shalt  }
0x4a: {  	_ =	shalt  }
0x4b: {  	_ =	shalt  }
0x4c: {  	_ =	shalt  }
0x4d: {  	_ =	shalt  }
0x4e: {  	_ =	shalt  }
0x4f: {  	_ =	shalt  }
0x50: {  	_ =	shalt  }
0x51: {  	_ =	shalt  }
0x52: {  	_ =	shalt  }
0x53: {  	_ =	shalt  }
0x54: {  	_ =	shalt  }
0x55: {  	_ =	shalt  }
0x56: {  	_ =	shalt  }
0x57: {  	_ =	shalt  }
0x58: {  	_ =	shalt  }
0x59: {  	_ =	shalt  }
0x5a: {  	_ =	shalt  }
0x5b: {  	_ =	shalt  }
0x5c: {  	_ =	shalt  }
0x5d: {  	_ =	shalt  }
0x5e: {  	_ =	shalt  }
0x5f: {  	_ =	shalt  }
0x60: {  	_ =	shalt  }
0x61: {  	_ =	shalt  }
0x62: {  	_ =	shalt  }
0x63: {  	_ =	shalt  }
0x64: {  	_ =	shalt  }
0x65: {  	_ =	shalt  }
0x66: {  	_ =	shalt  }
0x67: {  	_ =	shalt  }
0x68: {  	_ =	shalt  }
0x69: {  	_ =	shalt  }
0x6a: {  	_ =	shalt  }
0x6b: {  	_ =	shalt  }
0x6c: {  	_ =	shalt  }
0x6d: {  	_ =	shalt  }
0x6e: {  	_ =	shalt  }
0x6f: {  	_ =	shalt  }
0x70: {  	_ =	shalt  }
0x71: {  	_ =	shalt  }
0x72: {  	_ =	shalt  }
0x73: {  	_ =	shalt  }
0x74: {  	_ =	shalt  }
0x75: {  	_ =	shalt  }
0x76: {  	_ =	shalt  }
0x77: {  	_ =	shalt  }
0x78: {  	_ =	shalt  }
0x79: {  	_ =	shalt  }
0x7a: {  	_ =	shalt  }
0x7b: {  	_ =	shalt  }
0x7c: {  	_ =	shalt  }
0x7d: {  	_ =	shalt  }
0x7e: {  	_ =	shalt  }
0x7f: {  	_ =	shalt  }
0x80: {  	_ =	shalt  }
0x81: {  	_ =	shalt  }
0x82: {  	_ =	shalt  }
0x83: {  	_ =	shalt  }
0x84: {  	_ =	shalt  }
0x85: {  	_ =	shalt  }
0x86: {  	_ =	shalt  }
0x87: {  	_ =	shalt  }
.Lfunc_end0:
.L_simem_size_0:
called_computation_lowered:
.L_overlay_start_0:
0x88: {  	s2 =	sld [smem:$0x3FD9]  }
0x89: {  	s3 =	sld [smem:$0x3FFE];
	_ =	sdelay $0x1  }
0x8a: {  	s1 =	srdreg.scid  }
0x8b: {  	s0 =	sand.u32 $0x1, s1  }
0x8c: {  	s14 =	sshll.u32 s0, $0xA;
	s2 =	sadd.s32 s3, s2  }
0x8d: {  	s2 =	sadd.s32 s2, s14  }
0x8e: {  	[smem:$0x3FA6] =	sst s2  }
0x8f: {  	_ = 	snop  }
0x90: {  	s2 =	sld [smem:$0x3FD0];
	_ =	sdelay $0x2  }
0x91: {  	s15 =	simm.s32 $0xA;
	s4 =	simm.s32 $0x10  }
0x92: {  	[smem:s4], [sflag:s15] =	dma.local [hbm:s2], $0x1  }
0x93: {  	_ =	swait.eq [sflag:s15], $0x1  }
0x94: {  	[sflag:s15] =	ssyncset.done $0x0  }
0x95: {  	s16 =	sld [smem:$0x10];
	[sflag:s15] =	ssyncadd.s32 $0xFFFFFFFF  }
0x96: {  	s17 =	sld [smem:$0x11];
	(tm) =	ssettm $0x1  }
0x97: {  	s18 =	sld [smem:$0x3FFB];
	_ =	sdelay $0x3  }
0x98: {  	_ =	strace s18  }
0x99: {  	s4 =	sld [smem:$0x3FFC];
	_ =	sdelay $0x3  }
0x9a: {  	_ =	strace s4  }
0x9b: {  	s4 =	sld [smem:$0x3FFD];
	_ =	sdelay $0x3  }
0x9c: {  	_ =	strace s4  }
0x9d: {  	_ =	strace $0x8FFFFFFF  }
0x9e: {  	s19 =	sld [smem:$0x3FDB];
	_ =	sdelay $0x1  }
0x9f: {  	s5 =	simm.s32 $_scs_section_size  }
0xa0: {  	s6 =	simm.s32 $_size__tile_overlayer_lowered;
	s7 =	simm.s32 $_tile_overlayer_lowered  }
0xa1: {  	s22 =	simm.s32 $0x1BFF;
	s21 =	sshll.u32 s7, $0x1;
	s4 =	sadd.s32 s5, s19  }
0xa2: {  	s8 =	simm.s32 $0x0;
	s20 =	sshll.u32 s6, $0x1;
	s6 =	sadd.s32 s21, s4  }
0xa3: {  	[timem:s8], [sflag:s22] =	dma.local [hbm:s6], s20  }
0xa4: {  	_ =	swait.ge [sflag:s22], s20  }
0xa5: {  	s5 =	ssub.s32 $0x0, s20;
	[sflag:s22] =	ssyncset.done $0x0  }
0xa6: {  	[sflag:s22] =	ssyncadd.s32 s5;
	_ =	sdelay $0x1  }
0xa7: {  	s23 =	simm.s32 $0x1B8B  }
0xa8: {  	_ =	swait.ge [sflag:s23], $0x1  }
0xa9: {  	[sflag:s23] =	ssyncset.done $0x0  }
0xaa: {  	s25 =	simm.s32 $0x1B8E;
	s24 =	sld [smem:$0x3FFE];
	[sflag:s23] =	ssyncadd.s32 $0xFFFFFFFF  }
0xab: {  	s26 =	simm.s32 $execute0_lowered;
	[smem:$0x3FD2] =	sst s25  }
0xac: {  	s6 =	sshll.u32 s26, $0x1;
	_ =	strace $0x80000046;
	[dreg:$0x1] =	wrdreg $0xFFFFFFFF  }
0xad: {  	s28 =	simm.s32 $_size_execute0_lowered;
	s4 =	sadd.s32 s4, s6;
	[dreg:$0x0] =	wrdreg $0x0  }
0xae: {  	s6 =	sshll.u32 s28, $0x1;
	[dreg:$0x2] =	wrdreg s4  }
0xaf: {  	[dreg:$0x3] =	wrdreg s6  }
0xb0: {  	[dreg:$0x4] =	wrdreg $0xC0  }
0xb1: {  	_ =	task [dreg:s8], $0x5FFFF  }
0xb2: {  	[dreg:$0x1] =	wrdreg $0xFFFFFFFF  }
0xb3: {  	[dreg:$0x0] =	wrdreg $0x60  }
0xb4: {  	[dreg:$0x2] =	wrdreg s24  }
0xb5: {  	[dreg:$0x3] =	wrdreg s16  }
0xb6: {  	[dreg:$0x4] =	wrdreg s17  }
0xb7: {  	[dreg:$0x5] =	wrdreg $0x84000  }
0xb8: {  	[dreg:$0x6] =	wrdreg $0x9  }
0xb9: {  	_ =	task.clear_ibuf [dreg:s8], $0x7FFFF;
	_ =	strace $0x90000046  }
0xba: {  	s29 =	simm.s32 $0x9;
	_ =	strace $0x80000048  }
0xbb: {  	_ =	swait.ge [sflag:s29], $0x1  }
0xbc: {  	[sflag:s29] =	ssyncadd.s32 $0xFFFFFFFF  }
0xbd: {  	_ =	strace $0x90000048  }
0xbe: {  	_ =	sfence  }
0xbf: {  	s30 =	sld [smem:$0x0];
	_ =	sdelay $0x2  }
0xc0: {  	s31 =	sshll.u32 s1, $0xD;
	s1 =	sshrl.u32 s1, $0x2  }
0xc1: {  	s3 =	sand.u32 $0x4000, s31;
	s1 =	sadd.s32 s1, s30  }
0xc2: {  	s0 =	sor.u32 s3, s0;
	s1 =	sshll.u32 s1, $0x11  }
0xc3: {  	s0 =	sor.u32 s1, s0  }
0xc4: {  	s0 =	sadd.s32 $0x8F2B, s0  }
0xc5: {  	[sflag:s0] =	ssyncadd.remote.s32 $0x1  }
0xc6: {  	_ =	sfence.sel $0xFFFF  }
0xc7: {  	[dreg:$0x0] =	wrdreg $0xFFFFFFFF;
	(pc) =	sbr.abs _section_cstart, $3  }
0xc8: {  	[dreg:$0x1] =	wrdreg $0xFFFFFFFF  }
0xc9: {  	_ =	task.clear_ibuf [dreg:s8], $0x2FFFF;
	_ =	strace $0x9FFFFFFF  }
0xca: {  	(tm) =	ssettm $0x7FFFFFFF  }
0xcb: {  	_ =	shalt  }
tec
execute0_lowered:
.L_overlay_start_1:
0x0: {  	(tag) =	ssettag $0x1  }
0x1: {  	s0 =	rddreg [dreg:$0x0]  }
0x2: {  	s1 =	rddreg [dreg:$0x1]  }
0x3: {  	s4 =	rddreg [dreg:$0x2]  }
0x4: {  	s2 =	rddreg [dreg:$0x3];
	s3 =	simm.s32 $0x0;
	s13 =	stileid.u32  }
0x5: {  	s5 =	srdreg.scid;
	s14 =	simm.s32 $0x4400;
	s15 =	simm.s32 $0x200  }
0x6: {  	s16 =	simm.s32 $0x80;
	s17 =	simm.s32 $0x280;
	s18 =	simm.s32 $0x100  }
0x7: {  	s19 =	simm.s32 $0x300;
	s28 =	simm.s32 $0x7;
	s29 =	simm.s32 $0x4  }
0x8: {  	s30 =	simm.s32 $0x8;
	s31 =	simm.s32 $0x0;
	[smem:$0x7FF] =	sst s3  }
0x9: {  	s10 =	sshll.u32 s13, $0xA;
	s8 =	sand.u32 $0x1, s5;
	s20 =	sadd.s32 $0x9600, s0  }
0xa: {  	s21 =	sadd.s32 $0x9E00, s0;
	s9 =	sshll.u32 s13, $0xC;
	s12 =	sshll.u32 s13, $0xF  }
0xb: {  	s22 =	sshll.u32 s13, $0x6;
	_ =	strace $0x80000047;
	[dreg:$0x6] =	wrdreg s20  }
0xc: {  	s13 =	simm.s32 $0x400;
	s7 =	sadd.s32 s10, s0;
	[dreg:$0x7] =	wrdreg s21  }
0xd: {  	s6 =	ssub.s32 $0x2, s8;
	s0 =	sadd.s32 s9, s0;
	s12 =	sadd.s32 s12, s2  }
0xe: {  	s23 =	sshll.u32 s8, $0x9;
	s8 =	sshll.u32 s8, $0x10;
	s4 =	sadd.s32 s4, s9  }
0xf: {  	s26 =	sadd.s32 s10, s1;
	s20 =	simm.s32 $0x180;
	s21 =	simm.s32 $0x380  }
0x10: {  	s11 =	sshrl.u32 s6, $0x1;
	s0 =	sadd.s32 $0xA600, s0;
	s24 =	sadd.s32 s23, s7  }
0x11: {  	s7 =	sor.u32 $0x1C09, s22;
	s8 =	sadd.s32 s8, s4;
	s10 =	sadd.s32 s23, s26  }
0x12: {  	s22 =	simm.s32 $0x1;
	s23 =	simm.s32 $0x5;
	s26 =	simm.s32 $0x3  }
0x13: {  	s11 =	ssub.s32 s6, s11;
	[dreg:$0x8] =	wrdreg s0;
	s25 =	sadd.s32 $0x5600, s24  }
0x14: {  	s24 =	simm.s32 $0x2;
	s9 =	smax.u32 s11, $0x1;
	[dreg:$0x5] =	wrdreg s25  }
0x15: {  	s11 =	sshrl.u32 s12, $0x3;
	s12 =	simm.s32 $0x9;
	s25 =	simm.s32 $0x6  }
.LBB2_1:
0x16: {  	s0 =	rddreg [dreg:$0x8]  }
0x17: {  	[spmem:s11], [sflag:s7] =	dma.local [hbm:s0], $0x1000  }
0x18: {  	_ =	swait.ge [sflag:s12], $0x1000  }
0x19: {  	[sflag:s12] =	ssyncset.done $0x0  }
0x1a: {  	s6 =	rddreg [dreg:$0x6];
	[sflag:s12] =	ssyncadd.s32 $0xFFFFF000  }
0x1b: {  	[tilespmem:s13], [sflag:$0x9] =	stream.linear.gather [hbm4b:s6+s3], $0x4000, $0x38;
	[tilespmem:$0x10400] =	vst v63  }
0x1c: {  	_ =	swait.ge [sflag:s12], $0x4000  }
0x1d: {  	[sflag:s12] =	ssyncset.done $0x0  }
0x1e: {  	s1 =	rddreg [dreg:$0x7];
	[sflag:s12] =	ssyncadd.s32 $0xFFFFC000  }
0x1f: {  	[tilespmem:s14], [sflag:$0x9] =	stream.linear.gather [hbm4b:s1+s3], $0x4000, $0x38;
	[tilespmem:$0x10400] =	vst v63  }
0x20: {  	_ =	swait.ge [sflag:s12], $0x4000  }
0x21: {  	[sflag:s12] =	ssyncset.done $0x0  }
0x22: {  	[sflag:s12] =	ssyncadd.s32 $0xFFFFC000  }
0x23: {  	[bflag:$0x0] =	sbarrier.arrive $0xFFFF  }
0x24: {  	s4 =	rddreg [dreg:$0x5]  }
0x25: {  	s0 =	sadd.s32 $0x0, s4  }
0x26: {  	[tilespmem:s3], [sflag:$0x1] =	stream.linear.gather [hbm4b:s0+s3], $0x80, $0x38;
	[tilespmem:$0x10400] =	vst v63  }
0x27: {  	s1 =	sadd.s32 $0x0, s10  }
0x28: {  	[tilespmem:s15], [sflag:$0x5] =	stream.linear.gather [hbm4b:s1+s3], $0x80, $0x38;
	[tilespmem:$0x10400] =	vst v63  }
0x29: {  	s4 =	sadd.s32 $0x10, s0  }
0x2a: {  	[tilespmem:s16], [sflag:$0x2] =	stream.linear.gather [hbm4b:s4+s3], $0x80, $0x38;
	[tilespmem:$0x10400] =	vst v63  }
0x2b: {  	s5 =	sadd.s32 $0x10, s1  }
0x2c: {  	[tilespmem:s17], [sflag:$0x6] =	stream.linear.gather [hbm4b:s5+s3], $0x80, $0x38;
	[tilespmem:$0x10400] =	vst v63  }
0x2d: {  	s6 =	sadd.s32 $0x20, s0  }
0x2e: {  	[tilespmem:s18], [sflag:$0x3] =	stream.linear.gather [hbm4b:s6+s3], $0x80, $0x38;
	[tilespmem:$0x10400] =	vst v63  }
0x2f: {  	s5 =	sadd.s32 $0x20, s1  }
0x30: {  	[tilespmem:s19], [sflag:$0x7] =	stream.linear.gather [hbm4b:s5+s3], $0x80, $0x38;
	[tilespmem:$0x10400] =	vst v63  }
0x31: {  	s0 =	sadd.s32 $0x30, s0  }
0x32: {  	[tilespmem:s20], [sflag:$0x4] =	stream.linear.gather [hbm4b:s0+s3], $0x80, $0x38;
	[tilespmem:$0x10400] =	vst v63  }
0x33: {  	s6 =	sadd.s32 $0x30, s1  }
0x34: {  	[tilespmem:s21], [sflag:$0x8] =	stream.linear.gather [hbm4b:s6+s3], $0x80, $0x38;
	[tilespmem:$0x10400] =	vst v63  }
0x35: {  	_ =	swait.ge [sflag:s22], $0x80  }
0x36: {  	[sflag:s22] =	ssyncset.done $0x0  }
0x37: {  	[sflag:s22] =	ssyncadd.s32 $0xFFFFFF80  }
0x38: {  	[spmem:s2] =	stream.indirect.scatter.add.f32 [tilespmem:s13], [sflag:$0x9], $0x80, s3, s16, $0xb8;
	[tilespmem:$0x10400] =	vst v63  }
0x39: {  	_ =	swait.ge [sflag:s12], $0x4000  }
0x3a: {  	[sflag:s12] =	ssyncset.done $0x0  }
0x3b: {  	[sflag:s12] =	ssyncadd.s32 $0xFFFFC000  }
0x3c: {  	_ =	swait.ge [sflag:s23], $0x80  }
0x3d: {  	[sflag:s23] =	ssyncset.done $0x0  }
0x3e: {  	[sflag:s23] =	ssyncadd.s32 $0xFFFFFF80  }
0x3f: {  	[spmem:s2] =	stream.indirect.scatter.add.f32 [tilespmem:s14], [sflag:$0x9], $0x80, s15, s16, $0xb8;
	[tilespmem:$0x10400] =	vst v63  }
0x40: {  	_ =	swait.ge [sflag:s12], $0x4000  }
0x41: {  	[sflag:s12] =	ssyncset.done $0x0  }
0x42: {  	[sflag:s12] =	ssyncadd.s32 $0xFFFFC000  }
0x43: {  	_ =	swait.ge [sflag:s24], $0x80  }
0x44: {  	[sflag:s24] =	ssyncset.done $0x0  }
0x45: {  	[sflag:s24] =	ssyncadd.s32 $0xFFFFFF80  }
0x46: {  	[spmem:s2] =	stream.indirect.scatter.add.f32 [tilespmem:s13], [sflag:$0x9], $0x80, s16, s16, $0xb8;
	[tilespmem:$0x10400] =	vst v63  }
0x47: {  	_ =	swait.ge [sflag:s12], $0x4000  }
0x48: {  	[sflag:s12] =	ssyncset.done $0x0  }
0x49: {  	[sflag:s12] =	ssyncadd.s32 $0xFFFFC000  }
0x4a: {  	_ =	swait.ge [sflag:s25], $0x80  }
0x4b: {  	[sflag:s25] =	ssyncset.done $0x0  }
0x4c: {  	[sflag:s25] =	ssyncadd.s32 $0xFFFFFF80  }
0x4d: {  	[spmem:s2] =	stream.indirect.scatter.add.f32 [tilespmem:s14], [sflag:$0x9], $0x80, s17, s16, $0xb8;
	[tilespmem:$0x10400] =	vst v63  }
0x4e: {  	_ =	swait.ge [sflag:s12], $0x4000  }
0x4f: {  	[sflag:s12] =	ssyncset.done $0x0  }
0x50: {  	[sflag:s12] =	ssyncadd.s32 $0xFFFFC000  }
0x51: {  	_ =	swait.ge [sflag:s26], $0x80  }
0x52: {  	[sflag:s26] =	ssyncset.done $0x0  }
0x53: {  	[sflag:s26] =	ssyncadd.s32 $0xFFFFFF80  }
0x54: {  	[spmem:s2] =	stream.indirect.scatter.add.f32 [tilespmem:s13], [sflag:$0x9], $0x80, s18, s16, $0xb8;
	[tilespmem:$0x10400] =	vst v63  }
0x55: {  	_ =	swait.ge [sflag:s12], $0x4000  }
0x56: {  	[sflag:s12] =	ssyncset.done $0x0  }
0x57: {  	[sflag:s12] =	ssyncadd.s32 $0xFFFFC000  }
0x58: {  	_ =	swait.ge [sflag:s28], $0x80  }
0x59: {  	[sflag:s28] =	ssyncset.done $0x0  }
0x5a: {  	[sflag:s28] =	ssyncadd.s32 $0xFFFFFF80  }
0x5b: {  	[spmem:s2] =	stream.indirect.scatter.add.f32 [tilespmem:s14], [sflag:$0x9], $0x80, s19, s16, $0xb8;
	[tilespmem:$0x10400] =	vst v63  }
0x5c: {  	_ =	swait.ge [sflag:s12], $0x4000  }
0x5d: {  	[sflag:s12] =	ssyncset.done $0x0  }
0x5e: {  	[sflag:s12] =	ssyncadd.s32 $0xFFFFC000  }
0x5f: {  	_ =	swait.ge [sflag:s29], $0x80  }
0x60: {  	[sflag:s29] =	ssyncset.done $0x0  }
0x61: {  	[sflag:s29] =	ssyncadd.s32 $0xFFFFFF80  }
0x62: {  	[spmem:s2] =	stream.indirect.scatter.add.f32 [tilespmem:s13], [sflag:$0x9], $0x80, s20, s16, $0xb8;
	[tilespmem:$0x10400] =	vst v63  }
0x63: {  	_ =	swait.ge [sflag:s12], $0x4000  }
0x64: {  	[sflag:s12] =	ssyncset.done $0x0  }
0x65: {  	[sflag:s12] =	ssyncadd.s32 $0xFFFFC000  }
0x66: {  	_ =	swait.ge [sflag:s30], $0x80  }
0x67: {  	[sflag:s30] =	ssyncset.done $0x0  }
0x68: {  	[sflag:s30] =	ssyncadd.s32 $0xFFFFFF80  }
0x69: {  	[spmem:s2] =	stream.indirect.scatter.add.f32 [tilespmem:s14], [sflag:$0x9], $0x80, s21, s16, $0xb8;
	[tilespmem:$0x10400] =	vst v63  }
0x6a: {  	s1 =	simm.s32 $0x80;
	_ =	swait.ge [sflag:s12], $0x4000  }
0x6b: {  	s0 =	simm.s32 $0x40;
	s4 =	rddreg [dreg:$0x5];
	[sflag:s12] =	ssyncset.done $0x0  }
.LBB2_2:
0x6c: {  	[sflag:s12] =	ssyncadd.s32 $0xFFFFC000;
	s4 =	sadd.s32 s0, s4  }
0x6d: {  	[tilespmem:s3], [sflag:$0x1] =	stream.linear.gather [hbm4b:s4+s3], $0x80, $0x38;
	[tilespmem:$0x10400] =	vst v63  }
0x6e: {  	s5 =	smov.u32 s1;
	s6 =	sadd.s32 s0, s10  }
0x6f: {  	[tilespmem:s15], [sflag:$0x5] =	stream.linear.gather [hbm4b:s6+s3], $0x80, $0x38;
	[tilespmem:$0x10400] =	vst v63  }
0x70: {  	s0 =	smov.u32 s5;
	s5 =	sadd.s32 $0x10, s4  }
0x71: {  	[tilespmem:s16], [sflag:$0x2] =	stream.linear.gather [hbm4b:s5+s3], $0x80, $0x38;
	[tilespmem:$0x10400] =	vst v63  }
0x72: {  	s5 =	sadd.s32 $0x10, s6  }
0x73: {  	[tilespmem:s17], [sflag:$0x6] =	stream.linear.gather [hbm4b:s5+s3], $0x80, $0x38;
	[tilespmem:$0x10400] =	vst v63  }
0x74: {  	s5 =	sadd.s32 $0x20, s4  }
0x75: {  	[tilespmem:s18], [sflag:$0x3] =	stream.linear.gather [hbm4b:s5+s3], $0x80, $0x38;
	[tilespmem:$0x10400] =	vst v63  }
0x76: {  	s5 =	sadd.s32 $0x20, s6  }
0x77: {  	[tilespmem:s19], [sflag:$0x7] =	stream.linear.gather [hbm4b:s5+s3], $0x80, $0x38;
	[tilespmem:$0x10400] =	vst v63  }
0x78: {  	s4 =	sadd.s32 $0x30, s4  }
0x79: {  	[tilespmem:s20], [sflag:$0x4] =	stream.linear.gather [hbm4b:s4+s3], $0x80, $0x38;
	[tilespmem:$0x10400] =	vst v63  }
0x7a: {  	s6 =	sadd.s32 $0x30, s6  }
0x7b: {  	[tilespmem:s21], [sflag:$0x8] =	stream.linear.gather [hbm4b:s6+s3], $0x80, $0x38;
	[tilespmem:$0x10400] =	vst v63  }
0x7c: {  	_ =	swait.ge [sflag:s22], $0x80  }
0x7d: {  	[sflag:s22] =	ssyncset.done $0x0  }
0x7e: {  	[sflag:s22] =	ssyncadd.s32 $0xFFFFFF80  }
0x7f: {  	[spmem:s2] =	stream.indirect.scatter.add.f32 [tilespmem:s13], [sflag:$0x9], $0x80, s3, s16, $0xb8;
	[tilespmem:$0x10400] =	vst v63  }
0x80: {  	_ =	swait.ge [sflag:s12], $0x4000  }
0x81: {  	[sflag:s12] =	ssyncset.done $0x0  }
0x82: {  	[sflag:s12] =	ssyncadd.s32 $0xFFFFC000  }
0x83: {  	_ =	swait.ge [sflag:s23], $0x80  }
0x84: {  	[sflag:s23] =	ssyncset.done $0x0  }
0x85: {  	[sflag:s23] =	ssyncadd.s32 $0xFFFFFF80  }
0x86: {  	[spmem:s2] =	stream.indirect.scatter.add.f32 [tilespmem:s14], [sflag:$0x9], $0x80, s15, s16, $0xb8;
	[tilespmem:$0x10400] =	vst v63  }
0x87: {  	_ =	swait.ge [sflag:s12], $0x4000  }
0x88: {  	[sflag:s12] =	ssyncset.done $0x0  }
0x89: {  	[sflag:s12] =	ssyncadd.s32 $0xFFFFC000  }
0x8a: {  	_ =	swait.ge [sflag:s24], $0x80  }
0x8b: {  	[sflag:s24] =	ssyncset.done $0x0  }
0x8c: {  	[sflag:s24] =	ssyncadd.s32 $0xFFFFFF80  }
0x8d: {  	[spmem:s2] =	stream.indirect.scatter.add.f32 [tilespmem:s13], [sflag:$0x9], $0x80, s16, s16, $0xb8;
	[tilespmem:$0x10400] =	vst v63  }
0x8e: {  	_ =	swait.ge [sflag:s12], $0x4000  }
0x8f: {  	[sflag:s12] =	ssyncset.done $0x0  }
0x90: {  	[sflag:s12] =	ssyncadd.s32 $0xFFFFC000  }
0x91: {  	_ =	swait.ge [sflag:s25], $0x80  }
0x92: {  	[sflag:s25] =	ssyncset.done $0x0  }
0x93: {  	[sflag:s25] =	ssyncadd.s32 $0xFFFFFF80  }
0x94: {  	[spmem:s2] =	stream.indirect.scatter.add.f32 [tilespmem:s14], [sflag:$0x9], $0x80, s17, s16, $0xb8;
	[tilespmem:$0x10400] =	vst v63  }
0x95: {  	_ =	swait.ge [sflag:s12], $0x4000  }
0x96: {  	[sflag:s12] =	ssyncset.done $0x0  }
0x97: {  	[sflag:s12] =	ssyncadd.s32 $0xFFFFC000  }
0x98: {  	_ =	swait.ge [sflag:s26], $0x80  }
0x99: {  	[sflag:s26] =	ssyncset.done $0x0  }
0x9a: {  	[sflag:s26] =	ssyncadd.s32 $0xFFFFFF80  }
0x9b: {  	[spmem:s2] =	stream.indirect.scatter.add.f32 [tilespmem:s13], [sflag:$0x9], $0x80, s18, s16, $0xb8;
	[tilespmem:$0x10400] =	vst v63  }
0x9c: {  	_ =	swait.ge [sflag:s12], $0x4000  }
0x9d: {  	[sflag:s12] =	ssyncset.done $0x0  }
0x9e: {  	[sflag:s12] =	ssyncadd.s32 $0xFFFFC000  }
0x9f: {  	_ =	swait.ge [sflag:s28], $0x80  }
0xa0: {  	[sflag:s28] =	ssyncset.done $0x0  }
0xa1: {  	[sflag:s28] =	ssyncadd.s32 $0xFFFFFF80  }
0xa2: {  	[spmem:s2] =	stream.indirect.scatter.add.f32 [tilespmem:s14], [sflag:$0x9], $0x80, s19, s16, $0xb8;
	[tilespmem:$0x10400] =	vst v63  }
0xa3: {  	_ =	swait.ge [sflag:s12], $0x4000  }
0xa4: {  	[sflag:s12] =	ssyncset.done $0x0  }
0xa5: {  	[sflag:s12] =	ssyncadd.s32 $0xFFFFC000  }
0xa6: {  	_ =	swait.ge [sflag:s29], $0x80  }
0xa7: {  	[sflag:s29] =	ssyncset.done $0x0  }
0xa8: {  	[sflag:s29] =	ssyncadd.s32 $0xFFFFFF80  }
0xa9: {  	[spmem:s2] =	stream.indirect.scatter.add.f32 [tilespmem:s13], [sflag:$0x9], $0x80, s20, s16, $0xb8;
	[tilespmem:$0x10400] =	vst v63  }
0xaa: {  	_ =	swait.ge [sflag:s12], $0x4000  }
0xab: {  	[sflag:s12] =	ssyncset.done $0x0  }
0xac: {  	[sflag:s12] =	ssyncadd.s32 $0xFFFFC000  }
0xad: {  	p0 =	sne.s32 s1, $0x1C0;
	_ =	swait.ge [sflag:s30], $0x80  }
.Ltmp0:
0xae: {  	[sflag:s30] =	ssyncset.done $0x0;
	(pc) =	sbr.rel @p0 .LBB2_2-.Ltmp0, $4  }
0xaf: {  	[sflag:s30] =	ssyncadd.s32 $0xFFFFFF80  }
0xb0: {  	[spmem:s2] =	stream.indirect.scatter.add.f32 [tilespmem:s14], [sflag:$0x9], $0x80, s21, s16, $0xb8;
	[tilespmem:$0x10400] =	vst v63  }
0xb1: {  	_ =	swait.ge [sflag:s12], $0x4000  }
0xb2: {  	s1 =	sadd.s32 $0x40, s1;
	s4 =	rddreg [dreg:$0x5];
	[sflag:s12] =	ssyncset.done $0x0  }
0xb3: {  	[sflag:s12] =	ssyncadd.s32 $0xFFFFC000;
	s1 =	sadd.s32 s0, s4  }
0xb4: {  	[tilespmem:s3], [sflag:$0x1] =	stream.linear.gather [hbm4b:s1+s3], $0x80, $0x38;
	[tilespmem:$0x10400] =	vst v63  }
0xb5: {  	s0 =	sadd.s32 s0, s10  }
0xb6: {  	[tilespmem:s15], [sflag:$0x5] =	stream.linear.gather [hbm4b:s0+s3], $0x80, $0x38;
	[tilespmem:$0x10400] =	vst v63  }
0xb7: {  	s4 =	sadd.s32 $0x10, s1  }
0xb8: {  	[tilespmem:s16], [sflag:$0x2] =	stream.linear.gather [hbm4b:s4+s3], $0x80, $0x38;
	[tilespmem:$0x10400] =	vst v63  }
0xb9: {  	s6 =	sadd.s32 $0x10, s0  }
0xba: {  	[tilespmem:s17], [sflag:$0x6] =	stream.linear.gather [hbm4b:s6+s3], $0x80, $0x38;
	[tilespmem:$0x10400] =	vst v63  }
0xbb: {  	s5 =	sadd.s32 $0x20, s1  }
0xbc: {  	[tilespmem:s18], [sflag:$0x3] =	stream.linear.gather [hbm4b:s5+s3], $0x80, $0x38;
	[tilespmem:$0x10400] =	vst v63  }
0xbd: {  	s6 =	sadd.s32 $0x20, s0  }
0xbe: {  	[tilespmem:s19], [sflag:$0x7] =	stream.linear.gather [hbm4b:s6+s3], $0x80, $0x38;
	[tilespmem:$0x10400] =	vst v63  }
0xbf: {  	s1 =	sadd.s32 $0x30, s1  }
0xc0: {  	[tilespmem:s20], [sflag:$0x4] =	stream.linear.gather [hbm4b:s1+s3], $0x80, $0x38;
	[tilespmem:$0x10400] =	vst v63  }
0xc1: {  	s0 =	sadd.s32 $0x30, s0  }
0xc2: {  	[tilespmem:s21], [sflag:$0x8] =	stream.linear.gather [hbm4b:s0+s3], $0x80, $0x38;
	[tilespmem:$0x10400] =	vst v63  }
0xc3: {  	_ =	swait.ge [sflag:s22], $0x80  }
0xc4: {  	[sflag:s22] =	ssyncset.done $0x0  }
0xc5: {  	[sflag:s22] =	ssyncadd.s32 $0xFFFFFF80  }
0xc6: {  	[spmem:s2] =	stream.indirect.scatter.add.f32 [tilespmem:s13], [sflag:$0x9], $0x80, s3, s16, $0xb8;
	[tilespmem:$0x10400] =	vst v63  }
0xc7: {  	_ =	swait.ge [sflag:s12], $0x4000  }
0xc8: {  	[sflag:s12] =	ssyncset.done $0x0  }
0xc9: {  	[sflag:s12] =	ssyncadd.s32 $0xFFFFC000  }
0xca: {  	_ =	swait.ge [sflag:s23], $0x80  }
0xcb: {  	[sflag:s23] =	ssyncset.done $0x0  }
0xcc: {  	[sflag:s23] =	ssyncadd.s32 $0xFFFFFF80  }
0xcd: {  	[spmem:s2] =	stream.indirect.scatter.add.f32 [tilespmem:s14], [sflag:$0x9], $0x80, s15, s16, $0xb8;
	[tilespmem:$0x10400] =	vst v63  }
0xce: {  	_ =	swait.ge [sflag:s12], $0x4000  }
0xcf: {  	[sflag:s12] =	ssyncset.done $0x0  }
0xd0: {  	[sflag:s12] =	ssyncadd.s32 $0xFFFFC000  }
0xd1: {  	_ =	swait.ge [sflag:s24], $0x80  }
0xd2: {  	[sflag:s24] =	ssyncset.done $0x0  }
0xd3: {  	[sflag:s24] =	ssyncadd.s32 $0xFFFFFF80  }
0xd4: {  	[spmem:s2] =	stream.indirect.scatter.add.f32 [tilespmem:s13], [sflag:$0x9], $0x80, s16, s16, $0xb8;
	[tilespmem:$0x10400] =	vst v63  }
0xd5: {  	_ =	swait.ge [sflag:s12], $0x4000  }
0xd6: {  	[sflag:s12] =	ssyncset.done $0x0  }
0xd7: {  	[sflag:s12] =	ssyncadd.s32 $0xFFFFC000  }
0xd8: {  	_ =	swait.ge [sflag:s25], $0x80  }
0xd9: {  	[sflag:s25] =	ssyncset.done $0x0  }
0xda: {  	[sflag:s25] =	ssyncadd.s32 $0xFFFFFF80  }
0xdb: {  	[spmem:s2] =	stream.indirect.scatter.add.f32 [tilespmem:s14], [sflag:$0x9], $0x80, s17, s16, $0xb8;
	[tilespmem:$0x10400] =	vst v63  }
0xdc: {  	_ =	swait.ge [sflag:s12], $0x4000  }
0xdd: {  	[sflag:s12] =	ssyncset.done $0x0  }
0xde: {  	[sflag:s12] =	ssyncadd.s32 $0xFFFFC000  }
0xdf: {  	_ =	swait.ge [sflag:s26], $0x80  }
0xe0: {  	[sflag:s26] =	ssyncset.done $0x0  }
0xe1: {  	[sflag:s26] =	ssyncadd.s32 $0xFFFFFF80  }
0xe2: {  	[spmem:s2] =	stream.indirect.scatter.add.f32 [tilespmem:s13], [sflag:$0x9], $0x80, s18, s16, $0xb8;
	[tilespmem:$0x10400] =	vst v63  }
0xe3: {  	_ =	swait.ge [sflag:s12], $0x4000  }
0xe4: {  	[sflag:s12] =	ssyncset.done $0x0  }
0xe5: {  	[sflag:s12] =	ssyncadd.s32 $0xFFFFC000  }
0xe6: {  	_ =	swait.ge [sflag:s28], $0x80  }
0xe7: {  	[sflag:s28] =	ssyncset.done $0x0  }
0xe8: {  	[sflag:s28] =	ssyncadd.s32 $0xFFFFFF80  }
0xe9: {  	[spmem:s2] =	stream.indirect.scatter.add.f32 [tilespmem:s14], [sflag:$0x9], $0x80, s19, s16, $0xb8;
	[tilespmem:$0x10400] =	vst v63  }
0xea: {  	_ =	swait.ge [sflag:s12], $0x4000  }
0xeb: {  	[sflag:s12] =	ssyncset.done $0x0  }
0xec: {  	[sflag:s12] =	ssyncadd.s32 $0xFFFFC000  }
0xed: {  	_ =	swait.ge [sflag:s29], $0x80  }
0xee: {  	[sflag:s29] =	ssyncset.done $0x0  }
0xef: {  	[sflag:s29] =	ssyncadd.s32 $0xFFFFFF80  }
0xf0: {  	[spmem:s2] =	stream.indirect.scatter.add.f32 [tilespmem:s13], [sflag:$0x9], $0x80, s20, s16, $0xb8;
	[tilespmem:$0x10400] =	vst v63  }
0xf1: {  	_ =	swait.ge [sflag:s12], $0x4000  }
0xf2: {  	[sflag:s12] =	ssyncset.done $0x0  }
0xf3: {  	[sflag:s12] =	ssyncadd.s32 $0xFFFFC000  }
0xf4: {  	_ =	swait.ge [sflag:s30], $0x80  }
0xf5: {  	[sflag:s30] =	ssyncset.done $0x0  }
0xf6: {  	[sflag:s30] =	ssyncadd.s32 $0xFFFFFF80  }
0xf7: {  	[spmem:s2] =	stream.indirect.scatter.add.f32 [tilespmem:s14], [sflag:$0x9], $0x80, s21, s16, $0xb8;
	[tilespmem:$0x10400] =	vst v63  }
0xf8: {  	_ =	swait.ge [sflag:s12], $0x4000  }
0xf9: {  	s31 =	sadd.s32 $0x1, s31;
	[sflag:s12] =	ssyncset.done $0x0  }
0xfa: {  	p0 =	sne.s32 s31, s9;
	[sflag:s12] =	ssyncadd.s32 $0xFFFFC000  }
.Ltmp1:
0xfb: {  	[bflag:$0x0] =	sbarrier.arrive $0xFFFF;
	(pc) =	sbr.rel @p0 .LBB2_1-.Ltmp1, $4  }
0xfc: {  	[hbm:s8], [sflag:s7] =	dma.local [spmem:s11], $0x1000  }
0xfd: {  	_ =	swait.ge [sflag:s12], $0x1000  }
0xfe: {  	[sflag:s12] =	ssyncset.done $0x0  }
0xff: {  	[sflag:s12] =	ssyncadd.s32 $0xFFFFF000  }
0x100: {  	_ =	sfence.sel $0x180000  }
0x101: {  	[bflag:$0x0] =	sbarrier.arrive $0xFFFF  }
0x102: {  	_ =	strace $0x90000047  }
0x103: {  	s0 =	stileid.u32;
	[bflag:$0x2] =	sbarrier.arrive $0xFFFF  }
0x104: {  	p0 =	sne.s32 s0, $0x0;
	s0 =	rddreg [dreg:$0x4]  }
0x105: {  	s0 =	sadd.s32 @!p0 $0x100000, s0  }
0x106: {  	[sflag:s0] =	ssyncadd.tile.s32 @!p0 $0x1;
	_ =	shalt  }
.Lfunc_end2:
_tile_overlayer_lowered:
.L_overlay_start_2:
0x107: {  	(tag) =	ssettag $0x2  }
0x108: {  	s0 =	rddreg [dreg:$0x0];
	s2 =	stileid.u32  }
0x109: {  	s1 =	rddreg [dreg:$0x1];
	p0 =	sne.s32 s2, $0x0  }
0x10a: {  	s3 =	rddreg [dreg:$0x2];
	[bflag:$0x3] =	sbarrier.arrive $0xFFFF;
	s2 =	simm.s32 @!p0 $0x1C09  }
0x10b: {  	[timem:s3], [sflag:s2] =	dma.local @!p0 [hbm:s0], s1  }
0x10c: {  	s0 =	simm.s32 @!p0 $0x9  }
0x10d: {  	_ =	swait.ge @!p0 [sflag:s0], s1  }
0x10e: {  	s1 =	ssub.s32 @!p0 $0x0, s1;
	[sflag:s0] =	ssyncset.done @!p0 $0x0  }
0x10f: {  	[sflag:s0] =	ssyncadd.s32 @!p0 s1  }
0x110: {  	[bflag:$0x3] =	sbarrier.arrive $0xFFFF  }
0x111: {  	_ =	shalt  }

// kernel: kernel.13.cloned.1.call-start
scs
__scs_entry_jumppad:
0x0: {  	(pc) =	sbr.rel $0x88, $3  }
0x1: {  	(tag) =	ssettag $0x0;
	lr =	simm.s32 $0x1  }
0x2: {  	[smem:$0x3F7F] =	sst lr;
	_ =	strace $0xD0000000  }
0x3: {  	_ = 	snop  }
0x4: {  	_ = 	snop  }
0x5: {  	_ = 	snop  }
0x6: {  	_ = 	snop  }
0x7: {  	_ = 	snop  }
__scs_overlays_trampoline_lowered:
0x8: {  	[smem:$0x3F8E] =	sst s0  }
0x9: {  	[smem:$0x3F8F] =	sst s1  }
0xa: {  	[smem:$0x3F90] =	sst s2  }
0xb: {  	[smem:$0x3F91] =	sst s3  }
0xc: {  	[smem:$0x3F92] =	sst s4  }
0xd: {  	[smem:$0x3F93] =	sst s5  }
0xe: {  	[smem:$0x3F94] =	sst s6  }
0xf: {  	[smem:$0x3F95] =	sst s7  }
0x10: {  	[smem:$0x3F96] =	sst s8  }
0x11: {  	[smem:$0x3F97] =	sst s9;
	s0 =	simm.s32 @!p0 $0x0  }
0x12: {  	s1 =	sld [smem:$0x3F7D];
	s0 =	simm.s32 @p0 $0x1  }
0x13: {  	[smem:$0x3F98] =	sst s0;
	s0 =	simm.s32 @!p1 $0x0  }
0x14: {  	s2 =	sld [smem:$0x3F7C];
	s0 =	simm.s32 @p1 $0x1  }
0x15: {  	[smem:$0x3F99] =	sst s0;
	s0 =	simm.s32 @!p2 $0x0  }
0x16: {  	s3 =	sld [smem:$0x3FDB];
	s0 =	simm.s32 @p2 $0x1  }
0x17: {  	s4 =	simm.s32 $0x1BF5;
	[smem:$0x3F9B] =	sst s0  }
0x18: {  	s0 =	sld [smem:$0x3F7E];
	_ =	swait.ge [sflag:s4], $0x0  }
0x19: {  	s7 =	sld [smem:$0x3F7F]  }
0x1a: {  	s8 =	sadd.s32 $0xFFFFE003, lr  }
0x1b: {  	s9 =	sadd.s32 $0xFFFFFEF7, lr;
	s5 =	simm.s32 $0xFFFFFFFF;
	p2 =	slt.u32 s8, $0xFFFFF086  }
0x1c: {  	p1 =	slt.u32 s9, $0xF7A;
	s5 =	simm.s32 @!p2 $0x0  }
0x1d: {  	s5 =	simm.s32 @p1 $0x1;
	p0 =	seq.s32 s7, s2  }
0x1e: {  	s7 =	smul.u32 @!p0 $0xF7A, s2;
	p2 =	seq.s32 @!p0 s5, $0x0  }
0x1f: {  	s9 =	smul.u32 $0xF7A, s1;
	s8 =	simm.s32 @!p0 $0x1BF5;
	p2 =	por !p2, p0  }
0x20: {  	[sflag:s8] =	ssyncset.s32 @!p0 $0xFFFFF086;
	s6 =	sadd.s32 @!p0 s3, s7;
	s7 =	simm.s32 @!p0 $0x108  }
0x21: {  	s3 =	sadd.s32 s3, s9;
	s6 =	sadd.s32 @!p0 $0x88, s6;
	s7 =	simm.s32 @p2 $0x1082  }
0x22: {  	[simem:s7], [sflag:s8] =	dma.local @!p0 [hbm:s6], $0xF7A  }
0x23: {  	s9 =	sor.u32 $0xD0000000, s2;
	s6 =	simm.s32 $0x108;
	_ =	swait.ge @!p0 [sflag:s8], $0x0  }
0x24: {  	s3 =	sadd.s32 $0x88, s3;
	s6 =	simm.s32 @!p1 $0x1082;
	[sflag:s4] =	ssyncset.s32 $0xFFFFF086  }
0x25: {  	[simem:s6], [sflag:s4] =	dma.local [hbm:s3], $0xF7A  }
0x26: {  	[smem:$0x3F7F] =	sst s1;
	(tag) =	ssettag s2;
	_ =	strace s9  }
0x27: {  	s1 =	sld [smem:$0x3F8F]  }
0x28: {  	s2 =	sld [smem:$0x3F90]  }
0x29: {  	s4 =	sld [smem:$0x3F92]  }
0x2a: {  	p0 =	seq.s32 s5, $0x0;
	s5 =	sld [smem:$0x3F93]  }
0x2b: {  	s6 =	sld [smem:$0x3F94]  }
0x2c: {  	s7 =	sld [smem:$0x3F95]  }
0x2d: {  	s3 =	simm.s32 $0x108;
	s8 =	sld [smem:$0x3F96]  }
0x2e: {  	s3 =	simm.s32 @!p0 $0x1082;
	s9 =	sld [smem:$0x3F97]  }
0x2f: {  	lr =	sadd.s32 s0, s3;
	s0 =	sld [smem:$0x3F8E]  }
0x30: {  	s3 =	sld [smem:$0x3F91]  }
0x31: {  	[smem:$0x3F9A] =	sst s10  }
0x32: {  	s10 =	sld [smem:$0x3F98];
	_ =	sdelay $0x3  }
0x33: {  	p0 =	seq.s32 s10, $0x1;
	s10 =	sld [smem:$0x3F9A];
	_ =	sdelay $0x3  }
0x34: {  	[smem:$0x3F9A] =	sst s10  }
0x35: {  	s10 =	sld [smem:$0x3F99];
	_ =	sdelay $0x3  }
0x36: {  	p1 =	seq.s32 s10, $0x1;
	s10 =	sld [smem:$0x3F9A];
	_ =	sdelay $0x3  }
0x37: {  	[smem:$0x3F9A] =	sst s10  }
0x38: {  	s10 =	sld [smem:$0x3F9B]  }
0x39: {  	_ = 	snop;
	(pc) =	sbr.ind lr, $3  }
0x3a: {  	_ = 	snop  }
0x3b: {  	_ = 	snop  }
0x3c: {  	p2 =	seq.s32 s10, $0x1;
	s10 =	sld [smem:$0x3F9A]  }
0x3d: {  	_ =	shalt  }
0x3e: {  	_ =	shalt  }
0x3f: {  	_ =	shalt  }
0x40: {  	_ =	shalt  }
0x41: {  	_ =	shalt  }
0x42: {  	_ =	shalt  }
0x43: {  	_ =	shalt  }
0x44: {  	_ =	shalt  }
0x45: {  	_ =	shalt  }
0x46: {  	_ =	shalt  }
0x47: {  	_ =	shalt  }
0x48: {  	_ =	shalt  }
0x49: {  	_ =	shalt  }
0x4a: {  	_ =	shalt  }
0x4b: {  	_ =	shalt  }
0x4c: {  	_ =	shalt  }
0x4d: {  	_ =	shalt  }
0x4e: {  	_ =	shalt  }
0x4f: {  	_ =	shalt  }
0x50: {  	_ =	shalt  }
0x51: {  	_ =	shalt  }
0x52: {  	_ =	shalt  }
0x53: {  	_ =	shalt  }
0x54: {  	_ =	shalt  }
0x55: {  	_ =	shalt  }
0x56: {  	_ =	shalt  }
0x57: {  	_ =	shalt  }
0x58: {  	_ =	shalt  }
0x59: {  	_ =	shalt  }
0x5a: {  	_ =	shalt  }
0x5b: {  	_ =	shalt  }
0x5c: {  	_ =	shalt  }
0x5d: {  	_ =	shalt  }
0x5e: {  	_ =	shalt  }
0x5f: {  	_ =	shalt  }
0x60: {  	_ =	shalt  }
0x61: {  	_ =	shalt  }
0x62: {  	_ =	shalt  }
0x63: {  	_ =	shalt  }
0x64: {  	_ =	shalt  }
0x65: {  	_ =	shalt  }
0x66: {  	_ =	shalt  }
0x67: {  	_ =	shalt  }
0x68: {  	_ =	shalt  }
0x69: {  	_ =	shalt  }
0x6a: {  	_ =	shalt  }
0x6b: {  	_ =	shalt  }
0x6c: {  	_ =	shalt  }
0x6d: {  	_ =	shalt  }
0x6e: {  	_ =	shalt  }
0x6f: {  	_ =	shalt  }
0x70: {  	_ =	shalt  }
0x71: {  	_ =	shalt  }
0x72: {  	_ =	shalt  }
0x73: {  	_ =	shalt  }
0x74: {  	_ =	shalt  }
0x75: {  	_ =	shalt  }
0x76: {  	_ =	shalt  }
0x77: {  	_ =	shalt  }
0x78: {  	_ =	shalt  }
0x79: {  	_ =	shalt  }
0x7a: {  	_ =	shalt  }
0x7b: {  	_ =	shalt  }
0x7c: {  	_ =	shalt  }
0x7d: {  	_ =	shalt  }
0x7e: {  	_ =	shalt  }
0x7f: {  	_ =	shalt  }
0x80: {  	_ =	shalt  }
0x81: {  	_ =	shalt  }
0x82: {  	_ =	shalt  }
0x83: {  	_ =	shalt  }
0x84: {  	_ =	shalt  }
0x85: {  	_ =	shalt  }
0x86: {  	_ =	shalt  }
0x87: {  	_ =	shalt  }
.Lfunc_end0:
.L_simem_size_0:
called_computation.1_lowered:
.L_overlay_start_0:
0x88: {  	s2 =	sld [smem:$0x3FD9]  }
0x89: {  	s3 =	sld [smem:$0x3FFE];
	_ =	sdelay $0x1  }
0x8a: {  	s1 =	srdreg.scid  }
0x8b: {  	s0 =	sand.u32 $0x1, s1  }
0x8c: {  	s14 =	sshll.u32 s0, $0xA;
	s2 =	sadd.s32 s3, s2  }
0x8d: {  	s2 =	sadd.s32 s2, s14  }
0x8e: {  	[smem:$0x3FA6] =	sst s2  }
0x8f: {  	_ = 	snop  }
0x90: {  	s2 =	sld [smem:$0x3FD0];
	_ =	sdelay $0x2  }
0x91: {  	s15 =	simm.s32 $0xA;
	s4 =	simm.s32 $0x10  }
0x92: {  	[smem:s4], [sflag:s15] =	dma.local [hbm:s2], $0x1  }
0x93: {  	_ =	swait.eq [sflag:s15], $0x1  }
0x94: {  	[sflag:s15] =	ssyncset.done $0x0  }
0x95: {  	s16 =	sld [smem:$0x10];
	[sflag:s15] =	ssyncadd.s32 $0xFFFFFFFF  }
0x96: {  	s17 =	sld [smem:$0x11];
	(tm) =	ssettm $0x1  }
0x97: {  	s18 =	sld [smem:$0x3FFB];
	_ =	sdelay $0x3  }
0x98: {  	_ =	strace s18  }
0x99: {  	s4 =	sld [smem:$0x3FFC];
	_ =	sdelay $0x3  }
0x9a: {  	_ =	strace s4  }
0x9b: {  	s4 =	sld [smem:$0x3FFD];
	_ =	sdelay $0x3  }
0x9c: {  	_ =	strace s4  }
0x9d: {  	_ =	strace $0x8FFFFFFF  }
0x9e: {  	s19 =	sld [smem:$0x3FDB];
	_ =	sdelay $0x1  }
0x9f: {  	s5 =	simm.s32 $_scs_section_size  }
0xa0: {  	s6 =	simm.s32 $_size__tile_overlayer_lowered;
	s7 =	simm.s32 $_tile_overlayer_lowered  }
0xa1: {  	s22 =	simm.s32 $0x1BFF;
	s21 =	sshll.u32 s7, $0x1;
	s4 =	sadd.s32 s5, s19  }
0xa2: {  	s8 =	simm.s32 $0x0;
	s20 =	sshll.u32 s6, $0x1;
	s6 =	sadd.s32 s21, s4  }
0xa3: {  	[timem:s8], [sflag:s22] =	dma.local [hbm:s6], s20  }
0xa4: {  	_ =	swait.ge [sflag:s22], s20  }
0xa5: {  	s5 =	ssub.s32 $0x0, s20;
	[sflag:s22] =	ssyncset.done $0x0  }
0xa6: {  	[sflag:s22] =	ssyncadd.s32 s5;
	_ =	sdelay $0x1  }
0xa7: {  	s23 =	simm.s32 $0x1B8B  }
0xa8: {  	_ =	swait.ge [sflag:s23], $0x1  }
0xa9: {  	[sflag:s23] =	ssyncset.done $0x0  }
0xaa: {  	s25 =	simm.s32 $0x1B8E;
	s24 =	sld [smem:$0x3FFE];
	[sflag:s23] =	ssyncadd.s32 $0xFFFFFFFF  }
0xab: {  	s26 =	simm.s32 $execute0_lowered;
	[smem:$0x3FD2] =	sst s25  }
0xac: {  	s6 =	sshll.u32 s26, $0x1;
	_ =	strace $0x80000049;
	[dreg:$0x1] =	wrdreg $0xFFFFFFFF  }
0xad: {  	s28 =	simm.s32 $_size_execute0_lowered;
	s4 =	sadd.s32 s4, s6;
	[dreg:$0x0] =	wrdreg $0x0  }
0xae: {  	s6 =	sshll.u32 s28, $0x1;
	[dreg:$0x2] =	wrdreg s4  }
0xaf: {  	[dreg:$0x3] =	wrdreg s6  }
0xb0: {  	[dreg:$0x4] =	wrdreg $0xC0  }
0xb1: {  	_ =	task [dreg:s8], $0x5FFFF  }
0xb2: {  	[dreg:$0x1] =	wrdreg $0xFFFFFFFF  }
0xb3: {  	[dreg:$0x0] =	wrdreg $0x60  }
0xb4: {  	[dreg:$0x2] =	wrdreg s24  }
0xb5: {  	[dreg:$0x3] =	wrdreg s16  }
0xb6: {  	[dreg:$0x4] =	wrdreg s17  }
0xb7: {  	[dreg:$0x5] =	wrdreg $0x104000  }
0xb8: {  	[dreg:$0x6] =	wrdreg $0x9  }
0xb9: {  	_ =	task.clear_ibuf [dreg:s8], $0x7FFFF;
	_ =	strace $0x90000049  }
0xba: {  	s29 =	simm.s32 $0x9;
	_ =	strace $0x8000004B  }
0xbb: {  	_ =	swait.ge [sflag:s29], $0x1  }
0xbc: {  	[sflag:s29] =	ssyncadd.s32 $0xFFFFFFFF  }
0xbd: {  	_ =	strace $0x9000004B  }
0xbe: {  	_ =	sfence  }
0xbf: {  	s30 =	sld [smem:$0x0];
	_ =	sdelay $0x2  }
0xc0: {  	s31 =	sshll.u32 s1, $0xD;
	s1 =	sshrl.u32 s1, $0x2  }
0xc1: {  	s3 =	sand.u32 $0x4000, s31;
	s1 =	sadd.s32 s1, s30  }
0xc2: {  	s0 =	sor.u32 s3, s0;
	s1 =	sshll.u32 s1, $0x11  }
0xc3: {  	s0 =	sor.u32 s1, s0  }
0xc4: {  	s0 =	sadd.s32 $0x8F2B, s0  }
0xc5: {  	[sflag:s0] =	ssyncadd.remote.s32 $0x1  }
0xc6: {  	_ =	sfence.sel $0xFFFF  }
0xc7: {  	[dreg:$0x0] =	wrdreg $0xFFFFFFFF;
	(pc) =	sbr.abs _section_cstart, $3  }
0xc8: {  	[dreg:$0x1] =	wrdreg $0xFFFFFFFF  }
0xc9: {  	_ =	task.clear_ibuf [dreg:s8], $0x2FFFF;
	_ =	strace $0x9FFFFFFF  }
0xca: {  	(tm) =	ssettm $0x7FFFFFFF  }
0xcb: {  	_ =	shalt  }
tec
execute0_lowered:
.L_overlay_start_1:
0x0: {  	(tag) =	ssettag $0x1  }
0x1: {  	s0 =	rddreg [dreg:$0x0]  }
0x2: {  	s2 =	rddreg [dreg:$0x1]  }
0x3: {  	s5 =	rddreg [dreg:$0x2]  }
0x4: {  	s1 =	rddreg [dreg:$0x3];
	s3 =	simm.s32 $0x0;
	s13 =	stileid.u32  }
0x5: {  	s6 =	srdreg.scid;
	s17 =	simm.s32 $0x380;
	s18 =	simm.s32 $0x1  }
0x6: {  	s19 =	simm.s32 $0x400;
	s20 =	simm.s32 $0x2;
	s21 =	simm.s32 $0x4400  }
0x7: {  	s28 =	simm.s32 $0x5;
	s29 =	simm.s32 $0xA;
	s30 =	simm.s32 $0x6  }
0x8: {  	s31 =	simm.s32 $0xB;
	s15 =	simm.s32 $0x100;
	s16 =	simm.s32 $0x300  }
0x9: {  	[smem:$0x7FF] =	sst s3;
	s4 =	sadd.s32 $0x1A600, s0;
	s7 =	sshll.u32 s13, $0xA  }
0xa: {  	s6 =	sand.u32 $0x1, s6;
	s9 =	sshll.u32 s13, $0xC;
	s12 =	sshll.u32 s13, $0xF  }
0xb: {  	s23 =	sshll.u32 s13, $0x6;
	_ =	strace $0x8000004A;
	s8 =	sadd.s32 s7, s0  }
0xc: {  	s10 =	ssub.s32 $0x2, s6;
	s0 =	sadd.s32 s9, s0;
	s22 =	sadd.s32 s12, s1  }
0xd: {  	s12 =	sor.u32 $0x1C0D, s23;
	s24 =	sshll.u32 s6, $0x9;
	s6 =	sshll.u32 s6, $0x10  }
0xe: {  	s5 =	sadd.s32 s5, s9;
	s2 =	sadd.s32 s7, s2;
	s23 =	simm.s32 $0x8400  }
0xf: {  	s9 =	simm.s32 $0x0;
	s11 =	sshrl.u32 s10, $0x1;
	s0 =	sadd.s32 $0xA600, s0  }
0x10: {  	s8 =	sadd.s32 s24, s8;
	s5 =	sadd.s32 s6, s5;
	s7 =	smov.u32 s12  }
0x11: {  	s12 =	simm.s32 $0x80;
	s10 =	ssub.s32 s10, s11;
	[dreg:$0x7] =	wrdreg s0  }
0x12: {  	[dreg:$0x9] =	wrdreg s5;
	s25 =	sadd.s32 $0x5600, s8;
	s0 =	sadd.s32 s24, s2  }
0x13: {  	s8 =	sshrl.u32 s22, $0x3;
	s22 =	simm.s32 $0x3;
	[dreg:$0x8] =	wrdreg s7  }
0x14: {  	s24 =	simm.s32 $0x4;
	s2 =	simm.s32 $0xC;
	[dreg:$0x5] =	wrdreg s25  }
0x15: {  	s5 =	simm.s32 $0x8;
	s26 =	smax.u32 s10, $0x1;
	[dreg:$0x6] =	wrdreg s0  }
0x16: {  	s10 =	simm.s32 $0xD;
	s25 =	simm.s32 $0xC400;
	[dreg:$0xb] =	wrdreg s8  }
0x17: {  	s0 =	simm.s32 $0x7;
	[dreg:$0xa] =	wrdreg s26;
	s26 =	simm.s32 $0x9  }
.LBB2_1:
0x18: {  	[dreg:$0xc] =	wrdreg s9  }
0x19: {  	s6 =	rddreg [dreg:$0x7]  }
0x1a: {  	[spmem:s8], [sflag:s7] =	dma.local [hbm:s6], $0x1000  }
0x1b: {  	_ =	swait.ge [sflag:s10], $0x1000  }
0x1c: {  	[sflag:s10] =	ssyncset.done $0x0  }
0x1d: {  	[sflag:s10] =	ssyncadd.s32 $0xFFFFF000  }
0x1e: {  	[bflag:$0x0] =	sbarrier.arrive $0xFFFF  }
0x1f: {  	s8 =	rddreg [dreg:$0x5]  }
0x20: {  	s9 =	rddreg [dreg:$0x6];
	s6 =	sadd.s32 $0x0, s8  }
0x21: {  	[tilespmem:s3], [sflag:$0x1] =	stream.linear.gather [hbm4b:s6+s3], $0x80, $0x38;
	[tilespmem:$0x18400] =	vst v63  }
0x22: {  	s7 =	simm.s32 $0x200;
	s8 =	sadd.s32 $0x0, s9  }
0x23: {  	[tilespmem:s7], [sflag:$0x5] =	stream.linear.gather [hbm4b:s8+s3], $0x80, $0x38;
	[tilespmem:$0x18400] =	vst v63  }
0x24: {  	s11 =	sadd.s32 $0x10, s6  }
0x25: {  	[tilespmem:s12], [sflag:$0x2] =	stream.linear.gather [hbm4b:s11+s3], $0x80, $0x38;
	[tilespmem:$0x18400] =	vst v63  }
0x26: {  	s13 =	sadd.s32 $0x10, s8;
	s11 =	simm.s32 $0x280  }
0x27: {  	[tilespmem:s11], [sflag:$0x6] =	stream.linear.gather [hbm4b:s13+s3], $0x80, $0x38;
	[tilespmem:$0x18400] =	vst v63  }
0x28: {  	s14 =	sadd.s32 $0x20, s6;
	s13 =	simm.s32 $0x100  }
0x29: {  	[tilespmem:s13], [sflag:$0x3] =	stream.linear.gather [hbm4b:s14+s3], $0x80, $0x38;
	[tilespmem:$0x18400] =	vst v63  }
0x2a: {  	s9 =	sadd.s32 $0x20, s8;
	s14 =	simm.s32 $0x300  }
0x2b: {  	[tilespmem:s14], [sflag:$0x7] =	stream.linear.gather [hbm4b:s9+s3], $0x80, $0x38;
	[tilespmem:$0x18400] =	vst v63  }
0x2c: {  	s6 =	sadd.s32 $0x30, s6;
	s9 =	simm.s32 $0x180  }
0x2d: {  	[tilespmem:s9], [sflag:$0x4] =	stream.linear.gather [hbm4b:s6+s3], $0x80, $0x38;
	[tilespmem:$0x18400] =	vst v63  }
0x2e: {  	s8 =	sadd.s32 $0x30, s8  }
0x2f: {  	[tilespmem:s17], [sflag:$0x8] =	stream.linear.gather [hbm4b:s8+s3], $0x80, $0x38;
	[tilespmem:$0x18400] =	vst v63  }
0x30: {  	_ =	swait.ge [sflag:s18], $0x80  }
0x31: {  	[sflag:s18] =	ssyncset.done $0x0  }
0x32: {  	[sflag:s18] =	ssyncadd.s32 $0xFFFFFF80  }
0x33: {  	[tilespmem:s19], [sflag:$0x9] =	stream.indirect.gather [hbm4b:s4+s12], $0x80, s3, s12, $0xb8;
	[tilespmem:$0x18400] =	vst v63  }
0x34: {  	_ =	swait.ge [sflag:s20], $0x80  }
0x35: {  	[sflag:s20] =	ssyncset.done $0x0  }
0x36: {  	[sflag:s20] =	ssyncadd.s32 $0xFFFFFF80  }
0x37: {  	[tilespmem:s21], [sflag:$0xA] =	stream.indirect.gather [hbm4b:s4+s12], $0x80, s12, s12, $0xb8;
	[tilespmem:$0x18400] =	vst v63  }
0x38: {  	_ =	swait.ge [sflag:s22], $0x80  }
0x39: {  	[sflag:s22] =	ssyncset.done $0x0  }
0x3a: {  	[sflag:s22] =	ssyncadd.s32 $0xFFFFFF80  }
0x3b: {  	[tilespmem:s23], [sflag:$0xB] =	stream.indirect.gather [hbm4b:s4+s12], $0x80, s13, s12, $0xb8;
	[tilespmem:$0x18400] =	vst v63  }
0x3c: {  	_ =	swait.ge [sflag:s24], $0x80  }
0x3d: {  	[sflag:s24] =	ssyncset.done $0x0  }
0x3e: {  	[sflag:s24] =	ssyncadd.s32 $0xFFFFFF80  }
0x3f: {  	[tilespmem:s25], [sflag:$0xC] =	stream.indirect.gather [hbm4b:s4+s12], $0x80, s9, s12, $0xb8;
	[tilespmem:$0x18400] =	vst v63  }
0x40: {  	_ =	swait.ge [sflag:s26], $0x4000  }
0x41: {  	[sflag:s26] =	ssyncset.done $0x0  }
0x42: {  	[sflag:s26] =	ssyncadd.s32 $0xFFFFC000  }
0x43: {  	_ =	swait.ge [sflag:s28], $0x80  }
0x44: {  	[sflag:s28] =	ssyncset.done $0x0  }
0x45: {  	[sflag:s28] =	ssyncadd.s32 $0xFFFFFF80  }
0x46: {  	[spmem:s1] =	stream.indirect.scatter.add.f32 [tilespmem:s19], [sflag:$0xD], $0x80, s7, s12, $0xb8;
	[tilespmem:$0x18400] =	vst v63  }
0x47: {  	_ =	swait.ge [sflag:s10], $0x4000  }
0x48: {  	[sflag:s10] =	ssyncset.done $0x0  }
0x49: {  	[sflag:s10] =	ssyncadd.s32 $0xFFFFC000  }
0x4a: {  	_ =	swait.ge [sflag:s29], $0x4000  }
0x4b: {  	[sflag:s29] =	ssyncset.done $0x0  }
0x4c: {  	[sflag:s29] =	ssyncadd.s32 $0xFFFFC000  }
0x4d: {  	_ =	swait.ge [sflag:s30], $0x80  }
0x4e: {  	[sflag:s30] =	ssyncset.done $0x0  }
0x4f: {  	[sflag:s30] =	ssyncadd.s32 $0xFFFFFF80  }
0x50: {  	[spmem:s1] =	stream.indirect.scatter.add.f32 [tilespmem:s21], [sflag:$0xD], $0x80, s11, s12, $0xb8;
	[tilespmem:$0x18400] =	vst v63  }
0x51: {  	_ =	swait.ge [sflag:s10], $0x4000  }
0x52: {  	[sflag:s10] =	ssyncset.done $0x0  }
0x53: {  	[sflag:s10] =	ssyncadd.s32 $0xFFFFC000  }
0x54: {  	_ =	swait.ge [sflag:s31], $0x4000  }
0x55: {  	[sflag:s31] =	ssyncset.done $0x0  }
0x56: {  	[sflag:s31] =	ssyncadd.s32 $0xFFFFC000  }
0x57: {  	_ =	swait.ge [sflag:s0], $0x80  }
0x58: {  	[sflag:s0] =	ssyncset.done $0x0  }
0x59: {  	[sflag:s0] =	ssyncadd.s32 $0xFFFFFF80  }
0x5a: {  	[spmem:s1] =	stream.indirect.scatter.add.f32 [tilespmem:s23], [sflag:$0xD], $0x80, s14, s12, $0xb8;
	[tilespmem:$0x18400] =	vst v63  }
0x5b: {  	_ =	swait.ge [sflag:s10], $0x4000  }
0x5c: {  	[sflag:s10] =	ssyncset.done $0x0  }
0x5d: {  	[sflag:s10] =	ssyncadd.s32 $0xFFFFC000  }
0x5e: {  	_ =	swait.ge [sflag:s2], $0x4000  }
0x5f: {  	[sflag:s2] =	ssyncset.done $0x0  }
0x60: {  	[sflag:s2] =	ssyncadd.s32 $0xFFFFC000  }
0x61: {  	_ =	swait.ge [sflag:s5], $0x80  }
0x62: {  	[sflag:s5] =	ssyncset.done $0x0  }
0x63: {  	[sflag:s5] =	ssyncadd.s32 $0xFFFFFF80  }
0x64: {  	[spmem:s1] =	stream.indirect.scatter.add.f32 [tilespmem:s25], [sflag:$0xD], $0x80, s17, s12, $0xb8;
	[tilespmem:$0x18400] =	vst v63  }
0x65: {  	s6 =	simm.s32 $0x80;
	_ =	swait.ge [sflag:s10], $0x4000  }
0x66: {  	s8 =	simm.s32 $0x40;
	s9 =	rddreg [dreg:$0x5];
	[sflag:s10] =	ssyncset.done $0x0  }
.LBB2_2:
0x67: {  	[sflag:s10] =	ssyncadd.s32 $0xFFFFC000;
	s11 =	rddreg [dreg:$0x6];
	s9 =	sadd.s32 s8, s9  }
0x68: {  	[tilespmem:s3], [sflag:$0x1] =	stream.linear.gather [hbm4b:s9+s3], $0x80, $0x38;
	[tilespmem:$0x18400] =	vst v63  }
0x69: {  	s13 =	simm.s32 $0x200;
	s11 =	sadd.s32 s8, s11  }
0x6a: {  	[tilespmem:s13], [sflag:$0x5] =	stream.linear.gather [hbm4b:s11+s3], $0x80, $0x38;
	[tilespmem:$0x18400] =	vst v63  }
0x6b: {  	s7 =	smov.u32 s6;
	s14 =	sadd.s32 $0x10, s9  }
0x6c: {  	[tilespmem:s12], [sflag:$0x2] =	stream.linear.gather [hbm4b:s14+s3], $0x80, $0x38;
	[tilespmem:$0x18400] =	vst v63  }
0x6d: {  	s8 =	smov.u32 s7;
	s7 =	sadd.s32 $0x10, s11;
	s14 =	simm.s32 $0x280  }
0x6e: {  	[tilespmem:s14], [sflag:$0x6] =	stream.linear.gather [hbm4b:s7+s3], $0x80, $0x38;
	[tilespmem:$0x18400] =	vst v63  }
0x6f: {  	s7 =	sadd.s32 $0x20, s9  }
0x70: {  	[tilespmem:s15], [sflag:$0x3] =	stream.linear.gather [hbm4b:s7+s3], $0x80, $0x38;
	[tilespmem:$0x18400] =	vst v63  }
0x71: {  	s7 =	sadd.s32 $0x20, s11  }
0x72: {  	[tilespmem:s16], [sflag:$0x7] =	stream.linear.gather [hbm4b:s7+s3], $0x80, $0x38;
	[tilespmem:$0x18400] =	vst v63  }
0x73: {  	s7 =	sadd.s32 $0x30, s9;
	s9 =	simm.s32 $0x180  }
0x74: {  	[tilespmem:s9], [sflag:$0x4] =	stream.linear.gather [hbm4b:s7+s3], $0x80, $0x38;
	[tilespmem:$0x18400] =	vst v63  }
0x75: {  	s11 =	sadd.s32 $0x30, s11  }
0x76: {  	[tilespmem:s17], [sflag:$0x8] =	stream.linear.gather [hbm4b:s11+s3], $0x80, $0x38;
	[tilespmem:$0x18400] =	vst v63  }
0x77: {  	_ =	swait.ge [sflag:s18], $0x80  }
0x78: {  	[sflag:s18] =	ssyncset.done $0x0  }
0x79: {  	[sflag:s18] =	ssyncadd.s32 $0xFFFFFF80  }
0x7a: {  	[tilespmem:s19], [sflag:$0x9] =	stream.indirect.gather [hbm4b:s4+s12], $0x80, s3, s12, $0xb8;
	[tilespmem:$0x18400] =	vst v63  }
0x7b: {  	_ =	swait.ge [sflag:s20], $0x80  }
0x7c: {  	[sflag:s20] =	ssyncset.done $0x0  }
0x7d: {  	[sflag:s20] =	ssyncadd.s32 $0xFFFFFF80  }
0x7e: {  	[tilespmem:s21], [sflag:$0xA] =	stream.indirect.gather [hbm4b:s4+s12], $0x80, s12, s12, $0xb8;
	[tilespmem:$0x18400] =	vst v63  }
0x7f: {  	_ =	swait.ge [sflag:s22], $0x80  }
0x80: {  	[sflag:s22] =	ssyncset.done $0x0  }
0x81: {  	[sflag:s22] =	ssyncadd.s32 $0xFFFFFF80  }
0x82: {  	[tilespmem:s23], [sflag:$0xB] =	stream.indirect.gather [hbm4b:s4+s12], $0x80, s15, s12, $0xb8;
	[tilespmem:$0x18400] =	vst v63  }
0x83: {  	_ =	swait.ge [sflag:s24], $0x80  }
0x84: {  	[sflag:s24] =	ssyncset.done $0x0  }
0x85: {  	[sflag:s24] =	ssyncadd.s32 $0xFFFFFF80  }
0x86: {  	[tilespmem:s25], [sflag:$0xC] =	stream.indirect.gather [hbm4b:s4+s12], $0x80, s9, s12, $0xb8;
	[tilespmem:$0x18400] =	vst v63  }
0x87: {  	_ =	swait.ge [sflag:s26], $0x4000  }
0x88: {  	[sflag:s26] =	ssyncset.done $0x0  }
0x89: {  	[sflag:s26] =	ssyncadd.s32 $0xFFFFC000  }
0x8a: {  	_ =	swait.ge [sflag:s28], $0x80  }
0x8b: {  	[sflag:s28] =	ssyncset.done $0x0  }
0x8c: {  	[sflag:s28] =	ssyncadd.s32 $0xFFFFFF80  }
0x8d: {  	[spmem:s1] =	stream.indirect.scatter.add.f32 [tilespmem:s19], [sflag:$0xD], $0x80, s13, s12, $0xb8;
	[tilespmem:$0x18400] =	vst v63  }
0x8e: {  	_ =	swait.ge [sflag:s10], $0x4000  }
0x8f: {  	[sflag:s10] =	ssyncset.done $0x0  }
0x90: {  	[sflag:s10] =	ssyncadd.s32 $0xFFFFC000  }
0x91: {  	_ =	swait.ge [sflag:s29], $0x4000  }
0x92: {  	[sflag:s29] =	ssyncset.done $0x0  }
0x93: {  	[sflag:s29] =	ssyncadd.s32 $0xFFFFC000  }
0x94: {  	_ =	swait.ge [sflag:s30], $0x80  }
0x95: {  	[sflag:s30] =	ssyncset.done $0x0  }
0x96: {  	[sflag:s30] =	ssyncadd.s32 $0xFFFFFF80  }
0x97: {  	[spmem:s1] =	stream.indirect.scatter.add.f32 [tilespmem:s21], [sflag:$0xD], $0x80, s14, s12, $0xb8;
	[tilespmem:$0x18400] =	vst v63  }
0x98: {  	_ =	swait.ge [sflag:s10], $0x4000  }
0x99: {  	[sflag:s10] =	ssyncset.done $0x0  }
0x9a: {  	[sflag:s10] =	ssyncadd.s32 $0xFFFFC000  }
0x9b: {  	_ =	swait.ge [sflag:s31], $0x4000  }
0x9c: {  	[sflag:s31] =	ssyncset.done $0x0  }
0x9d: {  	[sflag:s31] =	ssyncadd.s32 $0xFFFFC000  }
0x9e: {  	_ =	swait.ge [sflag:s0], $0x80  }
0x9f: {  	[sflag:s0] =	ssyncset.done $0x0  }
0xa0: {  	[sflag:s0] =	ssyncadd.s32 $0xFFFFFF80  }
0xa1: {  	[spmem:s1] =	stream.indirect.scatter.add.f32 [tilespmem:s23], [sflag:$0xD], $0x80, s16, s12, $0xb8;
	[tilespmem:$0x18400] =	vst v63  }
0xa2: {  	_ =	swait.ge [sflag:s10], $0x4000  }
0xa3: {  	[sflag:s10] =	ssyncset.done $0x0  }
0xa4: {  	[sflag:s10] =	ssyncadd.s32 $0xFFFFC000  }
0xa5: {  	_ =	swait.ge [sflag:s2], $0x4000  }
0xa6: {  	[sflag:s2] =	ssyncset.done $0x0  }
0xa7: {  	[sflag:s2] =	ssyncadd.s32 $0xFFFFC000  }
0xa8: {  	p0 =	sne.s32 s6, $0x1C0;
	_ =	swait.ge [sflag:s5], $0x80  }
.Ltmp0:
0xa9: {  	[sflag:s5] =	ssyncset.done $0x0;
	(pc) =	sbr.rel @p0 .LBB2_2-.Ltmp0, $4  }
0xaa: {  	[sflag:s5] =	ssyncadd.s32 $0xFFFFFF80  }
0xab: {  	[spmem:s1] =	stream.indirect.scatter.add.f32 [tilespmem:s25], [sflag:$0xD], $0x80, s17, s12, $0xb8;
	[tilespmem:$0x18400] =	vst v63  }
0xac: {  	_ =	swait.ge [sflag:s10], $0x4000  }
0xad: {  	s6 =	sadd.s32 $0x40, s6;
	s9 =	rddreg [dreg:$0x5];
	[sflag:s10] =	ssyncset.done $0x0  }
0xae: {  	s6 =	rddreg [dreg:$0x6];
	[sflag:s10] =	ssyncadd.s32 $0xFFFFC000;
	s7 =	sadd.s32 s8, s9  }
0xaf: {  	[tilespmem:s3], [sflag:$0x1] =	stream.linear.gather [hbm4b:s7+s3], $0x80, $0x38;
	[tilespmem:$0x18400] =	vst v63  }
0xb0: {  	s9 =	simm.s32 $0x200;
	s6 =	sadd.s32 s8, s6  }
0xb1: {  	[tilespmem:s9], [sflag:$0x5] =	stream.linear.gather [hbm4b:s6+s3], $0x80, $0x38;
	[tilespmem:$0x18400] =	vst v63  }
0xb2: {  	s11 =	sadd.s32 $0x10, s7  }
0xb3: {  	[tilespmem:s12], [sflag:$0x2] =	stream.linear.gather [hbm4b:s11+s3], $0x80, $0x38;
	[tilespmem:$0x18400] =	vst v63  }
0xb4: {  	s13 =	sadd.s32 $0x10, s6;
	s11 =	simm.s32 $0x280  }
0xb5: {  	[tilespmem:s11], [sflag:$0x6] =	stream.linear.gather [hbm4b:s13+s3], $0x80, $0x38;
	[tilespmem:$0x18400] =	vst v63  }
0xb6: {  	s14 =	sadd.s32 $0x20, s7;
	s13 =	simm.s32 $0x100  }
0xb7: {  	[tilespmem:s13], [sflag:$0x3] =	stream.linear.gather [hbm4b:s14+s3], $0x80, $0x38;
	[tilespmem:$0x18400] =	vst v63  }
0xb8: {  	s8 =	sadd.s32 $0x20, s6;
	s14 =	simm.s32 $0x300  }
0xb9: {  	[tilespmem:s14], [sflag:$0x7] =	stream.linear.gather [hbm4b:s8+s3], $0x80, $0x38;
	[tilespmem:$0x18400] =	vst v63  }
0xba: {  	s7 =	sadd.s32 $0x30, s7;
	s8 =	simm.s32 $0x180  }
0xbb: {  	[tilespmem:s8], [sflag:$0x4] =	stream.linear.gather [hbm4b:s7+s3], $0x80, $0x38;
	[tilespmem:$0x18400] =	vst v63  }
0xbc: {  	s6 =	sadd.s32 $0x30, s6  }
0xbd: {  	[tilespmem:s17], [sflag:$0x8] =	stream.linear.gather [hbm4b:s6+s3], $0x80, $0x38;
	[tilespmem:$0x18400] =	vst v63  }
0xbe: {  	_ =	swait.ge [sflag:s18], $0x80  }
0xbf: {  	[sflag:s18] =	ssyncset.done $0x0  }
0xc0: {  	[sflag:s18] =	ssyncadd.s32 $0xFFFFFF80  }
0xc1: {  	[tilespmem:s19], [sflag:$0x9] =	stream.indirect.gather [hbm4b:s4+s12], $0x80, s3, s12, $0xb8;
	[tilespmem:$0x18400] =	vst v63  }
0xc2: {  	_ =	swait.ge [sflag:s20], $0x80  }
0xc3: {  	[sflag:s20] =	ssyncset.done $0x0  }
0xc4: {  	[sflag:s20] =	ssyncadd.s32 $0xFFFFFF80  }
0xc5: {  	[tilespmem:s21], [sflag:$0xA] =	stream.indirect.gather [hbm4b:s4+s12], $0x80, s12, s12, $0xb8;
	[tilespmem:$0x18400] =	vst v63  }
0xc6: {  	_ =	swait.ge [sflag:s22], $0x80  }
0xc7: {  	[sflag:s22] =	ssyncset.done $0x0  }
0xc8: {  	[sflag:s22] =	ssyncadd.s32 $0xFFFFFF80  }
0xc9: {  	[tilespmem:s23], [sflag:$0xB] =	stream.indirect.gather [hbm4b:s4+s12], $0x80, s13, s12, $0xb8;
	[tilespmem:$0x18400] =	vst v63  }
0xca: {  	_ =	swait.ge [sflag:s24], $0x80  }
0xcb: {  	[sflag:s24] =	ssyncset.done $0x0  }
0xcc: {  	[sflag:s24] =	ssyncadd.s32 $0xFFFFFF80  }
0xcd: {  	[tilespmem:s25], [sflag:$0xC] =	stream.indirect.gather [hbm4b:s4+s12], $0x80, s8, s12, $0xb8;
	[tilespmem:$0x18400] =	vst v63  }
0xce: {  	_ =	swait.ge [sflag:s26], $0x4000  }
0xcf: {  	[sflag:s26] =	ssyncset.done $0x0  }
0xd0: {  	[sflag:s26] =	ssyncadd.s32 $0xFFFFC000  }
0xd1: {  	_ =	swait.ge [sflag:s28], $0x80  }
0xd2: {  	[sflag:s28] =	ssyncset.done $0x0  }
0xd3: {  	[sflag:s28] =	ssyncadd.s32 $0xFFFFFF80  }
0xd4: {  	[spmem:s1] =	stream.indirect.scatter.add.f32 [tilespmem:s19], [sflag:$0xD], $0x80, s9, s12, $0xb8;
	[tilespmem:$0x18400] =	vst v63  }
0xd5: {  	_ =	swait.ge [sflag:s10], $0x4000  }
0xd6: {  	[sflag:s10] =	ssyncset.done $0x0  }
0xd7: {  	[sflag:s10] =	ssyncadd.s32 $0xFFFFC000  }
0xd8: {  	_ =	swait.ge [sflag:s29], $0x4000  }
0xd9: {  	[sflag:s29] =	ssyncset.done $0x0  }
0xda: {  	[sflag:s29] =	ssyncadd.s32 $0xFFFFC000  }
0xdb: {  	_ =	swait.ge [sflag:s30], $0x80  }
0xdc: {  	[sflag:s30] =	ssyncset.done $0x0  }
0xdd: {  	[sflag:s30] =	ssyncadd.s32 $0xFFFFFF80  }
0xde: {  	[spmem:s1] =	stream.indirect.scatter.add.f32 [tilespmem:s21], [sflag:$0xD], $0x80, s11, s12, $0xb8;
	[tilespmem:$0x18400] =	vst v63  }
0xdf: {  	_ =	swait.ge [sflag:s10], $0x4000  }
0xe0: {  	[sflag:s10] =	ssyncset.done $0x0  }
0xe1: {  	[sflag:s10] =	ssyncadd.s32 $0xFFFFC000  }
0xe2: {  	_ =	swait.ge [sflag:s31], $0x4000  }
0xe3: {  	[sflag:s31] =	ssyncset.done $0x0  }
0xe4: {  	[sflag:s31] =	ssyncadd.s32 $0xFFFFC000  }
0xe5: {  	_ =	swait.ge [sflag:s0], $0x80  }
0xe6: {  	[sflag:s0] =	ssyncset.done $0x0  }
0xe7: {  	[sflag:s0] =	ssyncadd.s32 $0xFFFFFF80  }
0xe8: {  	[spmem:s1] =	stream.indirect.scatter.add.f32 [tilespmem:s23], [sflag:$0xD], $0x80, s14, s12, $0xb8;
	[tilespmem:$0x18400] =	vst v63  }
0xe9: {  	_ =	swait.ge [sflag:s10], $0x4000  }
0xea: {  	[sflag:s10] =	ssyncset.done $0x0  }
0xeb: {  	[sflag:s10] =	ssyncadd.s32 $0xFFFFC000  }
0xec: {  	_ =	swait.ge [sflag:s2], $0x4000  }
0xed: {  	[sflag:s2] =	ssyncset.done $0x0  }
0xee: {  	[sflag:s2] =	ssyncadd.s32 $0xFFFFC000  }
0xef: {  	_ =	swait.ge [sflag:s5], $0x80  }
0xf0: {  	[sflag:s5] =	ssyncset.done $0x0  }
0xf1: {  	[sflag:s5] =	ssyncadd.s32 $0xFFFFFF80  }
0xf2: {  	[spmem:s1] =	stream.indirect.scatter.add.f32 [tilespmem:s25], [sflag:$0xD], $0x80, s17, s12, $0xb8;
	[tilespmem:$0x18400] =	vst v63  }
0xf3: {  	_ =	swait.ge [sflag:s10], $0x4000  }
0xf4: {  	[sflag:s10] =	ssyncset.done $0x0  }
0xf5: {  	[sflag:s10] =	ssyncadd.s32 $0xFFFFC000  }
0xf6: {  	[bflag:$0x0] =	sbarrier.arrive $0xFFFF  }
0xf7: {  	s7 =	rddreg [dreg:$0x8]  }
0xf8: {  	s11 =	rddreg [dreg:$0x9]  }
0xf9: {  	s8 =	rddreg [dreg:$0xb]  }
0xfa: {  	[hbm:s11], [sflag:s7] =	dma.local [spmem:s8], $0x1000  }
0xfb: {  	_ =	swait.ge [sflag:s10], $0x1000  }
0xfc: {  	s13 =	rddreg [dreg:$0xc]  }
0xfd: {  	s14 =	rddreg [dreg:$0xa];
	s9 =	sadd.s32 $0x1, s13  }
0xfe: {  	p0 =	sne.s32 s9, s14  }
.Ltmp1:
0xff: {  	_ = 	snop;
	(pc) =	sbr.rel @p0 .LBB2_1-.Ltmp1, $3  }
0x100: {  	_ =	sdelay $0x1  }
0x101: {  	[sflag:s10] =	ssyncset.done $0x0  }
0x102: {  	[sflag:s10] =	ssyncadd.s32 $0xFFFFF000  }
0x103: {  	_ =	sfence.sel $0x180000  }
0x104: {  	[bflag:$0x0] =	sbarrier.arrive $0xFFFF  }
0x105: {  	_ =	strace $0x9000004A  }
0x106: {  	s0 =	stileid.u32;
	[bflag:$0x2] =	sbarrier.arrive $0xFFFF  }
0x107: {  	p0 =	sne.s32 s0, $0x0;
	s0 =	rddreg [dreg:$0x4]  }
0x108: {  	s0 =	sadd.s32 @!p0 $0x100000, s0  }
0x109: {  	[sflag:s0] =	ssyncadd.tile.s32 @!p0 $0x1;
	_ =	shalt  }
.Lfunc_end2:
_tile_overlayer_lowered:
.L_overlay_start_2:
0x10a: {  	(tag) =	ssettag $0x2  }
0x10b: {  	s0 =	rddreg [dreg:$0x0];
	s2 =	stileid.u32  }
0x10c: {  	s1 =	rddreg [dreg:$0x1];
	p0 =	sne.s32 s2, $0x0  }
0x10d: {  	s3 =	rddreg [dreg:$0x2];
	[bflag:$0x3] =	sbarrier.arrive $0xFFFF;
	s2 =	simm.s32 @!p0 $0x1C0D  }
0x10e: {  	[timem:s3], [sflag:s2] =	dma.local @!p0 [hbm:s0], s1  }
0x10f: {  	s0 =	simm.s32 @!p0 $0xD  }
0x110: {  	_ =	swait.ge @!p0 [sflag:s0], s1  }
0x111: {  	s1 =	ssub.s32 @!p0 $0x0, s1;
	[sflag:s0] =	ssyncset.done @!p0 $0x0  }
0x112: {  	[sflag:s0] =	ssyncadd.s32 @!p0 s1  }
0x113: {  	[bflag:$0x3] =	sbarrier.arrive $0xFFFF  }
0x114: {  	_ =	shalt  }

// kernel: kernel.16.cloned.1.call-start
scs
__scs_entry_jumppad:
0x0: {  	(pc) =	sbr.rel $0x88, $3  }
0x1: {  	(tag) =	ssettag $0x0;
	lr =	simm.s32 $0x1  }
0x2: {  	[smem:$0x3F7F] =	sst lr;
	_ =	strace $0xD0000000  }
0x3: {  	_ = 	snop  }
0x4: {  	_ = 	snop  }
0x5: {  	_ = 	snop  }
0x6: {  	_ = 	snop  }
0x7: {  	_ = 	snop  }
__scs_overlays_trampoline_lowered:
0x8: {  	[smem:$0x3F8E] =	sst s0  }
0x9: {  	[smem:$0x3F8F] =	sst s1  }
0xa: {  	[smem:$0x3F90] =	sst s2  }
0xb: {  	[smem:$0x3F91] =	sst s3  }
0xc: {  	[smem:$0x3F92] =	sst s4  }
0xd: {  	[smem:$0x3F93] =	sst s5  }
0xe: {  	[smem:$0x3F94] =	sst s6  }
0xf: {  	[smem:$0x3F95] =	sst s7  }
0x10: {  	[smem:$0x3F96] =	sst s8  }
0x11: {  	[smem:$0x3F97] =	sst s9;
	s0 =	simm.s32 @!p0 $0x0  }
0x12: {  	s1 =	sld [smem:$0x3F7D];
	s0 =	simm.s32 @p0 $0x1  }
0x13: {  	[smem:$0x3F98] =	sst s0;
	s0 =	simm.s32 @!p1 $0x0  }
0x14: {  	s2 =	sld [smem:$0x3F7C];
	s0 =	simm.s32 @p1 $0x1  }
0x15: {  	[smem:$0x3F99] =	sst s0;
	s0 =	simm.s32 @!p2 $0x0  }
0x16: {  	s3 =	sld [smem:$0x3FDB];
	s0 =	simm.s32 @p2 $0x1  }
0x17: {  	s4 =	simm.s32 $0x1BF5;
	[smem:$0x3F9B] =	sst s0  }
0x18: {  	s0 =	sld [smem:$0x3F7E];
	_ =	swait.ge [sflag:s4], $0x0  }
0x19: {  	s7 =	sld [smem:$0x3F7F]  }
0x1a: {  	s8 =	sadd.s32 $0xFFFFE003, lr  }
0x1b: {  	s9 =	sadd.s32 $0xFFFFFEF7, lr;
	s5 =	simm.s32 $0xFFFFFFFF;
	p2 =	slt.u32 s8, $0xFFFFF086  }
0x1c: {  	p1 =	slt.u32 s9, $0xF7A;
	s5 =	simm.s32 @!p2 $0x0  }
0x1d: {  	s5 =	simm.s32 @p1 $0x1;
	p0 =	seq.s32 s7, s2  }
0x1e: {  	s7 =	smul.u32 @!p0 $0xF7A, s2;
	p2 =	seq.s32 @!p0 s5, $0x0  }
0x1f: {  	s9 =	smul.u32 $0xF7A, s1;
	s8 =	simm.s32 @!p0 $0x1BF5;
	p2 =	por !p2, p0  }
0x20: {  	[sflag:s8] =	ssyncset.s32 @!p0 $0xFFFFF086;
	s6 =	sadd.s32 @!p0 s3, s7;
	s7 =	simm.s32 @!p0 $0x108  }
0x21: {  	s3 =	sadd.s32 s3, s9;
	s6 =	sadd.s32 @!p0 $0x88, s6;
	s7 =	simm.s32 @p2 $0x1082  }
0x22: {  	[simem:s7], [sflag:s8] =	dma.local @!p0 [hbm:s6], $0xF7A  }
0x23: {  	s9 =	sor.u32 $0xD0000000, s2;
	s6 =	simm.s32 $0x108;
	_ =	swait.ge @!p0 [sflag:s8], $0x0  }
0x24: {  	s3 =	sadd.s32 $0x88, s3;
	s6 =	simm.s32 @!p1 $0x1082;
	[sflag:s4] =	ssyncset.s32 $0xFFFFF086  }
0x25: {  	[simem:s6], [sflag:s4] =	dma.local [hbm:s3], $0xF7A  }
0x26: {  	[smem:$0x3F7F] =	sst s1;
	(tag) =	ssettag s2;
	_ =	strace s9  }
0x27: {  	s1 =	sld [smem:$0x3F8F]  }
0x28: {  	s2 =	sld [smem:$0x3F90]  }
0x29: {  	s4 =	sld [smem:$0x3F92]  }
0x2a: {  	p0 =	seq.s32 s5, $0x0;
	s5 =	sld [smem:$0x3F93]  }
0x2b: {  	s6 =	sld [smem:$0x3F94]  }
0x2c: {  	s7 =	sld [smem:$0x3F95]  }
0x2d: {  	s3 =	simm.s32 $0x108;
	s8 =	sld [smem:$0x3F96]  }
0x2e: {  	s3 =	simm.s32 @!p0 $0x1082;
	s9 =	sld [smem:$0x3F97]  }
0x2f: {  	lr =	sadd.s32 s0, s3;
	s0 =	sld [smem:$0x3F8E]  }
0x30: {  	s3 =	sld [smem:$0x3F91]  }
0x31: {  	[smem:$0x3F9A] =	sst s10  }
0x32: {  	s10 =	sld [smem:$0x3F98];
	_ =	sdelay $0x3  }
0x33: {  	p0 =	seq.s32 s10, $0x1;
	s10 =	sld [smem:$0x3F9A];
	_ =	sdelay $0x3  }
0x34: {  	[smem:$0x3F9A] =	sst s10  }
0x35: {  	s10 =	sld [smem:$0x3F99];
	_ =	sdelay $0x3  }
0x36: {  	p1 =	seq.s32 s10, $0x1;
	s10 =	sld [smem:$0x3F9A];
	_ =	sdelay $0x3  }
0x37: {  	[smem:$0x3F9A] =	sst s10  }
0x38: {  	s10 =	sld [smem:$0x3F9B]  }
0x39: {  	_ = 	snop;
	(pc) =	sbr.ind lr, $3  }
0x3a: {  	_ = 	snop  }
0x3b: {  	_ = 	snop  }
0x3c: {  	p2 =	seq.s32 s10, $0x1;
	s10 =	sld [smem:$0x3F9A]  }
0x3d: {  	_ =	shalt  }
0x3e: {  	_ =	shalt  }
0x3f: {  	_ =	shalt  }
0x40: {  	_ =	shalt  }
0x41: {  	_ =	shalt  }
0x42: {  	_ =	shalt  }
0x43: {  	_ =	shalt  }
0x44: {  	_ =	shalt  }
0x45: {  	_ =	shalt  }
0x46: {  	_ =	shalt  }
0x47: {  	_ =	shalt  }
0x48: {  	_ =	shalt  }
0x49: {  	_ =	shalt  }
0x4a: {  	_ =	shalt  }
0x4b: {  	_ =	shalt  }
0x4c: {  	_ =	shalt  }
0x4d: {  	_ =	shalt  }
0x4e: {  	_ =	shalt  }
0x4f: {  	_ =	shalt  }
0x50: {  	_ =	shalt  }
0x51: {  	_ =	shalt  }
0x52: {  	_ =	shalt  }
0x53: {  	_ =	shalt  }
0x54: {  	_ =	shalt  }
0x55: {  	_ =	shalt  }
0x56: {  	_ =	shalt  }
0x57: {  	_ =	shalt  }
0x58: {  	_ =	shalt  }
0x59: {  	_ =	shalt  }
0x5a: {  	_ =	shalt  }
0x5b: {  	_ =	shalt  }
0x5c: {  	_ =	shalt  }
0x5d: {  	_ =	shalt  }
0x5e: {  	_ =	shalt  }
0x5f: {  	_ =	shalt  }
0x60: {  	_ =	shalt  }
0x61: {  	_ =	shalt  }
0x62: {  	_ =	shalt  }
0x63: {  	_ =	shalt  }
0x64: {  	_ =	shalt  }
0x65: {  	_ =	shalt  }
0x66: {  	_ =	shalt  }
0x67: {  	_ =	shalt  }
0x68: {  	_ =	shalt  }
0x69: {  	_ =	shalt  }
0x6a: {  	_ =	shalt  }
0x6b: {  	_ =	shalt  }
0x6c: {  	_ =	shalt  }
0x6d: {  	_ =	shalt  }
0x6e: {  	_ =	shalt  }
0x6f: {  	_ =	shalt  }
0x70: {  	_ =	shalt  }
0x71: {  	_ =	shalt  }
0x72: {  	_ =	shalt  }
0x73: {  	_ =	shalt  }
0x74: {  	_ =	shalt  }
0x75: {  	_ =	shalt  }
0x76: {  	_ =	shalt  }
0x77: {  	_ =	shalt  }
0x78: {  	_ =	shalt  }
0x79: {  	_ =	shalt  }
0x7a: {  	_ =	shalt  }
0x7b: {  	_ =	shalt  }
0x7c: {  	_ =	shalt  }
0x7d: {  	_ =	shalt  }
0x7e: {  	_ =	shalt  }
0x7f: {  	_ =	shalt  }
0x80: {  	_ =	shalt  }
0x81: {  	_ =	shalt  }
0x82: {  	_ =	shalt  }
0x83: {  	_ =	shalt  }
0x84: {  	_ =	shalt  }
0x85: {  	_ =	shalt  }
0x86: {  	_ =	shalt  }
0x87: {  	_ =	shalt  }
.Lfunc_end0:
.L_simem_size_0:
called_computation.2_lowered:
.L_overlay_start_0:
0x88: {  	s2 =	sld [smem:$0x3FD9]  }
0x89: {  	s3 =	sld [smem:$0x3FFE];
	_ =	sdelay $0x1  }
0x8a: {  	s1 =	srdreg.scid  }
0x8b: {  	s0 =	sand.u32 $0x1, s1  }
0x8c: {  	s14 =	sshll.u32 s0, $0xA;
	s2 =	sadd.s32 s3, s2  }
0x8d: {  	s2 =	sadd.s32 s2, s14  }
0x8e: {  	[smem:$0x3FA6] =	sst s2  }
0x8f: {  	_ = 	snop  }
0x90: {  	s2 =	sld [smem:$0x3FD0];
	_ =	sdelay $0x2  }
0x91: {  	s15 =	simm.s32 $0xA;
	s4 =	simm.s32 $0x10  }
0x92: {  	[smem:s4], [sflag:s15] =	dma.local [hbm:s2], $0x1  }
0x93: {  	_ =	swait.eq [sflag:s15], $0x1  }
0x94: {  	[sflag:s15] =	ssyncset.done $0x0  }
0x95: {  	s16 =	sld [smem:$0x10];
	[sflag:s15] =	ssyncadd.s32 $0xFFFFFFFF  }
0x96: {  	s17 =	sld [smem:$0x11];
	(tm) =	ssettm $0x1  }
0x97: {  	s18 =	sld [smem:$0x3FFB];
	_ =	sdelay $0x3  }
0x98: {  	_ =	strace s18  }
0x99: {  	s4 =	sld [smem:$0x3FFC];
	_ =	sdelay $0x3  }
0x9a: {  	_ =	strace s4  }
0x9b: {  	s4 =	sld [smem:$0x3FFD];
	_ =	sdelay $0x3  }
0x9c: {  	_ =	strace s4  }
0x9d: {  	_ =	strace $0x8FFFFFFF  }
0x9e: {  	s19 =	sld [smem:$0x3FDB];
	_ =	sdelay $0x1  }
0x9f: {  	s5 =	simm.s32 $_scs_section_size  }
0xa0: {  	s6 =	simm.s32 $_size__tile_overlayer_lowered;
	s7 =	simm.s32 $_tile_overlayer_lowered  }
0xa1: {  	s22 =	simm.s32 $0x1BFF;
	s21 =	sshll.u32 s7, $0x1;
	s4 =	sadd.s32 s5, s19  }
0xa2: {  	s8 =	simm.s32 $0x0;
	s20 =	sshll.u32 s6, $0x1;
	s6 =	sadd.s32 s21, s4  }
0xa3: {  	[timem:s8], [sflag:s22] =	dma.local [hbm:s6], s20  }
0xa4: {  	_ =	swait.ge [sflag:s22], s20  }
0xa5: {  	s5 =	ssub.s32 $0x0, s20;
	[sflag:s22] =	ssyncset.done $0x0  }
0xa6: {  	[sflag:s22] =	ssyncadd.s32 s5;
	_ =	sdelay $0x1  }
0xa7: {  	s23 =	simm.s32 $0x1B8B  }
0xa8: {  	_ =	swait.ge [sflag:s23], $0x1  }
0xa9: {  	[sflag:s23] =	ssyncset.done $0x0  }
0xaa: {  	s25 =	simm.s32 $0x1B8E;
	s24 =	sld [smem:$0x3FFE];
	[sflag:s23] =	ssyncadd.s32 $0xFFFFFFFF  }
0xab: {  	s26 =	simm.s32 $execute0_lowered;
	[smem:$0x3FD2] =	sst s25  }
0xac: {  	s6 =	sshll.u32 s26, $0x1;
	_ =	strace $0x8000004C;
	[dreg:$0x1] =	wrdreg $0xFFFFFFFF  }
0xad: {  	s28 =	simm.s32 $_size_execute0_lowered;
	s4 =	sadd.s32 s4, s6;
	[dreg:$0x0] =	wrdreg $0x0  }
0xae: {  	s6 =	sshll.u32 s28, $0x1;
	[dreg:$0x2] =	wrdreg s4  }
0xaf: {  	[dreg:$0x3] =	wrdreg s6  }
0xb0: {  	[dreg:$0x4] =	wrdreg $0xC0  }
0xb1: {  	_ =	task [dreg:s8], $0x5FFFF  }
0xb2: {  	[dreg:$0x1] =	wrdreg $0xFFFFFFFF  }
0xb3: {  	[dreg:$0x0] =	wrdreg $0x60  }
0xb4: {  	[dreg:$0x2] =	wrdreg s24  }
0xb5: {  	[dreg:$0x3] =	wrdreg s16  }
0xb6: {  	[dreg:$0x4] =	wrdreg s17  }
0xb7: {  	[dreg:$0x5] =	wrdreg $0x104000  }
0xb8: {  	[dreg:$0x6] =	wrdreg $0x9  }
0xb9: {  	_ =	task.clear_ibuf [dreg:s8], $0x7FFFF;
	_ =	strace $0x9000004C  }
0xba: {  	s29 =	simm.s32 $0x9;
	_ =	strace $0x8000004E  }
0xbb: {  	_ =	swait.ge [sflag:s29], $0x1  }
0xbc: {  	[sflag:s29] =	ssyncadd.s32 $0xFFFFFFFF  }
0xbd: {  	_ =	strace $0x9000004E  }
0xbe: {  	_ =	sfence  }
0xbf: {  	s30 =	sld [smem:$0x0];
	_ =	sdelay $0x2  }
0xc0: {  	s31 =	sshll.u32 s1, $0xD;
	s1 =	sshrl.u32 s1, $0x2  }
0xc1: {  	s3 =	sand.u32 $0x4000, s31;
	s1 =	sadd.s32 s1, s30  }
0xc2: {  	s0 =	sor.u32 s3, s0;
	s1 =	sshll.u32 s1, $0x11  }
0xc3: {  	s0 =	sor.u32 s1, s0  }
0xc4: {  	s0 =	sadd.s32 $0x8F2B, s0  }
0xc5: {  	[sflag:s0] =	ssyncadd.remote.s32 $0x1  }
0xc6: {  	_ =	sfence.sel $0xFFFF  }
0xc7: {  	[dreg:$0x0] =	wrdreg $0xFFFFFFFF;
	(pc) =	sbr.abs _section_cstart, $3  }
0xc8: {  	[dreg:$0x1] =	wrdreg $0xFFFFFFFF  }
0xc9: {  	_ =	task.clear_ibuf [dreg:s8], $0x2FFFF;
	_ =	strace $0x9FFFFFFF  }
0xca: {  	(tm) =	ssettm $0x7FFFFFFF  }
0xcb: {  	_ =	shalt  }
tec
execute0_lowered:
.L_overlay_start_1:
0x0: {  	(tag) =	ssettag $0x1  }
0x1: {  	s0 =	rddreg [dreg:$0x0]  }
0x2: {  	s2 =	rddreg [dreg:$0x1]  }
0x3: {  	s5 =	rddreg [dreg:$0x2]  }
0x4: {  	s1 =	rddreg [dreg:$0x3];
	s3 =	simm.s32 $0x0;
	s13 =	stileid.u32  }
0x5: {  	s6 =	srdreg.scid;
	s17 =	simm.s32 $0x380;
	s18 =	simm.s32 $0x1  }
0x6: {  	s19 =	simm.s32 $0x400;
	s20 =	simm.s32 $0x2;
	s21 =	simm.s32 $0x4400  }
0x7: {  	s28 =	simm.s32 $0x5;
	s29 =	simm.s32 $0xA;
	s30 =	simm.s32 $0x6  }
0x8: {  	s31 =	simm.s32 $0xB;
	s15 =	simm.s32 $0x100;
	s16 =	simm.s32 $0x300  }
0x9: {  	[smem:$0x7FF] =	sst s3;
	s4 =	sadd.s32 $0x1A600, s0;
	s7 =	sshll.u32 s13, $0xA  }
0xa: {  	s6 =	sand.u32 $0x1, s6;
	s9 =	sshll.u32 s13, $0xC;
	s12 =	sshll.u32 s13, $0xF  }
0xb: {  	s23 =	sshll.u32 s13, $0x6;
	_ =	strace $0x8000004D;
	s8 =	sadd.s32 s7, s0  }
0xc: {  	s10 =	ssub.s32 $0x2, s6;
	s0 =	sadd.s32 s9, s0;
	s22 =	sadd.s32 s12, s1  }
0xd: {  	s12 =	sor.u32 $0x1C0D, s23;
	s24 =	sshll.u32 s6, $0x9;
	s6 =	sshll.u32 s6, $0x10  }
0xe: {  	s5 =	sadd.s32 s5, s9;
	s2 =	sadd.s32 s7, s2;
	s23 =	simm.s32 $0x8400  }
0xf: {  	s9 =	simm.s32 $0x0;
	s11 =	sshrl.u32 s10, $0x1;
	s0 =	sadd.s32 $0xA600, s0  }
0x10: {  	s8 =	sadd.s32 s24, s8;
	s5 =	sadd.s32 s6, s5;
	s7 =	smov.u32 s12  }
0x11: {  	s12 =	simm.s32 $0x80;
	s10 =	ssub.s32 s10, s11;
	[dreg:$0x7] =	wrdreg s0  }
0x12: {  	[dreg:$0x9] =	wrdreg s5;
	s25 =	sadd.s32 $0x5600, s8;
	s0 =	sadd.s32 s24, s2  }
0x13: {  	s8 =	sshrl.u32 s22, $0x3;
	s22 =	simm.s32 $0x3;
	[dreg:$0x8] =	wrdreg s7  }
0x14: {  	s24 =	simm.s32 $0x4;
	s2 =	simm.s32 $0xC;
	[dreg:$0x5] =	wrdreg s25  }
0x15: {  	s5 =	simm.s32 $0x8;
	s26 =	smax.u32 s10, $0x1;
	[dreg:$0x6] =	wrdreg s0  }
0x16: {  	s10 =	simm.s32 $0xD;
	s25 =	simm.s32 $0xC400;
	[dreg:$0xb] =	wrdreg s8  }
0x17: {  	s0 =	simm.s32 $0x7;
	[dreg:$0xa] =	wrdreg s26;
	s26 =	simm.s32 $0x9  }
.LBB2_1:
0x18: {  	[dreg:$0xc] =	wrdreg s9  }
0x19: {  	s6 =	rddreg [dreg:$0x7]  }
0x1a: {  	[spmem:s8], [sflag:s7] =	dma.local [hbm:s6], $0x1000  }
0x1b: {  	_ =	swait.ge [sflag:s10], $0x1000  }
0x1c: {  	[sflag:s10] =	ssyncset.done $0x0  }
0x1d: {  	[sflag:s10] =	ssyncadd.s32 $0xFFFFF000  }
0x1e: {  	[bflag:$0x0] =	sbarrier.arrive $0xFFFF  }
0x1f: {  	s8 =	rddreg [dreg:$0x5]  }
0x20: {  	s9 =	rddreg [dreg:$0x6];
	s6 =	sadd.s32 $0x0, s8  }
0x21: {  	[tilespmem:s3], [sflag:$0x1] =	stream.linear.gather [hbm4b:s6+s3], $0x80, $0x38;
	[tilespmem:$0x18400] =	vst v63  }
0x22: {  	s7 =	simm.s32 $0x200;
	s8 =	sadd.s32 $0x0, s9  }
0x23: {  	[tilespmem:s7], [sflag:$0x5] =	stream.linear.gather [hbm4b:s8+s3], $0x80, $0x38;
	[tilespmem:$0x18400] =	vst v63  }
0x24: {  	s11 =	sadd.s32 $0x10, s6  }
0x25: {  	[tilespmem:s12], [sflag:$0x2] =	stream.linear.gather [hbm4b:s11+s3], $0x80, $0x38;
	[tilespmem:$0x18400] =	vst v63  }
0x26: {  	s13 =	sadd.s32 $0x10, s8;
	s11 =	simm.s32 $0x280  }
0x27: {  	[tilespmem:s11], [sflag:$0x6] =	stream.linear.gather [hbm4b:s13+s3], $0x80, $0x38;
	[tilespmem:$0x18400] =	vst v63  }
0x28: {  	s14 =	sadd.s32 $0x20, s6;
	s13 =	simm.s32 $0x100  }
0x29: {  	[tilespmem:s13], [sflag:$0x3] =	stream.linear.gather [hbm4b:s14+s3], $0x80, $0x38;
	[tilespmem:$0x18400] =	vst v63  }
0x2a: {  	s9 =	sadd.s32 $0x20, s8;
	s14 =	simm.s32 $0x300  }
0x2b: {  	[tilespmem:s14], [sflag:$0x7] =	stream.linear.gather [hbm4b:s9+s3], $0x80, $0x38;
	[tilespmem:$0x18400] =	vst v63  }
0x2c: {  	s6 =	sadd.s32 $0x30, s6;
	s9 =	simm.s32 $0x180  }
0x2d: {  	[tilespmem:s9], [sflag:$0x4] =	stream.linear.gather [hbm4b:s6+s3], $0x80, $0x38;
	[tilespmem:$0x18400] =	vst v63  }
0x2e: {  	s8 =	sadd.s32 $0x30, s8  }
0x2f: {  	[tilespmem:s17], [sflag:$0x8] =	stream.linear.gather [hbm4b:s8+s3], $0x80, $0x38;
	[tilespmem:$0x18400] =	vst v63  }
0x30: {  	_ =	swait.ge [sflag:s18], $0x80  }
0x31: {  	[sflag:s18] =	ssyncset.done $0x0  }
0x32: {  	[sflag:s18] =	ssyncadd.s32 $0xFFFFFF80  }
0x33: {  	[tilespmem:s19], [sflag:$0x9] =	stream.indirect.gather [hbm4b:s4+s12], $0x80, s3, s12, $0xb8;
	[tilespmem:$0x18400] =	vst v63  }
0x34: {  	_ =	swait.ge [sflag:s20], $0x80  }
0x35: {  	[sflag:s20] =	ssyncset.done $0x0  }
0x36: {  	[sflag:s20] =	ssyncadd.s32 $0xFFFFFF80  }
0x37: {  	[tilespmem:s21], [sflag:$0xA] =	stream.indirect.gather [hbm4b:s4+s12], $0x80, s12, s12, $0xb8;
	[tilespmem:$0x18400] =	vst v63  }
0x38: {  	_ =	swait.ge [sflag:s22], $0x80  }
0x39: {  	[sflag:s22] =	ssyncset.done $0x0  }
0x3a: {  	[sflag:s22] =	ssyncadd.s32 $0xFFFFFF80  }
0x3b: {  	[tilespmem:s23], [sflag:$0xB] =	stream.indirect.gather [hbm4b:s4+s12], $0x80, s13, s12, $0xb8;
	[tilespmem:$0x18400] =	vst v63  }
0x3c: {  	_ =	swait.ge [sflag:s24], $0x80  }
0x3d: {  	[sflag:s24] =	ssyncset.done $0x0  }
0x3e: {  	[sflag:s24] =	ssyncadd.s32 $0xFFFFFF80  }
0x3f: {  	[tilespmem:s25], [sflag:$0xC] =	stream.indirect.gather [hbm4b:s4+s12], $0x80, s9, s12, $0xb8;
	[tilespmem:$0x18400] =	vst v63  }
0x40: {  	_ =	swait.ge [sflag:s26], $0x4000  }
0x41: {  	[sflag:s26] =	ssyncset.done $0x0  }
0x42: {  	[sflag:s26] =	ssyncadd.s32 $0xFFFFC000  }
0x43: {  	_ =	swait.ge [sflag:s28], $0x80  }
0x44: {  	[sflag:s28] =	ssyncset.done $0x0  }
0x45: {  	[sflag:s28] =	ssyncadd.s32 $0xFFFFFF80  }
0x46: {  	[spmem:s1] =	stream.indirect.scatter.add.f32 [tilespmem:s19], [sflag:$0xD], $0x80, s7, s12, $0xb8;
	[tilespmem:$0x18400] =	vst v63  }
0x47: {  	_ =	swait.ge [sflag:s10], $0x4000  }
0x48: {  	[sflag:s10] =	ssyncset.done $0x0  }
0x49: {  	[sflag:s10] =	ssyncadd.s32 $0xFFFFC000  }
0x4a: {  	_ =	swait.ge [sflag:s29], $0x4000  }
0x4b: {  	[sflag:s29] =	ssyncset.done $0x0  }
0x4c: {  	[sflag:s29] =	ssyncadd.s32 $0xFFFFC000  }
0x4d: {  	_ =	swait.ge [sflag:s30], $0x80  }
0x4e: {  	[sflag:s30] =	ssyncset.done $0x0  }
0x4f: {  	[sflag:s30] =	ssyncadd.s32 $0xFFFFFF80  }
0x50: {  	[spmem:s1] =	stream.indirect.scatter.add.f32 [tilespmem:s21], [sflag:$0xD], $0x80, s11, s12, $0xb8;
	[tilespmem:$0x18400] =	vst v63  }
0x51: {  	_ =	swait.ge [sflag:s10], $0x4000  }
0x52: {  	[sflag:s10] =	ssyncset.done $0x0  }
0x53: {  	[sflag:s10] =	ssyncadd.s32 $0xFFFFC000  }
0x54: {  	_ =	swait.ge [sflag:s31], $0x4000  }
0x55: {  	[sflag:s31] =	ssyncset.done $0x0  }
0x56: {  	[sflag:s31] =	ssyncadd.s32 $0xFFFFC000  }
0x57: {  	_ =	swait.ge [sflag:s0], $0x80  }
0x58: {  	[sflag:s0] =	ssyncset.done $0x0  }
0x59: {  	[sflag:s0] =	ssyncadd.s32 $0xFFFFFF80  }
0x5a: {  	[spmem:s1] =	stream.indirect.scatter.add.f32 [tilespmem:s23], [sflag:$0xD], $0x80, s14, s12, $0xb8;
	[tilespmem:$0x18400] =	vst v63  }
0x5b: {  	_ =	swait.ge [sflag:s10], $0x4000  }
0x5c: {  	[sflag:s10] =	ssyncset.done $0x0  }
0x5d: {  	[sflag:s10] =	ssyncadd.s32 $0xFFFFC000  }
0x5e: {  	_ =	swait.ge [sflag:s2], $0x4000  }
0x5f: {  	[sflag:s2] =	ssyncset.done $0x0  }
0x60: {  	[sflag:s2] =	ssyncadd.s32 $0xFFFFC000  }
0x61: {  	_ =	swait.ge [sflag:s5], $0x80  }
0x62: {  	[sflag:s5] =	ssyncset.done $0x0  }
0x63: {  	[sflag:s5] =	ssyncadd.s32 $0xFFFFFF80  }
0x64: {  	[spmem:s1] =	stream.indirect.scatter.add.f32 [tilespmem:s25], [sflag:$0xD], $0x80, s17, s12, $0xb8;
	[tilespmem:$0x18400] =	vst v63  }
0x65: {  	s6 =	simm.s32 $0x80;
	_ =	swait.ge [sflag:s10], $0x4000  }
0x66: {  	s8 =	simm.s32 $0x40;
	s9 =	rddreg [dreg:$0x5];
	[sflag:s10] =	ssyncset.done $0x0  }
.LBB2_2:
0x67: {  	[sflag:s10] =	ssyncadd.s32 $0xFFFFC000;
	s11 =	rddreg [dreg:$0x6];
	s9 =	sadd.s32 s8, s9  }
0x68: {  	[tilespmem:s3], [sflag:$0x1] =	stream.linear.gather [hbm4b:s9+s3], $0x80, $0x38;
	[tilespmem:$0x18400] =	vst v63  }
0x69: {  	s13 =	simm.s32 $0x200;
	s11 =	sadd.s32 s8, s11  }
0x6a: {  	[tilespmem:s13], [sflag:$0x5] =	stream.linear.gather [hbm4b:s11+s3], $0x80, $0x38;
	[tilespmem:$0x18400] =	vst v63  }
0x6b: {  	s7 =	smov.u32 s6;
	s14 =	sadd.s32 $0x10, s9  }
0x6c: {  	[tilespmem:s12], [sflag:$0x2] =	stream.linear.gather [hbm4b:s14+s3], $0x80, $0x38;
	[tilespmem:$0x18400] =	vst v63  }
0x6d: {  	s8 =	smov.u32 s7;
	s7 =	sadd.s32 $0x10, s11;
	s14 =	simm.s32 $0x280  }
0x6e: {  	[tilespmem:s14], [sflag:$0x6] =	stream.linear.gather [hbm4b:s7+s3], $0x80, $0x38;
	[tilespmem:$0x18400] =	vst v63  }
0x6f: {  	s7 =	sadd.s32 $0x20, s9  }
0x70: {  	[tilespmem:s15], [sflag:$0x3] =	stream.linear.gather [hbm4b:s7+s3], $0x80, $0x38;
	[tilespmem:$0x18400] =	vst v63  }
0x71: {  	s7 =	sadd.s32 $0x20, s11  }
0x72: {  	[tilespmem:s16], [sflag:$0x7] =	stream.linear.gather [hbm4b:s7+s3], $0x80, $0x38;
	[tilespmem:$0x18400] =	vst v63  }
0x73: {  	s7 =	sadd.s32 $0x30, s9;
	s9 =	simm.s32 $0x180  }
0x74: {  	[tilespmem:s9], [sflag:$0x4] =	stream.linear.gather [hbm4b:s7+s3], $0x80, $0x38;
	[tilespmem:$0x18400] =	vst v63  }
0x75: {  	s11 =	sadd.s32 $0x30, s11  }
0x76: {  	[tilespmem:s17], [sflag:$0x8] =	stream.linear.gather [hbm4b:s11+s3], $0x80, $0x38;
	[tilespmem:$0x18400] =	vst v63  }
0x77: {  	_ =	swait.ge [sflag:s18], $0x80  }
0x78: {  	[sflag:s18] =	ssyncset.done $0x0  }
0x79: {  	[sflag:s18] =	ssyncadd.s32 $0xFFFFFF80  }
0x7a: {  	[tilespmem:s19], [sflag:$0x9] =	stream.indirect.gather [hbm4b:s4+s12], $0x80, s3, s12, $0xb8;
	[tilespmem:$0x18400] =	vst v63  }
0x7b: {  	_ =	swait.ge [sflag:s20], $0x80  }
0x7c: {  	[sflag:s20] =	ssyncset.done $0x0  }
0x7d: {  	[sflag:s20] =	ssyncadd.s32 $0xFFFFFF80  }
0x7e: {  	[tilespmem:s21], [sflag:$0xA] =	stream.indirect.gather [hbm4b:s4+s12], $0x80, s12, s12, $0xb8;
	[tilespmem:$0x18400] =	vst v63  }
0x7f: {  	_ =	swait.ge [sflag:s22], $0x80  }
0x80: {  	[sflag:s22] =	ssyncset.done $0x0  }
0x81: {  	[sflag:s22] =	ssyncadd.s32 $0xFFFFFF80  }
0x82: {  	[tilespmem:s23], [sflag:$0xB] =	stream.indirect.gather [hbm4b:s4+s12], $0x80, s15, s12, $0xb8;
	[tilespmem:$0x18400] =	vst v63  }
0x83: {  	_ =	swait.ge [sflag:s24], $0x80  }
0x84: {  	[sflag:s24] =	ssyncset.done $0x0  }
0x85: {  	[sflag:s24] =	ssyncadd.s32 $0xFFFFFF80  }
0x86: {  	[tilespmem:s25], [sflag:$0xC] =	stream.indirect.gather [hbm4b:s4+s12], $0x80, s9, s12, $0xb8;
	[tilespmem:$0x18400] =	vst v63  }
0x87: {  	_ =	swait.ge [sflag:s26], $0x4000  }
0x88: {  	[sflag:s26] =	ssyncset.done $0x0  }
0x89: {  	[sflag:s26] =	ssyncadd.s32 $0xFFFFC000  }
0x8a: {  	_ =	swait.ge [sflag:s28], $0x80  }
0x8b: {  	[sflag:s28] =	ssyncset.done $0x0  }
0x8c: {  	[sflag:s28] =	ssyncadd.s32 $0xFFFFFF80  }
0x8d: {  	[spmem:s1] =	stream.indirect.scatter.add.f32 [tilespmem:s19], [sflag:$0xD], $0x80, s13, s12, $0xb8;
	[tilespmem:$0x18400] =	vst v63  }
0x8e: {  	_ =	swait.ge [sflag:s10], $0x4000  }
0x8f: {  	[sflag:s10] =	ssyncset.done $0x0  }
0x90: {  	[sflag:s10] =	ssyncadd.s32 $0xFFFFC000  }
0x91: {  	_ =	swait.ge [sflag:s29], $0x4000  }
0x92: {  	[sflag:s29] =	ssyncset.done $0x0  }
0x93: {  	[sflag:s29] =	ssyncadd.s32 $0xFFFFC000  }
0x94: {  	_ =	swait.ge [sflag:s30], $0x80  }
0x95: {  	[sflag:s30] =	ssyncset.done $0x0  }
0x96: {  	[sflag:s30] =	ssyncadd.s32 $0xFFFFFF80  }
0x97: {  	[spmem:s1] =	stream.indirect.scatter.add.f32 [tilespmem:s21], [sflag:$0xD], $0x80, s14, s12, $0xb8;
	[tilespmem:$0x18400] =	vst v63  }
0x98: {  	_ =	swait.ge [sflag:s10], $0x4000  }
0x99: {  	[sflag:s10] =	ssyncset.done $0x0  }
0x9a: {  	[sflag:s10] =	ssyncadd.s32 $0xFFFFC000  }
0x9b: {  	_ =	swait.ge [sflag:s31], $0x4000  }
0x9c: {  	[sflag:s31] =	ssyncset.done $0x0  }
0x9d: {  	[sflag:s31] =	ssyncadd.s32 $0xFFFFC000  }
0x9e: {  	_ =	swait.ge [sflag:s0], $0x80  }
0x9f: {  	[sflag:s0] =	ssyncset.done $0x0  }
0xa0: {  	[sflag:s0] =	ssyncadd.s32 $0xFFFFFF80  }
0xa1: {  	[spmem:s1] =	stream.indirect.scatter.add.f32 [tilespmem:s23], [sflag:$0xD], $0x80, s16, s12, $0xb8;
	[tilespmem:$0x18400] =	vst v63  }
0xa2: {  	_ =	swait.ge [sflag:s10], $0x4000  }
0xa3: {  	[sflag:s10] =	ssyncset.done $0x0  }
0xa4: {  	[sflag:s10] =	ssyncadd.s32 $0xFFFFC000  }
0xa5: {  	_ =	swait.ge [sflag:s2], $0x4000  }
0xa6: {  	[sflag:s2] =	ssyncset.done $0x0  }
0xa7: {  	[sflag:s2] =	ssyncadd.s32 $0xFFFFC000  }
0xa8: {  	p0 =	sne.s32 s6, $0x1C0;
	_ =	swait.ge [sflag:s5], $0x80  }
.Ltmp0:
0xa9: {  	[sflag:s5] =	ssyncset.done $0x0;
	(pc) =	sbr.rel @p0 .LBB2_2-.Ltmp0, $4  }
0xaa: {  	[sflag:s5] =	ssyncadd.s32 $0xFFFFFF80  }
0xab: {  	[spmem:s1] =	stream.indirect.scatter.add.f32 [tilespmem:s25], [sflag:$0xD], $0x80, s17, s12, $0xb8;
	[tilespmem:$0x18400] =	vst v63  }
0xac: {  	_ =	swait.ge [sflag:s10], $0x4000  }
0xad: {  	s6 =	sadd.s32 $0x40, s6;
	s9 =	rddreg [dreg:$0x5];
	[sflag:s10] =	ssyncset.done $0x0  }
0xae: {  	s6 =	rddreg [dreg:$0x6];
	[sflag:s10] =	ssyncadd.s32 $0xFFFFC000;
	s7 =	sadd.s32 s8, s9  }
0xaf: {  	[tilespmem:s3], [sflag:$0x1] =	stream.linear.gather [hbm4b:s7+s3], $0x80, $0x38;
	[tilespmem:$0x18400] =	vst v63  }
0xb0: {  	s9 =	simm.s32 $0x200;
	s6 =	sadd.s32 s8, s6  }
0xb1: {  	[tilespmem:s9], [sflag:$0x5] =	stream.linear.gather [hbm4b:s6+s3], $0x80, $0x38;
	[tilespmem:$0x18400] =	vst v63  }
0xb2: {  	s11 =	sadd.s32 $0x10, s7  }
0xb3: {  	[tilespmem:s12], [sflag:$0x2] =	stream.linear.gather [hbm4b:s11+s3], $0x80, $0x38;
	[tilespmem:$0x18400] =	vst v63  }
0xb4: {  	s13 =	sadd.s32 $0x10, s6;
	s11 =	simm.s32 $0x280  }
0xb5: {  	[tilespmem:s11], [sflag:$0x6] =	stream.linear.gather [hbm4b:s13+s3], $0x80, $0x38;
	[tilespmem:$0x18400] =	vst v63  }
0xb6: {  	s14 =	sadd.s32 $0x20, s7;
	s13 =	simm.s32 $0x100  }
0xb7: {  	[tilespmem:s13], [sflag:$0x3] =	stream.linear.gather [hbm4b:s14+s3], $0x80, $0x38;
	[tilespmem:$0x18400] =	vst v63  }
0xb8: {  	s8 =	sadd.s32 $0x20, s6;
	s14 =	simm.s32 $0x300  }
0xb9: {  	[tilespmem:s14], [sflag:$0x7] =	stream.linear.gather [hbm4b:s8+s3], $0x80, $0x38;
	[tilespmem:$0x18400] =	vst v63  }
0xba: {  	s7 =	sadd.s32 $0x30, s7;
	s8 =	simm.s32 $0x180  }
0xbb: {  	[tilespmem:s8], [sflag:$0x4] =	stream.linear.gather [hbm4b:s7+s3], $0x80, $0x38;
	[tilespmem:$0x18400] =	vst v63  }
0xbc: {  	s6 =	sadd.s32 $0x30, s6  }
0xbd: {  	[tilespmem:s17], [sflag:$0x8] =	stream.linear.gather [hbm4b:s6+s3], $0x80, $0x38;
	[tilespmem:$0x18400] =	vst v63  }
0xbe: {  	_ =	swait.ge [sflag:s18], $0x80  }
0xbf: {  	[sflag:s18] =	ssyncset.done $0x0  }
0xc0: {  	[sflag:s18] =	ssyncadd.s32 $0xFFFFFF80  }
0xc1: {  	[tilespmem:s19], [sflag:$0x9] =	stream.indirect.gather [hbm4b:s4+s12], $0x80, s3, s12, $0xb8;
	[tilespmem:$0x18400] =	vst v63  }
0xc2: {  	_ =	swait.ge [sflag:s20], $0x80  }
0xc3: {  	[sflag:s20] =	ssyncset.done $0x0  }
0xc4: {  	[sflag:s20] =	ssyncadd.s32 $0xFFFFFF80  }
0xc5: {  	[tilespmem:s21], [sflag:$0xA] =	stream.indirect.gather [hbm4b:s4+s12], $0x80, s12, s12, $0xb8;
	[tilespmem:$0x18400] =	vst v63  }
0xc6: {  	_ =	swait.ge [sflag:s22], $0x80  }
0xc7: {  	[sflag:s22] =	ssyncset.done $0x0  }
0xc8: {  	[sflag:s22] =	ssyncadd.s32 $0xFFFFFF80  }
0xc9: {  	[tilespmem:s23], [sflag:$0xB] =	stream.indirect.gather [hbm4b:s4+s12], $0x80, s13, s12, $0xb8;
	[tilespmem:$0x18400] =	vst v63  }
0xca: {  	_ =	swait.ge [sflag:s24], $0x80  }
0xcb: {  	[sflag:s24] =	ssyncset.done $0x0  }
0xcc: {  	[sflag:s24] =	ssyncadd.s32 $0xFFFFFF80  }
0xcd: {  	[tilespmem:s25], [sflag:$0xC] =	stream.indirect.gather [hbm4b:s4+s12], $0x80, s8, s12, $0xb8;
	[tilespmem:$0x18400] =	vst v63  }
0xce: {  	_ =	swait.ge [sflag:s26], $0x4000  }
0xcf: {  	[sflag:s26] =	ssyncset.done $0x0  }
0xd0: {  	[sflag:s26] =	ssyncadd.s32 $0xFFFFC000  }
0xd1: {  	_ =	swait.ge [sflag:s28], $0x80  }
0xd2: {  	[sflag:s28] =	ssyncset.done $0x0  }
0xd3: {  	[sflag:s28] =	ssyncadd.s32 $0xFFFFFF80  }
0xd4: {  	[spmem:s1] =	stream.indirect.scatter.add.f32 [tilespmem:s19], [sflag:$0xD], $0x80, s9, s12, $0xb8;
	[tilespmem:$0x18400] =	vst v63  }
0xd5: {  	_ =	swait.ge [sflag:s10], $0x4000  }
0xd6: {  	[sflag:s10] =	ssyncset.done $0x0  }
0xd7: {  	[sflag:s10] =	ssyncadd.s32 $0xFFFFC000  }
0xd8: {  	_ =	swait.ge [sflag:s29], $0x4000  }
0xd9: {  	[sflag:s29] =	ssyncset.done $0x0  }
0xda: {  	[sflag:s29] =	ssyncadd.s32 $0xFFFFC000  }
0xdb: {  	_ =	swait.ge [sflag:s30], $0x80  }
0xdc: {  	[sflag:s30] =	ssyncset.done $0x0  }
0xdd: {  	[sflag:s30] =	ssyncadd.s32 $0xFFFFFF80  }
0xde: {  	[spmem:s1] =	stream.indirect.scatter.add.f32 [tilespmem:s21], [sflag:$0xD], $0x80, s11, s12, $0xb8;
	[tilespmem:$0x18400] =	vst v63  }
0xdf: {  	_ =	swait.ge [sflag:s10], $0x4000  }
0xe0: {  	[sflag:s10] =	ssyncset.done $0x0  }
0xe1: {  	[sflag:s10] =	ssyncadd.s32 $0xFFFFC000  }
0xe2: {  	_ =	swait.ge [sflag:s31], $0x4000  }
0xe3: {  	[sflag:s31] =	ssyncset.done $0x0  }
0xe4: {  	[sflag:s31] =	ssyncadd.s32 $0xFFFFC000  }
0xe5: {  	_ =	swait.ge [sflag:s0], $0x80  }
0xe6: {  	[sflag:s0] =	ssyncset.done $0x0  }
0xe7: {  	[sflag:s0] =	ssyncadd.s32 $0xFFFFFF80  }
0xe8: {  	[spmem:s1] =	stream.indirect.scatter.add.f32 [tilespmem:s23], [sflag:$0xD], $0x80, s14, s12, $0xb8;
	[tilespmem:$0x18400] =	vst v63  }
0xe9: {  	_ =	swait.ge [sflag:s10], $0x4000  }
0xea: {  	[sflag:s10] =	ssyncset.done $0x0  }
0xeb: {  	[sflag:s10] =	ssyncadd.s32 $0xFFFFC000  }
0xec: {  	_ =	swait.ge [sflag:s2], $0x4000  }
0xed: {  	[sflag:s2] =	ssyncset.done $0x0  }
0xee: {  	[sflag:s2] =	ssyncadd.s32 $0xFFFFC000  }
0xef: {  	_ =	swait.ge [sflag:s5], $0x80  }
0xf0: {  	[sflag:s5] =	ssyncset.done $0x0  }
0xf1: {  	[sflag:s5] =	ssyncadd.s32 $0xFFFFFF80  }
0xf2: {  	[spmem:s1] =	stream.indirect.scatter.add.f32 [tilespmem:s25], [sflag:$0xD], $0x80, s17, s12, $0xb8;
	[tilespmem:$0x18400] =	vst v63  }
0xf3: {  	_ =	swait.ge [sflag:s10], $0x4000  }
0xf4: {  	[sflag:s10] =	ssyncset.done $0x0  }
0xf5: {  	[sflag:s10] =	ssyncadd.s32 $0xFFFFC000  }
0xf6: {  	[bflag:$0x0] =	sbarrier.arrive $0xFFFF  }
0xf7: {  	s7 =	rddreg [dreg:$0x8]  }
0xf8: {  	s11 =	rddreg [dreg:$0x9]  }
0xf9: {  	s8 =	rddreg [dreg:$0xb]  }
0xfa: {  	[hbm:s11], [sflag:s7] =	dma.local [spmem:s8], $0x1000  }
0xfb: {  	_ =	swait.ge [sflag:s10], $0x1000  }
0xfc: {  	s13 =	rddreg [dreg:$0xc]  }
0xfd: {  	s14 =	rddreg [dreg:$0xa];
	s9 =	sadd.s32 $0x1, s13  }
0xfe: {  	p0 =	sne.s32 s9, s14  }
.Ltmp1:
0xff: {  	_ = 	snop;
	(pc) =	sbr.rel @p0 .LBB2_1-.Ltmp1, $3  }
0x100: {  	_ =	sdelay $0x1  }
0x101: {  	[sflag:s10] =	ssyncset.done $0x0  }
0x102: {  	[sflag:s10] =	ssyncadd.s32 $0xFFFFF000  }
0x103: {  	_ =	sfence.sel $0x180000  }
0x104: {  	[bflag:$0x0] =	sbarrier.arrive $0xFFFF  }
0x105: {  	_ =	strace $0x9000004D  }
0x106: {  	s0 =	stileid.u32;
	[bflag:$0x2] =	sbarrier.arrive $0xFFFF  }
0x107: {  	p0 =	sne.s32 s0, $0x0;
	s0 =	rddreg [dreg:$0x4]  }
0x108: {  	s0 =	sadd.s32 @!p0 $0x100000, s0  }
0x109: {  	[sflag:s0] =	ssyncadd.tile.s32 @!p0 $0x1;
	_ =	shalt  }
.Lfunc_end2:
_tile_overlayer_lowered:
.L_overlay_start_2:
0x10a: {  	(tag) =	ssettag $0x2  }
0x10b: {  	s0 =	rddreg [dreg:$0x0];
	s2 =	stileid.u32  }
0x10c: {  	s1 =	rddreg [dreg:$0x1];
	p0 =	sne.s32 s2, $0x0  }
0x10d: {  	s3 =	rddreg [dreg:$0x2];
	[bflag:$0x3] =	sbarrier.arrive $0xFFFF;
	s2 =	simm.s32 @!p0 $0x1C0D  }
0x10e: {  	[timem:s3], [sflag:s2] =	dma.local @!p0 [hbm:s0], s1  }
0x10f: {  	s0 =	simm.s32 @!p0 $0xD  }
0x110: {  	_ =	swait.ge @!p0 [sflag:s0], s1  }
0x111: {  	s1 =	ssub.s32 @!p0 $0x0, s1;
	[sflag:s0] =	ssyncset.done @!p0 $0x0  }
0x112: {  	[sflag:s0] =	ssyncadd.s32 @!p0 s1  }
0x113: {  	[bflag:$0x3] =	sbarrier.arrive $0xFFFF  }
0x114: {  	_ =	shalt  }

</sc_bundles>
